<compile_context>
chip_gen: v7x
topology: tpu7x:2x2x1
jax: 0.10.2.dev20260603
libtpu: 0.0.44.dev20260713+nightly
codegen_flags: <defaults>
</compile_context>

<pallas_src>
import functools

import jax
import jax.numpy as jnp
from jax import lax
from jax.experimental import pallas as pl
from jax.experimental.pallas import tpu as pltpu
from jax.experimental.pallas import tpu_sc as plsc

N_NODES = 10000
N_EDGES = 320000
D_FEAT = 128
D_EDGE = 16
HIDDEN = 64

NC = 2
NS = 16
NW = NC * NS
NPAD = 10240
RPT = NPAD // NS
EPW = N_EDGES // NW
CH = 400
NCHUNK = EPW // CH
ZR = 160

BLK = 1000
NBLK = N_NODES // BLK


def _sc_mesh():
    return plsc.VectorSubcoreMesh(core_axis_name="c", subcore_axis_name="s")


_SC_PARAMS = pltpu.CompilerParams(use_tc_tiling_on_sc=False)


def _fill_rows(buf, rows, cols, value):
    v = jnp.full((16,), value, jnp.float32)

    def body(i, carry):
        for k in range(cols // 16):
            buf[i, pl.ds(k * 16, 16)] = v
        return carry

    lax.fori_loop(0, rows, body, 0)


CH1 = 2000
NCHUNK1 = EPW // CH1


def _edge_agg_sc(row, edge_attr):
    out_type = [
        jax.ShapeDtypeStruct((NC, NPAD, D_EDGE), jnp.float32),
        jax.ShapeDtypeStruct((NC, NPAD, 16), jnp.float32),
    ]
    scratch = [
        pltpu.VMEM((EPW,), jnp.int32),
        pltpu.VMEM((CH1, D_EDGE), jnp.float32),
        pltpu.VMEM((CH1, D_EDGE), jnp.float32),
        pltpu.VMEM((CH1, 16), jnp.float32),
        pltpu.VMEM((ZR, 16), jnp.float32),
        pltpu.VMEM_SHARED((NPAD, D_EDGE), jnp.float32),
        pltpu.VMEM_SHARED((NPAD, 16), jnp.float32),
        pltpu.SemaphoreType.DMA,
        pltpu.SemaphoreType.DMA,
    ]

    @functools.partial(pl.kernel, out_type=out_type, mesh=_sc_mesh(),
                       scratch_types=scratch, compiler_params=_SC_PARAMS)
    def k(row_h, ea_h, out_e, out_c, rix, e0, e1, obuf, zbuf,
          acc_e, acc_c, sl0, sl1):
        cid = lax.axis_index("c")
        sid = lax.axis_index("s")
        w = cid * NS + sid
        eb, sl = (e0, e1), (sl0, sl1)
        pltpu.sync_copy(row_h.at[pl.ds(w * EPW, EPW)], rix)
        _fill_rows(zbuf, ZR, 16, 0.0)
        _fill_rows(obuf, CH1, 16, 1.0)
        r0 = sid * RPT
        for q in range(RPT // ZR):
            pltpu.sync_copy(zbuf, acc_e.at[pl.ds(r0 + q * ZR, ZR)])
            pltpu.sync_copy(zbuf, acc_c.at[pl.ds(r0 + q * ZR, ZR)])
        plsc.subcore_barrier()
        base0 = w * EPW
        dl = [None] * NCHUNK1
        dl[0] = pltpu.async_copy(ea_h.at[pl.ds(base0, CH1)], eb[0], sl[0])
        for j in range(NCHUNK1):
            b = j % 2
            dl[j].wait()
            if j + 1 < NCHUNK1:
                dl[j + 1] = pltpu.async_copy(
                    ea_h.at[pl.ds(base0 + (j + 1) * CH1, CH1)], eb[1 - b],
                    sl[1 - b])
            ridx = rix.at[pl.ds(j * CH1, CH1)]
            pltpu.sync_copy(eb[b], acc_e.at[ridx], add=True)
            pltpu.sync_copy(obuf, acc_c.at[ridx], add=True)
        plsc.subcore_barrier()
        pltpu.sync_copy(acc_e.at[pl.ds(r0, RPT)], out_e.at[cid, pl.ds(r0, RPT)])
        pltpu.sync_copy(acc_c.at[pl.ds(r0, RPT)], out_c.at[cid, pl.ds(r0, RPT)])

    return k(row, edge_attr)


def _seg_sum_sc(row, col, table):
    d = HIDDEN
    out_type = jax.ShapeDtypeStruct((NC, NPAD, d), jnp.float32)
    scratch = [
        pltpu.VMEM((EPW,), jnp.int32),
        pltpu.VMEM((EPW,), jnp.int32),
        pltpu.VMEM((CH, d), jnp.float32),
        pltpu.VMEM((CH, d), jnp.float32),
        pltpu.VMEM((ZR, d), jnp.float32),
        pltpu.VMEM_SHARED((NPAD, d), jnp.float32),
        pltpu.SemaphoreType.DMA,
        pltpu.SemaphoreType.DMA,
        pltpu.SemaphoreType.DMA,
        pltpu.SemaphoreType.DMA,
    ]

    @functools.partial(pl.kernel, out_type=out_type, mesh=_sc_mesh(),
                       scratch_types=scratch, compiler_params=_SC_PARAMS)
    def k(row_h, col_h, tab, out, rix, cix, g0, g1, zbuf, acc, sg0, sg1,
          ss0, ss1):
        cid = lax.axis_index("c")
        sid = lax.axis_index("s")
        w = cid * NS + sid
        r0 = sid * RPT
        gb, sg, ss = (g0, g1), (sg0, sg1), (ss0, ss1)
        base0 = w * EPW
        pltpu.sync_copy(row_h.at[pl.ds(base0, EPW)], rix)
        pltpu.sync_copy(col_h.at[pl.ds(base0, EPW)], cix)
        _fill_rows(zbuf, ZR, d, 0.0)
        for q in range(RPT // ZR):
            pltpu.sync_copy(zbuf, acc.at[pl.ds(r0 + q * ZR, ZR)])
        plsc.subcore_barrier()
        dg = [None] * NCHUNK
        ds = [None] * NCHUNK
        dg[0] = pltpu.async_copy(tab.at[rix.at[pl.ds(0, CH)]], gb[0], sg[0])
        for j in range(NCHUNK):
            b = j % 2
            dg[j].wait()
            if j + 1 < NCHUNK:
                if j >= 1:
                    ds[j - 1].wait()
                dg[j + 1] = pltpu.async_copy(
                    tab.at[rix.at[pl.ds((j + 1) * CH, CH)]],
                    gb[1 - b], sg[1 - b])
            ds[j] = pltpu.async_copy(gb[b], acc.at[cix.at[pl.ds(j * CH, CH)]],
                                     ss[b], add=True)
        ds[NCHUNK - 1].wait()
        if NCHUNK > 1:
            ds[NCHUNK - 2].wait()
        plsc.subcore_barrier()
        pltpu.sync_copy(acc.at[pl.ds(r0, RPT)], out.at[cid, pl.ds(r0, RPT)])

    return k(row, col, table)


def _u1_tc(xp, pe, pc, w1a, w1b):
    def body(x_ref, pe_ref, pc_ref, w1a_ref, w1b_ref, u_ref):
        s = pe_ref[0] + pe_ref[1]
        c = pc_ref[0] + pc_ref[1]
        em = s / jnp.maximum(c[:, 0:1], 1.0)
        u_ref[...] = (jnp.dot(x_ref[...], w1a_ref[...],
                              preferred_element_type=jnp.float32)
                      + jnp.dot(em, w1b_ref[...],
                                preferred_element_type=jnp.float32))

    full = lambda shape: pl.BlockSpec(shape, lambda i: tuple(0 for _ in shape))
    return pl.pallas_call(
        body,
        grid=(NBLK,),
        in_specs=[
            pl.BlockSpec((BLK, D_FEAT), lambda i: (i, 0)),
            pl.BlockSpec((NC, BLK, D_EDGE), lambda i: (0, i, 0)),
            pl.BlockSpec((NC, BLK, 16), lambda i: (0, i, 0)),
            full((D_FEAT, HIDDEN)),
            full((D_EDGE, HIDDEN)),
        ],
        out_specs=pl.BlockSpec((BLK, HIDDEN), lambda i: (i, 0)),
        out_shape=jax.ShapeDtypeStruct((N_NODES, HIDDEN), jnp.float32),
    )(xp, pe, pc, w1a, w1b)


def _layer_tc(u, s, b1, w2, b2, w1n):
    def body(u_ref, s_ref, b1_ref, w2_ref, b2_ref, w1n_ref, un_ref):
        z = u_ref[...] + s_ref[0] + s_ref[1] + b1_ref[...]
        a = jnp.maximum(z, 0.0)
        t = jnp.dot(a, w2_ref[...], preferred_element_type=jnp.float32) + b2_ref[...]
        h = jnp.maximum(t, 0.0)
        un_ref[...] = jnp.dot(h, w1n_ref[...], preferred_element_type=jnp.float32)

    full = lambda shape: pl.BlockSpec(shape, lambda i: tuple(0 for _ in shape))
    return pl.pallas_call(
        body,
        grid=(NBLK,),
        in_specs=[
            pl.BlockSpec((BLK, HIDDEN), lambda i: (i, 0)),
            pl.BlockSpec((NC, BLK, HIDDEN), lambda i: (0, i, 0)),
            full((1, HIDDEN)),
            full((HIDDEN, HIDDEN)),
            full((1, HIDDEN)),
            full((HIDDEN, HIDDEN)),
        ],
        out_specs=pl.BlockSpec((BLK, HIDDEN), lambda i: (i, 0)),
        out_shape=jax.ShapeDtypeStruct((N_NODES, HIDDEN), jnp.float32),
    )(u, s, b1, w2, b2, w1n)


def _pool_clf_tc(h, wc1, bc1, wc2, bc2):
    def body(h_ref, wc1_ref, bc1_ref, wc2_ref, bc2_ref, o_ref, acc):
        i = pl.program_id(0)

        @pl.when(i == 0)
        def _():
            acc[...] = jnp.zeros_like(acc)

        acc[...] += jnp.sum(h_ref[...], axis=0, keepdims=True)

        @pl.when(i == NBLK - 1)
        def _():
            pooled = acc[...] * (1.0 / N_NODES)
            l1 = jnp.maximum(
                jnp.dot(pooled, wc1_ref[...], preferred_element_type=jnp.float32)
                + bc1_ref[...], 0.0)
            o_ref[...] = (jnp.dot(l1, wc2_ref[...],
                                  preferred_element_type=jnp.float32)
                          + bc2_ref[...])

    full = lambda shape: pl.BlockSpec(shape, lambda i: tuple(0 for _ in shape))
    return pl.pallas_call(
        body,
        grid=(NBLK,),
        in_specs=[
            pl.BlockSpec((BLK, HIDDEN), lambda i: (i, 0)),
            full((HIDDEN, 128)),
            full((1, 128)),
            full((128, 128)),
            full((1, 128)),
        ],
        out_specs=pl.BlockSpec((1, 128), lambda i: (0, 0)),
        out_shape=jax.ShapeDtypeStruct((1, 128), jnp.float32),
        scratch_shapes=[pltpu.VMEM((1, HIDDEN), jnp.float32)],
    )(h, wc1, bc1, wc2, bc2)


def _fold_bn(p):
    s = p['gamma'] * jax.lax.rsqrt(p['rv'] + 1e-5)
    w2 = p['W2'] * s[None, :]
    b2 = p['b2'] * s + p['beta'] - p['rm'] * s
    return w2, b2


def kernel(x, edge_attr, params, edge_index, batch):
    row = edge_index[0]
    col = edge_index[1]
    layers = params['layers']

    pe, pc = _edge_agg_sc(row, edge_attr)

    p0 = layers[0]
    u1 = _u1_tc(x, pe, pc, p0['W1'][:D_FEAT], p0['W1'][D_FEAT:])

    w2b2 = [_fold_bn(p) for p in layers]
    b1s = jnp.stack([p['b1'][None, :] for p in layers])
    w2s = jnp.stack([w for w, _ in w2b2])
    b2s = jnp.stack([b[None, :] for _, b in w2b2])
    w1n = jnp.stack([layers[1]['W1'], layers[2]['W1'],
                     jnp.eye(HIDDEN, dtype=jnp.float32)])

    def step(u, ws):
        b1_i, w2_i, b2_i, w1n_i = ws
        s = _seg_sum_sc(row, col, u)
        un = _layer_tc(u, s, b1_i, w2_i, b2_i, w1n_i)
        return un, None

    h3, _ = lax.scan(step, u1, (b1s, w2s, b2s, w1n))

    c = params['clf']
    wc1 = jnp.zeros((HIDDEN, 128), jnp.float32).at[:, :HIDDEN // 2].set(c['W1'])
    bc1 = jnp.zeros((1, 128), jnp.float32).at[0, :HIDDEN // 2].set(c['b1'])
    wc2 = jnp.zeros((128, 128), jnp.float32).at[:HIDDEN // 2, :2].set(c['W2'])
    bc2 = jnp.zeros((1, 128), jnp.float32).at[0, :2].set(c['b2'])
    out = _pool_clf_tc(h3, wc1, bc1, wc2, bc2)
    return out[:, :2]

# --- scband reference (transcript-rebuilt; emitter-appended) ---
"""Pipeline reference for scband-aml-gin-78769700208815 (READ-ONLY COPY).

The authoritative reference and input builder live on the scoring server;
editing this copy changes nothing except your own understanding.
"""

import jax, jax.numpy as jnp
import numpy as np

N_NODES = 10000
N_EDGES = 320000
D_FEAT = 128
D_EDGE = 16
HIDDEN = 64
NUM_LAYERS = 3
NUM_CLASSES = 2


def setup_inputs(seed: int = 0) -> dict:
    key = jax.random.key(seed)
    ks = jax.random.split(key, 32)
    x = jax.random.normal(ks[0], (N_NODES, D_FEAT), dtype=jnp.float32)
    edge_index = jax.random.randint(ks[1], (2, N_EDGES), 0, N_NODES, dtype=jnp.int32)
    edge_attr = jax.random.normal(ks[2], (N_EDGES, D_EDGE), dtype=jnp.float32)
    batch = jnp.zeros((N_NODES,), dtype=jnp.int32)
    in_dims = [D_FEAT + D_EDGE] + [HIDDEN] * (NUM_LAYERS - 1)
    layers = []
    for i in range(NUM_LAYERS):
        k1, k2 = jax.random.split(jax.random.fold_in(key, 100 + i))
        layers.append({
            'W1': jax.random.normal(k1, (in_dims[i], HIDDEN), dtype=jnp.float32) * 0.05,
            'b1': jnp.zeros((HIDDEN,), dtype=jnp.float32),
            'W2': jax.random.normal(k2, (HIDDEN, HIDDEN), dtype=jnp.float32) * 0.05,
            'b2': jnp.zeros((HIDDEN,), dtype=jnp.float32),
            'gamma': jnp.ones((HIDDEN,), dtype=jnp.float32),
            'beta': jnp.zeros((HIDDEN,), dtype=jnp.float32),
            'rm': jnp.zeros((HIDDEN,), dtype=jnp.float32),
            'rv': jnp.ones((HIDDEN,), dtype=jnp.float32),
        })
    kc1, kc2 = jax.random.split(jax.random.fold_in(key, 999))
    clf = {
        'W1': jax.random.normal(kc1, (HIDDEN, HIDDEN // 2), dtype=jnp.float32) * 0.05,
        'b1': jnp.zeros((HIDDEN // 2,), dtype=jnp.float32),
        'W2': jax.random.normal(kc2, (HIDDEN // 2, NUM_CLASSES), dtype=jnp.float32) * 0.05,
        'b2': jnp.zeros((NUM_CLASSES,), dtype=jnp.float32),
    }
    params = {'layers': layers, 'clf': clf}
    return {'x': x, 'edge_attr': edge_attr, 'params': params, 'edge_index': edge_index, 'batch': batch}


def reference(x, edge_attr, params, edge_index, batch):
    # eval mode: dropout = identity, BatchNorm uses running stats
    n = x.shape[0]
    row = edge_index[0]
    col = edge_index[1]
    # mean-aggregate edge features onto source nodes (scatter_add / count)
    edge_agg = jax.ops.segment_sum(edge_attr, row, num_segments=n)
    counts = jax.ops.segment_sum(jnp.ones((row.shape[0], 1), dtype=jnp.float32), row, num_segments=n)
    edge_agg = edge_agg / jnp.clip(counts, 1.0, None)
    h = jnp.concatenate([x, edge_agg], axis=1)
    eps = 0.0  # GINConv default eps, not trainable
    for i in range(NUM_LAYERS):
        p = params['layers'][i]
        # GIN message passing: sum x_j (source=row) into target=col
        agg = jax.ops.segment_sum(h[row], col, num_segments=n)
        z = (1.0 + eps) * h + agg
        z = jnp.maximum(z @ p['W1'] + p['b1'], 0.0)
        z = z @ p['W2'] + p['b2']
        z = (z - p['rm']) / jnp.sqrt(p['rv'] + 1e-5) * p['gamma'] + p['beta']
        h = jnp.maximum(z, 0.0)
    # global_mean_pool with batch == zeros -> mean over all nodes
    pooled = jnp.mean(h, axis=0, keepdims=True)
    c = params['clf']
    out = jnp.maximum(pooled @ c['W1'] + c['b1'], 0.0) @ c['W2'] + c['b2']
    return out

if __name__ == "__main__":
    import jax
    _d = setup_inputs()
    print(jax.jit(kernel)(*tuple(_d.values())))

</pallas_src>

<mosaic_0001>
#map = affine_map<(d0, d1) -> (0)>
#map1 = affine_map<(d0, d1) -> (0, 0)>
#map2 = affine_map<(d0, d1) -> (0, 0, 0)>
module attributes {stable_mosaic.version = 14 : i64} {
  func.func @k(%arg0: i32, %arg1: i32, %arg2: memref<320000xi32, #tpu.memory_space<hbm>>, %arg3: memref<320000xi32, #tpu.memory_space<hbm>>, %arg4: memref<10000x64xf32, #tpu.memory_space<hbm>>, %arg5: memref<2x10240x64xf32, #tpu.memory_space<hbm>>, %arg6: memref<10000xi32, #tpu.memory_space<vmem>>, %arg7: memref<10000xi32, #tpu.memory_space<vmem>>, %arg8: memref<400x64xf32, #tpu.memory_space<vmem>>, %arg9: memref<400x64xf32, #tpu.memory_space<vmem>>, %arg10: memref<160x64xf32, #tpu.memory_space<vmem>>, %arg11: memref<10240x64xf32, #tpu.memory_space<vmem_shared>>, %arg12: memref<!tpu.dma_semaphore, #tpu.memory_space<semaphore_mem>>, %arg13: memref<!tpu.dma_semaphore, #tpu.memory_space<semaphore_mem>>, %arg14: memref<!tpu.dma_semaphore, #tpu.memory_space<semaphore_mem>>, %arg15: memref<!tpu.dma_semaphore, #tpu.memory_space<semaphore_mem>>) attributes {dimension_semantics = [#tpu.dimension_semantics<core_parallel>, #tpu.dimension_semantics<subcore_parallel>], iteration_bounds = array<i64: 2, 16>, scalar_prefetch = 0 : i64, scratch_operands = 10 : i64, tpu.core_type = #tpu.core_type<sc_vector_subcore>, window_params = [{transform_indices = #map}, {transform_indices = #map}, {transform_indices = #map1}, {transform_indices = #map2}]} {
    %mul3A = arith.constant 16 : i32
    %mul3A_0 = arith.muli %arg0, %mul3A : i32
    %add3A = arith.addi %mul3A_0, %arg1 : i32
    %mul3A_1 = arith.constant 640 : i32
    %mul3A_2 = arith.muli %arg1, %mul3A_1 : i32
    %mul3A_3 = arith.constant 10000 : i32
    %mul3A_4 = arith.muli %add3A, %mul3A_3 : i32
    "tpu.region"() ({
      %run_scoped3A = tpu.sem_alloc : memref<!tpu.dma_semaphore, #tpu.memory_space<semaphore_mem>>
      %dma_start3A_518 = tpu.memref_slice %arg2[%mul3A_4] : memref<320000xi32, #tpu.memory_space<hbm>> -> memref<10000xi32, #tpu.memory_space<hbm>>
      %dma_start3A_519 = tpu.memref_slice %arg2[%mul3A_4] : memref<320000xi32, #tpu.memory_space<hbm>> -> memref<10000xi32, #tpu.memory_space<hbm>>
      tpu.enqueue_dma source(%dma_start3A_519 : memref<10000xi32, #tpu.memory_space<hbm>>) target(%arg6 : memref<10000xi32, #tpu.memory_space<vmem>>) target_semaphore(%run_scoped3A : memref<!tpu.dma_semaphore, #tpu.memory_space<semaphore_mem>>)
      %dma_wait3A_520 = tpu.memref_slice %arg2[%mul3A_4] : memref<320000xi32, #tpu.memory_space<hbm>> -> memref<10000xi32, #tpu.memory_space<hbm>>
      %dma_wait3A_521 = tpu.memref_slice %arg2[%mul3A_4] : memref<320000xi32, #tpu.memory_space<hbm>> -> memref<10000xi32, #tpu.memory_space<hbm>>
      tpu.wait_dma2 semaphore(%run_scoped3A : memref<!tpu.dma_semaphore, #tpu.memory_space<semaphore_mem>>) src(%dma_wait3A_521 : memref<10000xi32, #tpu.memory_space<hbm>>) dst(%arg6 : memref<10000xi32, #tpu.memory_space<vmem>>)
      tpu.yield
    }) : () -> ()
    "tpu.region"() ({
      %run_scoped3A = tpu.sem_alloc : memref<!tpu.dma_semaphore, #tpu.memory_space<semaphore_mem>>
      %dma_start3A_518 = tpu.memref_slice %arg3[%mul3A_4] : memref<320000xi32, #tpu.memory_space<hbm>> -> memref<10000xi32, #tpu.memory_space<hbm>>
      %dma_start3A_519 = tpu.memref_slice %arg3[%mul3A_4] : memref<320000xi32, #tpu.memory_space<hbm>> -> memref<10000xi32, #tpu.memory_space<hbm>>
      tpu.enqueue_dma source(%dma_start3A_519 : memref<10000xi32, #tpu.memory_space<hbm>>) target(%arg7 : memref<10000xi32, #tpu.memory_space<vmem>>) target_semaphore(%run_scoped3A : memref<!tpu.dma_semaphore, #tpu.memory_space<semaphore_mem>>)
      %dma_wait3A_520 = tpu.memref_slice %arg3[%mul3A_4] : memref<320000xi32, #tpu.memory_space<hbm>> -> memref<10000xi32, #tpu.memory_space<hbm>>
      %dma_wait3A_521 = tpu.memref_slice %arg3[%mul3A_4] : memref<320000xi32, #tpu.memory_space<hbm>> -> memref<10000xi32, #tpu.memory_space<hbm>>
      tpu.wait_dma2 semaphore(%run_scoped3A : memref<!tpu.dma_semaphore, #tpu.memory_space<semaphore_mem>>) src(%dma_wait3A_521 : memref<10000xi32, #tpu.memory_space<hbm>>) dst(%arg7 : memref<10000xi32, #tpu.memory_space<vmem>>)
      tpu.yield
    }) : () -> ()
    %broadcast_in_dim3A = arith.constant 0.000000e+00 : f32
    %broadcast_in_dim3A_5 = vector.broadcast %broadcast_in_dim3A : f32 to vector<16xf32>
    %scan3A = arith.constant 0 : i32
    %scan3A_6 = arith.constant 0 : i32
    %scan3A_7 = arith.constant 160 : i32
    %scan3A_8 = arith.addi %scan3A_6, %scan3A_7 : i32
    %scan3A_9 = arith.constant 1 : i32
    scf.for %scan3A_518 = %scan3A_6 to %scan3A_8 step %scan3A_9  : i32 {
      %swap3A = arith.index_cast %scan3A_518 : i32 to index
      %swap3A_519 = arith.constant 0 : index
      %swap3A_520 = tpu.vector_load %arg10[%swap3A, %swap3A_519] {strides = array<i32>} : memref<160x64xf32, #tpu.memory_space<vmem>>, vector<1x16xf32>,
      %swap3A_521 = vector.shape_cast %swap3A_520 : vector<1x16xf32> to vector<16xf32>
      %swap3A_522 = vector.shape_cast %broadcast_in_dim3A_5 : vector<16xf32> to vector<1x16xf32>
      tpu.vector_store %arg10[%swap3A, %swap3A_519], %swap3A_522 {strides = array<i32>} : memref<160x64xf32, #tpu.memory_space<vmem>>, vector<1x16xf32>,
      %swap3A_523 = arith.index_cast %scan3A_518 : i32 to index
      %swap3A_524 = arith.constant 16 : index
      %swap3A_525 = tpu.vector_load %arg10[%swap3A_523, %swap3A_524] {strides = array<i32>} : memref<160x64xf32, #tpu.memory_space<vmem>>, vector<1x16xf32>,
      %swap3A_526 = vector.shape_cast %swap3A_525 : vector<1x16xf32> to vector<16xf32>
      %swap3A_527 = vector.shape_cast %broadcast_in_dim3A_5 : vector<16xf32> to vector<1x16xf32>
      tpu.vector_store %arg10[%swap3A_523, %swap3A_524], %swap3A_527 {strides = array<i32>} : memref<160x64xf32, #tpu.memory_space<vmem>>, vector<1x16xf32>,
      %swap3A_528 = arith.index_cast %scan3A_518 : i32 to index
      %swap3A_529 = arith.constant 32 : index
      %swap3A_530 = tpu.vector_load %arg10[%swap3A_528, %swap3A_529] {strides = array<i32>} : memref<160x64xf32, #tpu.memory_space<vmem>>, vector<1x16xf32>,
      %swap3A_531 = vector.shape_cast %swap3A_530 : vector<1x16xf32> to vector<16xf32>
      %swap3A_532 = vector.shape_cast %broadcast_in_dim3A_5 : vector<16xf32> to vector<1x16xf32>
      tpu.vector_store %arg10[%swap3A_528, %swap3A_529], %swap3A_532 {strides = array<i32>} : memref<160x64xf32, #tpu.memory_space<vmem>>, vector<1x16xf32>,
      %swap3A_533 = arith.index_cast %scan3A_518 : i32 to index
      %swap3A_534 = arith.constant 48 : index
      %swap3A_535 = tpu.vector_load %arg10[%swap3A_533, %swap3A_534] {strides = array<i32>} : memref<160x64xf32, #tpu.memory_space<vmem>>, vector<1x16xf32>,
      %swap3A_536 = vector.shape_cast %swap3A_535 : vector<1x16xf32> to vector<16xf32>
      %swap3A_537 = vector.shape_cast %broadcast_in_dim3A_5 : vector<16xf32> to vector<1x16xf32>
      tpu.vector_store %arg10[%swap3A_533, %swap3A_534], %swap3A_537 {strides = array<i32>} : memref<160x64xf32, #tpu.memory_space<vmem>>, vector<1x16xf32>,
    }
    %scan3A_10 = arith.constant 160 : i32
    %add3A_11 = arith.constant 0 : i32
    %add3A_12 = arith.addi %mul3A_2, %add3A_11 : i32
    "tpu.region"() ({
      %run_scoped3A = tpu.sem_alloc : memref<!tpu.dma_semaphore, #tpu.memory_space<semaphore_mem>>
      %dma_start3A_518 = arith.constant 0 : i32
      %dma_start3A_519 = tpu.memref_slice %arg11[%add3A_12, %dma_start3A_518] : memref<10240x64xf32, #tpu.memory_space<vmem_shared>> -> memref<160x64xf32, #tpu.memory_space<vmem_shared>>
      %dma_start3A_520 = arith.constant 0 : i32
      %dma_start3A_521 = tpu.memref_slice %arg11[%add3A_12, %dma_start3A_520] : memref<10240x64xf32, #tpu.memory_space<vmem_shared>> -> memref<160x64xf32, #tpu.memory_space<vmem_shared>>
      tpu.enqueue_dma source(%arg10 : memref<160x64xf32, #tpu.memory_space<vmem>>) target(%dma_start3A_521 : memref<160x64xf32, #tpu.memory_space<vmem_shared>>) target_semaphore(%run_scoped3A : memref<!tpu.dma_semaphore, #tpu.memory_space<semaphore_mem>>)
      %dma_wait3A_522 = arith.constant 0 : i32
      %dma_wait3A_523 = tpu.memref_slice %arg11[%add3A_12, %dma_wait3A_522] : memref<10240x64xf32, #tpu.memory_space<vmem_shared>> -> memref<160x64xf32, #tpu.memory_space<vmem_shared>>
      %dma_wait3A_524 = arith.constant 0 : i32
      %dma_wait3A_525 = tpu.memref_slice %arg11[%add3A_12, %dma_wait3A_524] : memref<10240x64xf32, #tpu.memory_space<vmem_shared>> -> memref<160x64xf32, #tpu.memory_space<vmem_shared>>
      tpu.wait_dma2 semaphore(%run_scoped3A : memref<!tpu.dma_semaphore, #tpu.memory_space<semaphore_mem>>) src(%arg10 : memref<160x64xf32, #tpu.memory_space<vmem>>) dst(%dma_wait3A_525 : memref<160x64xf32, #tpu.memory_space<vmem_shared>>)
      tpu.yield
    }) : () -> ()
    %add3A_13 = arith.constant 160 : i32
    %add3A_14 = arith.addi %mul3A_2, %add3A_13 : i32
    "tpu.region"() ({
      %run_scoped3A = tpu.sem_alloc : memref<!tpu.dma_semaphore, #tpu.memory_space<semaphore_mem>>
      %dma_start3A_518 = arith.constant 0 : i32
      %dma_start3A_519 = tpu.memref_slice %arg11[%add3A_14, %dma_start3A_518] : memref<10240x64xf32, #tpu.memory_space<vmem_shared>> -> memref<160x64xf32, #tpu.memory_space<vmem_shared>>
      %dma_start3A_520 = arith.constant 0 : i32
      %dma_start3A_521 = tpu.memref_slice %arg11[%add3A_14, %dma_start3A_520] : memref<10240x64xf32, #tpu.memory_space<vmem_shared>> -> memref<160x64xf32, #tpu.memory_space<vmem_shared>>
      tpu.enqueue_dma source(%arg10 : memref<160x64xf32, #tpu.memory_space<vmem>>) target(%dma_start3A_521 : memref<160x64xf32, #tpu.memory_space<vmem_shared>>) target_semaphore(%run_scoped3A : memref<!tpu.dma_semaphore, #tpu.memory_space<semaphore_mem>>)
      %dma_wait3A_522 = arith.constant 0 : i32
      %dma_wait3A_523 = tpu.memref_slice %arg11[%add3A_14, %dma_wait3A_522] : memref<10240x64xf32, #tpu.memory_space<vmem_shared>> -> memref<160x64xf32, #tpu.memory_space<vmem_shared>>
      %dma_wait3A_524 = arith.constant 0 : i32
      %dma_wait3A_525 = tpu.memref_slice %arg11[%add3A_14, %dma_wait3A_524] : memref<10240x64xf32, #tpu.memory_space<vmem_shared>> -> memref<160x64xf32, #tpu.memory_space<vmem_shared>>
      tpu.wait_dma2 semaphore(%run_scoped3A : memref<!tpu.dma_semaphore, #tpu.memory_space<semaphore_mem>>) src(%arg10 : memref<160x64xf32, #tpu.memory_space<vmem>>) dst(%dma_wait3A_525 : memref<160x64xf32, #tpu.memory_space<vmem_shared>>)
      tpu.yield
    }) : () -> ()
    %add3A_15 = arith.constant 320 : i32
    %add3A_16 = arith.addi %mul3A_2, %add3A_15 : i32
    "tpu.region"() ({
      %run_scoped3A = tpu.sem_alloc : memref<!tpu.dma_semaphore, #tpu.memory_space<semaphore_mem>>
      %dma_start3A_518 = arith.constant 0 : i32
      %dma_start3A_519 = tpu.memref_slice %arg11[%add3A_16, %dma_start3A_518] : memref<10240x64xf32, #tpu.memory_space<vmem_shared>> -> memref<160x64xf32, #tpu.memory_space<vmem_shared>>
      %dma_start3A_520 = arith.constant 0 : i32
      %dma_start3A_521 = tpu.memref_slice %arg11[%add3A_16, %dma_start3A_520] : memref<10240x64xf32, #tpu.memory_space<vmem_shared>> -> memref<160x64xf32, #tpu.memory_space<vmem_shared>>
      tpu.enqueue_dma source(%arg10 : memref<160x64xf32, #tpu.memory_space<vmem>>) target(%dma_start3A_521 : memref<160x64xf32, #tpu.memory_space<vmem_shared>>) target_semaphore(%run_scoped3A : memref<!tpu.dma_semaphore, #tpu.memory_space<semaphore_mem>>)
      %dma_wait3A_522 = arith.constant 0 : i32
      %dma_wait3A_523 = tpu.memref_slice %arg11[%add3A_16, %dma_wait3A_522] : memref<10240x64xf32, #tpu.memory_space<vmem_shared>> -> memref<160x64xf32, #tpu.memory_space<vmem_shared>>
      %dma_wait3A_524 = arith.constant 0 : i32
      %dma_wait3A_525 = tpu.memref_slice %arg11[%add3A_16, %dma_wait3A_524] : memref<10240x64xf32, #tpu.memory_space<vmem_shared>> -> memref<160x64xf32, #tpu.memory_space<vmem_shared>>
      tpu.wait_dma2 semaphore(%run_scoped3A : memref<!tpu.dma_semaphore, #tpu.memory_space<semaphore_mem>>) src(%arg10 : memref<160x64xf32, #tpu.memory_space<vmem>>) dst(%dma_wait3A_525 : memref<160x64xf32, #tpu.memory_space<vmem_shared>>)
      tpu.yield
    }) : () -> ()
    %add3A_17 = arith.constant 480 : i32
    %add3A_18 = arith.addi %mul3A_2, %add3A_17 : i32
    "tpu.region"() ({
      %run_scoped3A = tpu.sem_alloc : memref<!tpu.dma_semaphore, #tpu.memory_space<semaphore_mem>>
      %dma_start3A_518 = arith.constant 0 : i32
      %dma_start3A_519 = tpu.memref_slice %arg11[%add3A_18, %dma_start3A_518] : memref<10240x64xf32, #tpu.memory_space<vmem_shared>> -> memref<160x64xf32, #tpu.memory_space<vmem_shared>>
      %dma_start3A_520 = arith.constant 0 : i32
      %dma_start3A_521 = tpu.memref_slice %arg11[%add3A_18, %dma_start3A_520] : memref<10240x64xf32, #tpu.memory_space<vmem_shared>> -> memref<160x64xf32, #tpu.memory_space<vmem_shared>>
      tpu.enqueue_dma source(%arg10 : memref<160x64xf32, #tpu.memory_space<vmem>>) target(%dma_start3A_521 : memref<160x64xf32, #tpu.memory_space<vmem_shared>>) target_semaphore(%run_scoped3A : memref<!tpu.dma_semaphore, #tpu.memory_space<semaphore_mem>>)
      %dma_wait3A_522 = arith.constant 0 : i32
      %dma_wait3A_523 = tpu.memref_slice %arg11[%add3A_18, %dma_wait3A_522] : memref<10240x64xf32, #tpu.memory_space<vmem_shared>> -> memref<160x64xf32, #tpu.memory_space<vmem_shared>>
      %dma_wait3A_524 = arith.constant 0 : i32
      %dma_wait3A_525 = tpu.memref_slice %arg11[%add3A_18, %dma_wait3A_524] : memref<10240x64xf32, #tpu.memory_space<vmem_shared>> -> memref<160x64xf32, #tpu.memory_space<vmem_shared>>
      tpu.wait_dma2 semaphore(%run_scoped3A : memref<!tpu.dma_semaphore, #tpu.memory_space<semaphore_mem>>) src(%arg10 : memref<160x64xf32, #tpu.memory_space<vmem>>) dst(%dma_wait3A_525 : memref<160x64xf32, #tpu.memory_space<vmem_shared>>)
      tpu.yield
    }) : () -> ()
    %barrier3A = arith.constant 0 : index
    tpu.barrier barrier_id(%barrier3A)
    %dma_start3A = arith.constant 0 : i32
    %dma_start3A_19 = tpu.memref_slice %arg6[%dma_start3A] : memref<10000xi32, #tpu.memory_space<vmem>> -> memref<400xi32, #tpu.memory_space<vmem>>
    %dma_start3A_20 = arith.constant 0 : i32
    %dma_start3A_21 = arith.constant 0 : i32
    %dma_start3A_22 = tpu.memref_slice %arg4[%dma_start3A_20, %dma_start3A_21] : memref<10000x64xf32, #tpu.memory_space<hbm>> -> memref<10000x64xf32, #tpu.memory_space<hbm>>
    tpu.enqueue_indirect_dma source(%dma_start3A_22 : memref<10000x64xf32, #tpu.memory_space<hbm>>) target(%arg8 : memref<400x64xf32, #tpu.memory_space<vmem>>) offsets(%dma_start3A_19 : memref<400xi32, #tpu.memory_space<vmem>>) semaphore(%arg12 : memref<!tpu.dma_semaphore, #tpu.memory_space<semaphore_mem>>)
    %dma_wait3A = arith.constant 0 : i32
    %dma_wait3A_23 = tpu.memref_slice %arg6[%dma_wait3A] : memref<10000xi32, #tpu.memory_space<vmem>> -> memref<400xi32, #tpu.memory_space<vmem>>
    %dma_wait3A_24 = arith.constant 0 : i32
    %dma_wait3A_25 = arith.constant 0 : i32
    %dma_wait3A_26 = tpu.memref_slice %arg4[%dma_wait3A_24, %dma_wait3A_25] : memref<10000x64xf32, #tpu.memory_space<hbm>> -> memref<10000x64xf32, #tpu.memory_space<hbm>>
    tpu.wait_indirect_dma semaphore(%arg12 : memref<!tpu.dma_semaphore, #tpu.memory_space<semaphore_mem>>) src(%dma_wait3A_26 : memref<10000x64xf32, #tpu.memory_space<hbm>>) dst(%arg8 : memref<400x64xf32, #tpu.memory_space<vmem>>)
    %dma_start3A_27 = arith.constant 400 : i32
    %dma_start3A_28 = tpu.memref_slice %arg6[%dma_start3A_27] : memref<10000xi32, #tpu.memory_space<vmem>> -> memref<400xi32, #tpu.memory_space<vmem>>
    %dma_start3A_29 = arith.constant 0 : i32
    %dma_start3A_30 = arith.constant 0 : i32
    %dma_start3A_31 = tpu.memref_slice %arg4[%dma_start3A_29, %dma_start3A_30] : memref<10000x64xf32, #tpu.memory_space<hbm>> -> memref<10000x64xf32, #tpu.memory_space<hbm>>
    tpu.enqueue_indirect_dma source(%dma_start3A_31 : memref<10000x64xf32, #tpu.memory_space<hbm>>) target(%arg9 : memref<400x64xf32, #tpu.memory_space<vmem>>) offsets(%dma_start3A_28 : memref<400xi32, #tpu.memory_space<vmem>>) semaphore(%arg13 : memref<!tpu.dma_semaphore, #tpu.memory_space<semaphore_mem>>)
    %dma_start3A_32 = arith.constant 0 : i32
    %dma_start3A_33 = tpu.memref_slice %arg7[%dma_start3A_32] : memref<10000xi32, #tpu.memory_space<vmem>> -> memref<400xi32, #tpu.memory_space<vmem>>
    %dma_start3A_34 = arith.constant 0 : i32
    %dma_start3A_35 = arith.constant 0 : i32
    %dma_start3A_36 = tpu.memref_slice %arg11[%dma_start3A_34, %dma_start3A_35] : memref<10240x64xf32, #tpu.memory_space<vmem_shared>> -> memref<10240x64xf32, #tpu.memory_space<vmem_shared>>
    tpu.enqueue_indirect_dma source(%arg8 : memref<400x64xf32, #tpu.memory_space<vmem>>) target(%dma_start3A_36 : memref<10240x64xf32, #tpu.memory_space<vmem_shared>>) offsets(%dma_start3A_33 : memref<400xi32, #tpu.memory_space<vmem>>) semaphore(%arg14 : memref<!tpu.dma_semaphore, #tpu.memory_space<semaphore_mem>>) {add = true}
    %dma_wait3A_37 = arith.constant 400 : i32
    %dma_wait3A_38 = tpu.memref_slice %arg6[%dma_wait3A_37] : memref<10000xi32, #tpu.memory_space<vmem>> -> memref<400xi32, #tpu.memory_space<vmem>>
    %dma_wait3A_39 = arith.constant 0 : i32
    %dma_wait3A_40 = arith.constant 0 : i32
    %dma_wait3A_41 = tpu.memref_slice %arg4[%dma_wait3A_39, %dma_wait3A_40] : memref<10000x64xf32, #tpu.memory_space<hbm>> -> memref<10000x64xf32, #tpu.memory_space<hbm>>
    tpu.wait_indirect_dma semaphore(%arg13 : memref<!tpu.dma_semaphore, #tpu.memory_space<semaphore_mem>>) src(%dma_wait3A_41 : memref<10000x64xf32, #tpu.memory_space<hbm>>) dst(%arg9 : memref<400x64xf32, #tpu.memory_space<vmem>>)
    %dma_wait3A_42 = arith.constant 0 : i32
    %dma_wait3A_43 = tpu.memref_slice %arg7[%dma_wait3A_42] : memref<10000xi32, #tpu.memory_space<vmem>> -> memref<400xi32, #tpu.memory_space<vmem>>
    %dma_wait3A_44 = arith.constant 0 : i32
    %dma_wait3A_45 = arith.constant 0 : i32
    %dma_wait3A_46 = tpu.memref_slice %arg11[%dma_wait3A_44, %dma_wait3A_45] : memref<10240x64xf32, #tpu.memory_space<vmem_shared>> -> memref<10240x64xf32, #tpu.memory_space<vmem_shared>>
    tpu.wait_indirect_dma semaphore(%arg14 : memref<!tpu.dma_semaphore, #tpu.memory_space<semaphore_mem>>) src(%arg8 : memref<400x64xf32, #tpu.memory_space<vmem>>) dst(%dma_wait3A_46 : memref<10240x64xf32, #tpu.memory_space<vmem_shared>>)
    %dma_start3A_47 = arith.constant 800 : i32
    %dma_start3A_48 = tpu.memref_slice %arg6[%dma_start3A_47] : memref<10000xi32, #tpu.memory_space<vmem>> -> memref<400xi32, #tpu.memory_space<vmem>>
    %dma_start3A_49 = arith.constant 0 : i32
    %dma_start3A_50 = arith.constant 0 : i32
    %dma_start3A_51 = tpu.memref_slice %arg4[%dma_start3A_49, %dma_start3A_50] : memref<10000x64xf32, #tpu.memory_space<hbm>> -> memref<10000x64xf32, #tpu.memory_space<hbm>>
    tpu.enqueue_indirect_dma source(%dma_start3A_51 : memref<10000x64xf32, #tpu.memory_space<hbm>>) target(%arg8 : memref<400x64xf32, #tpu.memory_space<vmem>>) offsets(%dma_start3A_48 : memref<400xi32, #tpu.memory_space<vmem>>) semaphore(%arg12 : memref<!tpu.dma_semaphore, #tpu.memory_space<semaphore_mem>>)
    %dma_start3A_52 = arith.constant 400 : i32
    %dma_start3A_53 = tpu.memref_slice %arg7[%dma_start3A_52] : memref<10000xi32, #tpu.memory_space<vmem>> -> memref<400xi32, #tpu.memory_space<vmem>>
    %dma_start3A_54 = arith.constant 0 : i32
    %dma_start3A_55 = arith.constant 0 : i32
    %dma_start3A_56 = tpu.memref_slice %arg11[%dma_start3A_54, %dma_start3A_55] : memref<10240x64xf32, #tpu.memory_space<vmem_shared>> -> memref<10240x64xf32, #tpu.memory_space<vmem_shared>>
    tpu.enqueue_indirect_dma source(%arg9 : memref<400x64xf32, #tpu.memory_space<vmem>>) target(%dma_start3A_56 : memref<10240x64xf32, #tpu.memory_space<vmem_shared>>) offsets(%dma_start3A_53 : memref<400xi32, #tpu.memory_space<vmem>>) semaphore(%arg15 : memref<!tpu.dma_semaphore, #tpu.memory_space<semaphore_mem>>) {add = true}
    %dma_wait3A_57 = arith.constant 800 : i32
    %dma_wait3A_58 = tpu.memref_slice %arg6[%dma_wait3A_57] : memref<10000xi32, #tpu.memory_space<vmem>> -> memref<400xi32, #tpu.memory_space<vmem>>
    %dma_wait3A_59 = arith.constant 0 : i32
    %dma_wait3A_60 = arith.constant 0 : i32
    %dma_wait3A_61 = tpu.memref_slice %arg4[%dma_wait3A_59, %dma_wait3A_60] : memref<10000x64xf32, #tpu.memory_space<hbm>> -> memref<10000x64xf32, #tpu.memory_space<hbm>>
    tpu.wait_indirect_dma semaphore(%arg12 : memref<!tpu.dma_semaphore, #tpu.memory_space<semaphore_mem>>) src(%dma_wait3A_61 : memref<10000x64xf32, #tpu.memory_space<hbm>>) dst(%arg8 : memref<400x64xf32, #tpu.memory_space<vmem>>)
    %dma_wait3A_62 = arith.constant 400 : i32
    %dma_wait3A_63 = tpu.memref_slice %arg7[%dma_wait3A_62] : memref<10000xi32, #tpu.memory_space<vmem>> -> memref<400xi32, #tpu.memory_space<vmem>>
    %dma_wait3A_64 = arith.constant 0 : i32
    %dma_wait3A_65 = arith.constant 0 : i32
    %dma_wait3A_66 = tpu.memref_slice %arg11[%dma_wait3A_64, %dma_wait3A_65] : memref<10240x64xf32, #tpu.memory_space<vmem_shared>> -> memref<10240x64xf32, #tpu.memory_space<vmem_shared>>
    tpu.wait_indirect_dma semaphore(%arg15 : memref<!tpu.dma_semaphore, #tpu.memory_space<semaphore_mem>>) src(%arg9 : memref<400x64xf32, #tpu.memory_space<vmem>>) dst(%dma_wait3A_66 : memref<10240x64xf32, #tpu.memory_space<vmem_shared>>)
    %dma_start3A_67 = arith.constant 1200 : i32
    %dma_start3A_68 = tpu.memref_slice %arg6[%dma_start3A_67] : memref<10000xi32, #tpu.memory_space<vmem>> -> memref<400xi32, #tpu.memory_space<vmem>>
    %dma_start3A_69 = arith.constant 0 : i32
    %dma_start3A_70 = arith.constant 0 : i32
    %dma_start3A_71 = tpu.memref_slice %arg4[%dma_start3A_69, %dma_start3A_70] : memref<10000x64xf32, #tpu.memory_space<hbm>> -> memref<10000x64xf32, #tpu.memory_space<hbm>>
    tpu.enqueue_indirect_dma source(%dma_start3A_71 : memref<10000x64xf32, #tpu.memory_space<hbm>>) target(%arg9 : memref<400x64xf32, #tpu.memory_space<vmem>>) offsets(%dma_start3A_68 : memref<400xi32, #tpu.memory_space<vmem>>) semaphore(%arg13 : memref<!tpu.dma_semaphore, #tpu.memory_space<semaphore_mem>>)
    %dma_start3A_72 = arith.constant 800 : i32
    %dma_start3A_73 = tpu.memref_slice %arg7[%dma_start3A_72] : memref<10000xi32, #tpu.memory_space<vmem>> -> memref<400xi32, #tpu.memory_space<vmem>>
    %dma_start3A_74 = arith.constant 0 : i32
    %dma_start3A_75 = arith.constant 0 : i32
    %dma_start3A_76 = tpu.memref_slice %arg11[%dma_start3A_74, %dma_start3A_75] : memref<10240x64xf32, #tpu.memory_space<vmem_shared>> -> memref<10240x64xf32, #tpu.memory_space<vmem_shared>>
    tpu.enqueue_indirect_dma source(%arg8 : memref<400x64xf32, #tpu.memory_space<vmem>>) target(%dma_start3A_76 : memref<10240x64xf32, #tpu.memory_space<vmem_shared>>) offsets(%dma_start3A_73 : memref<400xi32, #tpu.memory_space<vmem>>) semaphore(%arg14 : memref<!tpu.dma_semaphore, #tpu.memory_space<semaphore_mem>>) {add = true}
    %dma_wait3A_77 = arith.constant 1200 : i32
    %dma_wait3A_78 = tpu.memref_slice %arg6[%dma_wait3A_77] : memref<10000xi32, #tpu.memory_space<vmem>> -> memref<400xi32, #tpu.memory_space<vmem>>
    %dma_wait3A_79 = arith.constant 0 : i32
    %dma_wait3A_80 = arith.constant 0 : i32
    %dma_wait3A_81 = tpu.memref_slice %arg4[%dma_wait3A_79, %dma_wait3A_80] : memref<10000x64xf32, #tpu.memory_space<hbm>> -> memref<10000x64xf32, #tpu.memory_space<hbm>>
    tpu.wait_indirect_dma semaphore(%arg13 : memref<!tpu.dma_semaphore, #tpu.memory_space<semaphore_mem>>) src(%dma_wait3A_81 : memref<10000x64xf32, #tpu.memory_space<hbm>>) dst(%arg9 : memref<400x64xf32, #tpu.memory_space<vmem>>)
    %dma_wait3A_82 = arith.constant 800 : i32
    %dma_wait3A_83 = tpu.memref_slice %arg7[%dma_wait3A_82] : memref<10000xi32, #tpu.memory_space<vmem>> -> memref<400xi32, #tpu.memory_space<vmem>>
    %dma_wait3A_84 = arith.constant 0 : i32
    %dma_wait3A_85 = arith.constant 0 : i32
    %dma_wait3A_86 = tpu.memref_slice %arg11[%dma_wait3A_84, %dma_wait3A_85] : memref<10240x64xf32, #tpu.memory_space<vmem_shared>> -> memref<10240x64xf32, #tpu.memory_space<vmem_shared>>
    tpu.wait_indirect_dma semaphore(%arg14 : memref<!tpu.dma_semaphore, #tpu.memory_space<semaphore_mem>>) src(%arg8 : memref<400x64xf32, #tpu.memory_space<vmem>>) dst(%dma_wait3A_86 : memref<10240x64xf32, #tpu.memory_space<vmem_shared>>)
    %dma_start3A_87 = arith.constant 1600 : i32
    %dma_start3A_88 = tpu.memref_slice %arg6[%dma_start3A_87] : memref<10000xi32, #tpu.memory_space<vmem>> -> memref<400xi32, #tpu.memory_space<vmem>>
    %dma_start3A_89 = arith.constant 0 : i32
    %dma_start3A_90 = arith.constant 0 : i32
    %dma_start3A_91 = tpu.memref_slice %arg4[%dma_start3A_89, %dma_start3A_90] : memref<10000x64xf32, #tpu.memory_space<hbm>> -> memref<10000x64xf32, #tpu.memory_space<hbm>>
    tpu.enqueue_indirect_dma source(%dma_start3A_91 : memref<10000x64xf32, #tpu.memory_space<hbm>>) target(%arg8 : memref<400x64xf32, #tpu.memory_space<vmem>>) offsets(%dma_start3A_88 : memref<400xi32, #tpu.memory_space<vmem>>) semaphore(%arg12 : memref<!tpu.dma_semaphore, #tpu.memory_space<semaphore_mem>>)
    %dma_start3A_92 = arith.constant 1200 : i32
    %dma_start3A_93 = tpu.memref_slice %arg7[%dma_start3A_92] : memref<10000xi32, #tpu.memory_space<vmem>> -> memref<400xi32, #tpu.memory_space<vmem>>
    %dma_start3A_94 = arith.constant 0 : i32
    %dma_start3A_95 = arith.constant 0 : i32
    %dma_start3A_96 = tpu.memref_slice %arg11[%dma_start3A_94, %dma_start3A_95] : memref<10240x64xf32, #tpu.memory_space<vmem_shared>> -> memref<10240x64xf32, #tpu.memory_space<vmem_shared>>
    tpu.enqueue_indirect_dma source(%arg9 : memref<400x64xf32, #tpu.memory_space<vmem>>) target(%dma_start3A_96 : memref<10240x64xf32, #tpu.memory_space<vmem_shared>>) offsets(%dma_start3A_93 : memref<400xi32, #tpu.memory_space<vmem>>) semaphore(%arg15 : memref<!tpu.dma_semaphore, #tpu.memory_space<semaphore_mem>>) {add = true}
    %dma_wait3A_97 = arith.constant 1600 : i32
    %dma_wait3A_98 = tpu.memref_slice %arg6[%dma_wait3A_97] : memref<10000xi32, #tpu.memory_space<vmem>> -> memref<400xi32, #tpu.memory_space<vmem>>
    %dma_wait3A_99 = arith.constant 0 : i32
    %dma_wait3A_100 = arith.constant 0 : i32
    %dma_wait3A_101 = tpu.memref_slice %arg4[%dma_wait3A_99, %dma_wait3A_100] : memref<10000x64xf32, #tpu.memory_space<hbm>> -> memref<10000x64xf32, #tpu.memory_space<hbm>>
    tpu.wait_indirect_dma semaphore(%arg12 : memref<!tpu.dma_semaphore, #tpu.memory_space<semaphore_mem>>) src(%dma_wait3A_101 : memref<10000x64xf32, #tpu.memory_space<hbm>>) dst(%arg8 : memref<400x64xf32, #tpu.memory_space<vmem>>)
    %dma_wait3A_102 = arith.constant 1200 : i32
    %dma_wait3A_103 = tpu.memref_slice %arg7[%dma_wait3A_102] : memref<10000xi32, #tpu.memory_space<vmem>> -> memref<400xi32, #tpu.memory_space<vmem>>
    %dma_wait3A_104 = arith.constant 0 : i32
    %dma_wait3A_105 = arith.constant 0 : i32
    %dma_wait3A_106 = tpu.memref_slice %arg11[%dma_wait3A_104, %dma_wait3A_105] : memref<10240x64xf32, #tpu.memory_space<vmem_shared>> -> memref<10240x64xf32, #tpu.memory_space<vmem_shared>>
    tpu.wait_indirect_dma semaphore(%arg15 : memref<!tpu.dma_semaphore, #tpu.memory_space<semaphore_mem>>) src(%arg9 : memref<400x64xf32, #tpu.memory_space<vmem>>) dst(%dma_wait3A_106 : memref<10240x64xf32, #tpu.memory_space<vmem_shared>>)
    %dma_start3A_107 = arith.constant 2000 : i32
    %dma_start3A_108 = tpu.memref_slice %arg6[%dma_start3A_107] : memref<10000xi32, #tpu.memory_space<vmem>> -> memref<400xi32, #tpu.memory_space<vmem>>
    %dma_start3A_109 = arith.constant 0 : i32
    %dma_start3A_110 = arith.constant 0 : i32
    %dma_start3A_111 = tpu.memref_slice %arg4[%dma_start3A_109, %dma_start3A_110] : memref<10000x64xf32, #tpu.memory_space<hbm>> -> memref<10000x64xf32, #tpu.memory_space<hbm>>
    tpu.enqueue_indirect_dma source(%dma_start3A_111 : memref<10000x64xf32, #tpu.memory_space<hbm>>) target(%arg9 : memref<400x64xf32, #tpu.memory_space<vmem>>) offsets(%dma_start3A_108 : memref<400xi32, #tpu.memory_space<vmem>>) semaphore(%arg13 : memref<!tpu.dma_semaphore, #tpu.memory_space<semaphore_mem>>)
    %dma_start3A_112 = arith.constant 1600 : i32
    %dma_start3A_113 = tpu.memref_slice %arg7[%dma_start3A_112] : memref<10000xi32, #tpu.memory_space<vmem>> -> memref<400xi32, #tpu.memory_space<vmem>>
    %dma_start3A_114 = arith.constant 0 : i32
    %dma_start3A_115 = arith.constant 0 : i32
    %dma_start3A_116 = tpu.memref_slice %arg11[%dma_start3A_114, %dma_start3A_115] : memref<10240x64xf32, #tpu.memory_space<vmem_shared>> -> memref<10240x64xf32, #tpu.memory_space<vmem_shared>>
    tpu.enqueue_indirect_dma source(%arg8 : memref<400x64xf32, #tpu.memory_space<vmem>>) target(%dma_start3A_116 : memref<10240x64xf32, #tpu.memory_space<vmem_shared>>) offsets(%dma_start3A_113 : memref<400xi32, #tpu.memory_space<vmem>>) semaphore(%arg14 : memref<!tpu.dma_semaphore, #tpu.memory_space<semaphore_mem>>) {add = true}
    %dma_wait3A_117 = arith.constant 2000 : i32
    %dma_wait3A_118 = tpu.memref_slice %arg6[%dma_wait3A_117] : memref<10000xi32, #tpu.memory_space<vmem>> -> memref<400xi32, #tpu.memory_space<vmem>>
    %dma_wait3A_119 = arith.constant 0 : i32
    %dma_wait3A_120 = arith.constant 0 : i32
    %dma_wait3A_121 = tpu.memref_slice %arg4[%dma_wait3A_119, %dma_wait3A_120] : memref<10000x64xf32, #tpu.memory_space<hbm>> -> memref<10000x64xf32, #tpu.memory_space<hbm>>
    tpu.wait_indirect_dma semaphore(%arg13 : memref<!tpu.dma_semaphore, #tpu.memory_space<semaphore_mem>>) src(%dma_wait3A_121 : memref<10000x64xf32, #tpu.memory_space<hbm>>) dst(%arg9 : memref<400x64xf32, #tpu.memory_space<vmem>>)
    %dma_wait3A_122 = arith.constant 1600 : i32
    %dma_wait3A_123 = tpu.memref_slice %arg7[%dma_wait3A_122] : memref<10000xi32, #tpu.memory_space<vmem>> -> memref<400xi32, #tpu.memory_space<vmem>>
    %dma_wait3A_124 = arith.constant 0 : i32
    %dma_wait3A_125 = arith.constant 0 : i32
    %dma_wait3A_126 = tpu.memref_slice %arg11[%dma_wait3A_124, %dma_wait3A_125] : memref<10240x64xf32, #tpu.memory_space<vmem_shared>> -> memref<10240x64xf32, #tpu.memory_space<vmem_shared>>
    tpu.wait_indirect_dma semaphore(%arg14 : memref<!tpu.dma_semaphore, #tpu.memory_space<semaphore_mem>>) src(%arg8 : memref<400x64xf32, #tpu.memory_space<vmem>>) dst(%dma_wait3A_126 : memref<10240x64xf32, #tpu.memory_space<vmem_shared>>)
    %dma_start3A_127 = arith.constant 2400 : i32
    %dma_start3A_128 = tpu.memref_slice %arg6[%dma_start3A_127] : memref<10000xi32, #tpu.memory_space<vmem>> -> memref<400xi32, #tpu.memory_space<vmem>>
    %dma_start3A_129 = arith.constant 0 : i32
    %dma_start3A_130 = arith.constant 0 : i32
    %dma_start3A_131 = tpu.memref_slice %arg4[%dma_start3A_129, %dma_start3A_130] : memref<10000x64xf32, #tpu.memory_space<hbm>> -> memref<10000x64xf32, #tpu.memory_space<hbm>>
    tpu.enqueue_indirect_dma source(%dma_start3A_131 : memref<10000x64xf32, #tpu.memory_space<hbm>>) target(%arg8 : memref<400x64xf32, #tpu.memory_space<vmem>>) offsets(%dma_start3A_128 : memref<400xi32, #tpu.memory_space<vmem>>) semaphore(%arg12 : memref<!tpu.dma_semaphore, #tpu.memory_space<semaphore_mem>>)
    %dma_start3A_132 = arith.constant 2000 : i32
    %dma_start3A_133 = tpu.memref_slice %arg7[%dma_start3A_132] : memref<10000xi32, #tpu.memory_space<vmem>> -> memref<400xi32, #tpu.memory_space<vmem>>
    %dma_start3A_134 = arith.constant 0 : i32
    %dma_start3A_135 = arith.constant 0 : i32
    %dma_start3A_136 = tpu.memref_slice %arg11[%dma_start3A_134, %dma_start3A_135] : memref<10240x64xf32, #tpu.memory_space<vmem_shared>> -> memref<10240x64xf32, #tpu.memory_space<vmem_shared>>
    tpu.enqueue_indirect_dma source(%arg9 : memref<400x64xf32, #tpu.memory_space<vmem>>) target(%dma_start3A_136 : memref<10240x64xf32, #tpu.memory_space<vmem_shared>>) offsets(%dma_start3A_133 : memref<400xi32, #tpu.memory_space<vmem>>) semaphore(%arg15 : memref<!tpu.dma_semaphore, #tpu.memory_space<semaphore_mem>>) {add = true}
    %dma_wait3A_137 = arith.constant 2400 : i32
    %dma_wait3A_138 = tpu.memref_slice %arg6[%dma_wait3A_137] : memref<10000xi32, #tpu.memory_space<vmem>> -> memref<400xi32, #tpu.memory_space<vmem>>
    %dma_wait3A_139 = arith.constant 0 : i32
    %dma_wait3A_140 = arith.constant 0 : i32
    %dma_wait3A_141 = tpu.memref_slice %arg4[%dma_wait3A_139, %dma_wait3A_140] : memref<10000x64xf32, #tpu.memory_space<hbm>> -> memref<10000x64xf32, #tpu.memory_space<hbm>>
    tpu.wait_indirect_dma semaphore(%arg12 : memref<!tpu.dma_semaphore, #tpu.memory_space<semaphore_mem>>) src(%dma_wait3A_141 : memref<10000x64xf32, #tpu.memory_space<hbm>>) dst(%arg8 : memref<400x64xf32, #tpu.memory_space<vmem>>)
    %dma_wait3A_142 = arith.constant 2000 : i32
    %dma_wait3A_143 = tpu.memref_slice %arg7[%dma_wait3A_142] : memref<10000xi32, #tpu.memory_space<vmem>> -> memref<400xi32, #tpu.memory_space<vmem>>
    %dma_wait3A_144 = arith.constant 0 : i32
    %dma_wait3A_145 = arith.constant 0 : i32
    %dma_wait3A_146 = tpu.memref_slice %arg11[%dma_wait3A_144, %dma_wait3A_145] : memref<10240x64xf32, #tpu.memory_space<vmem_shared>> -> memref<10240x64xf32, #tpu.memory_space<vmem_shared>>
    tpu.wait_indirect_dma semaphore(%arg15 : memref<!tpu.dma_semaphore, #tpu.memory_space<semaphore_mem>>) src(%arg9 : memref<400x64xf32, #tpu.memory_space<vmem>>) dst(%dma_wait3A_146 : memref<10240x64xf32, #tpu.memory_space<vmem_shared>>)
    %dma_start3A_147 = arith.constant 2800 : i32
    %dma_start3A_148 = tpu.memref_slice %arg6[%dma_start3A_147] : memref<10000xi32, #tpu.memory_space<vmem>> -> memref<400xi32, #tpu.memory_space<vmem>>
    %dma_start3A_149 = arith.constant 0 : i32
    %dma_start3A_150 = arith.constant 0 : i32
    %dma_start3A_151 = tpu.memref_slice %arg4[%dma_start3A_149, %dma_start3A_150] : memref<10000x64xf32, #tpu.memory_space<hbm>> -> memref<10000x64xf32, #tpu.memory_space<hbm>>
    tpu.enqueue_indirect_dma source(%dma_start3A_151 : memref<10000x64xf32, #tpu.memory_space<hbm>>) target(%arg9 : memref<400x64xf32, #tpu.memory_space<vmem>>) offsets(%dma_start3A_148 : memref<400xi32, #tpu.memory_space<vmem>>) semaphore(%arg13 : memref<!tpu.dma_semaphore, #tpu.memory_space<semaphore_mem>>)
    %dma_start3A_152 = arith.constant 2400 : i32
    %dma_start3A_153 = tpu.memref_slice %arg7[%dma_start3A_152] : memref<10000xi32, #tpu.memory_space<vmem>> -> memref<400xi32, #tpu.memory_space<vmem>>
    %dma_start3A_154 = arith.constant 0 : i32
    %dma_start3A_155 = arith.constant 0 : i32
    %dma_start3A_156 = tpu.memref_slice %arg11[%dma_start3A_154, %dma_start3A_155] : memref<10240x64xf32, #tpu.memory_space<vmem_shared>> -> memref<10240x64xf32, #tpu.memory_space<vmem_shared>>
    tpu.enqueue_indirect_dma source(%arg8 : memref<400x64xf32, #tpu.memory_space<vmem>>) target(%dma_start3A_156 : memref<10240x64xf32, #tpu.memory_space<vmem_shared>>) offsets(%dma_start3A_153 : memref<400xi32, #tpu.memory_space<vmem>>) semaphore(%arg14 : memref<!tpu.dma_semaphore, #tpu.memory_space<semaphore_mem>>) {add = true}
    %dma_wait3A_157 = arith.constant 2800 : i32
    %dma_wait3A_158 = tpu.memref_slice %arg6[%dma_wait3A_157] : memref<10000xi32, #tpu.memory_space<vmem>> -> memref<400xi32, #tpu.memory_space<vmem>>
    %dma_wait3A_159 = arith.constant 0 : i32
    %dma_wait3A_160 = arith.constant 0 : i32
    %dma_wait3A_161 = tpu.memref_slice %arg4[%dma_wait3A_159, %dma_wait3A_160] : memref<10000x64xf32, #tpu.memory_space<hbm>> -> memref<10000x64xf32, #tpu.memory_space<hbm>>
    tpu.wait_indirect_dma semaphore(%arg13 : memref<!tpu.dma_semaphore, #tpu.memory_space<semaphore_mem>>) src(%dma_wait3A_161 : memref<10000x64xf32, #tpu.memory_space<hbm>>) dst(%arg9 : memref<400x64xf32, #tpu.memory_space<vmem>>)
    %dma_wait3A_162 = arith.constant 2400 : i32
    %dma_wait3A_163 = tpu.memref_slice %arg7[%dma_wait3A_162] : memref<10000xi32, #tpu.memory_space<vmem>> -> memref<400xi32, #tpu.memory_space<vmem>>
    %dma_wait3A_164 = arith.constant 0 : i32
    %dma_wait3A_165 = arith.constant 0 : i32
    %dma_wait3A_166 = tpu.memref_slice %arg11[%dma_wait3A_164, %dma_wait3A_165] : memref<10240x64xf32, #tpu.memory_space<vmem_shared>> -> memref<10240x64xf32, #tpu.memory_space<vmem_shared>>
    tpu.wait_indirect_dma semaphore(%arg14 : memref<!tpu.dma_semaphore, #tpu.memory_space<semaphore_mem>>) src(%arg8 : memref<400x64xf32, #tpu.memory_space<vmem>>) dst(%dma_wait3A_166 : memref<10240x64xf32, #tpu.memory_space<vmem_shared>>)
    %dma_start3A_167 = arith.constant 3200 : i32
    %dma_start3A_168 = tpu.memref_slice %arg6[%dma_start3A_167] : memref<10000xi32, #tpu.memory_space<vmem>> -> memref<400xi32, #tpu.memory_space<vmem>>
    %dma_start3A_169 = arith.constant 0 : i32
    %dma_start3A_170 = arith.constant 0 : i32
    %dma_start3A_171 = tpu.memref_slice %arg4[%dma_start3A_169, %dma_start3A_170] : memref<10000x64xf32, #tpu.memory_space<hbm>> -> memref<10000x64xf32, #tpu.memory_space<hbm>>
    tpu.enqueue_indirect_dma source(%dma_start3A_171 : memref<10000x64xf32, #tpu.memory_space<hbm>>) target(%arg8 : memref<400x64xf32, #tpu.memory_space<vmem>>) offsets(%dma_start3A_168 : memref<400xi32, #tpu.memory_space<vmem>>) semaphore(%arg12 : memref<!tpu.dma_semaphore, #tpu.memory_space<semaphore_mem>>)
    %dma_start3A_172 = arith.constant 2800 : i32
    %dma_start3A_173 = tpu.memref_slice %arg7[%dma_start3A_172] : memref<10000xi32, #tpu.memory_space<vmem>> -> memref<400xi32, #tpu.memory_space<vmem>>
    %dma_start3A_174 = arith.constant 0 : i32
    %dma_start3A_175 = arith.constant 0 : i32
    %dma_start3A_176 = tpu.memref_slice %arg11[%dma_start3A_174, %dma_start3A_175] : memref<10240x64xf32, #tpu.memory_space<vmem_shared>> -> memref<10240x64xf32, #tpu.memory_space<vmem_shared>>
    tpu.enqueue_indirect_dma source(%arg9 : memref<400x64xf32, #tpu.memory_space<vmem>>) target(%dma_start3A_176 : memref<10240x64xf32, #tpu.memory_space<vmem_shared>>) offsets(%dma_start3A_173 : memref<400xi32, #tpu.memory_space<vmem>>) semaphore(%arg15 : memref<!tpu.dma_semaphore, #tpu.memory_space<semaphore_mem>>) {add = true}
    %dma_wait3A_177 = arith.constant 3200 : i32
    %dma_wait3A_178 = tpu.memref_slice %arg6[%dma_wait3A_177] : memref<10000xi32, #tpu.memory_space<vmem>> -> memref<400xi32, #tpu.memory_space<vmem>>
    %dma_wait3A_179 = arith.constant 0 : i32
    %dma_wait3A_180 = arith.constant 0 : i32
    %dma_wait3A_181 = tpu.memref_slice %arg4[%dma_wait3A_179, %dma_wait3A_180] : memref<10000x64xf32, #tpu.memory_space<hbm>> -> memref<10000x64xf32, #tpu.memory_space<hbm>>
    tpu.wait_indirect_dma semaphore(%arg12 : memref<!tpu.dma_semaphore, #tpu.memory_space<semaphore_mem>>) src(%dma_wait3A_181 : memref<10000x64xf32, #tpu.memory_space<hbm>>) dst(%arg8 : memref<400x64xf32, #tpu.memory_space<vmem>>)
    %dma_wait3A_182 = arith.constant 2800 : i32
    %dma_wait3A_183 = tpu.memref_slice %arg7[%dma_wait3A_182] : memref<10000xi32, #tpu.memory_space<vmem>> -> memref<400xi32, #tpu.memory_space<vmem>>
    %dma_wait3A_184 = arith.constant 0 : i32
    %dma_wait3A_185 = arith.constant 0 : i32
    %dma_wait3A_186 = tpu.memref_slice %arg11[%dma_wait3A_184, %dma_wait3A_185] : memref<10240x64xf32, #tpu.memory_space<vmem_shared>> -> memref<10240x64xf32, #tpu.memory_space<vmem_shared>>
    tpu.wait_indirect_dma semaphore(%arg15 : memref<!tpu.dma_semaphore, #tpu.memory_space<semaphore_mem>>) src(%arg9 : memref<400x64xf32, #tpu.memory_space<vmem>>) dst(%dma_wait3A_186 : memref<10240x64xf32, #tpu.memory_space<vmem_shared>>)
    %dma_start3A_187 = arith.constant 3600 : i32
    %dma_start3A_188 = tpu.memref_slice %arg6[%dma_start3A_187] : memref<10000xi32, #tpu.memory_space<vmem>> -> memref<400xi32, #tpu.memory_space<vmem>>
    %dma_start3A_189 = arith.constant 0 : i32
    %dma_start3A_190 = arith.constant 0 : i32
    %dma_start3A_191 = tpu.memref_slice %arg4[%dma_start3A_189, %dma_start3A_190] : memref<10000x64xf32, #tpu.memory_space<hbm>> -> memref<10000x64xf32, #tpu.memory_space<hbm>>
    tpu.enqueue_indirect_dma source(%dma_start3A_191 : memref<10000x64xf32, #tpu.memory_space<hbm>>) target(%arg9 : memref<400x64xf32, #tpu.memory_space<vmem>>) offsets(%dma_start3A_188 : memref<400xi32, #tpu.memory_space<vmem>>) semaphore(%arg13 : memref<!tpu.dma_semaphore, #tpu.memory_space<semaphore_mem>>)
    %dma_start3A_192 = arith.constant 3200 : i32
    %dma_start3A_193 = tpu.memref_slice %arg7[%dma_start3A_192] : memref<10000xi32, #tpu.memory_space<vmem>> -> memref<400xi32, #tpu.memory_space<vmem>>
    %dma_start3A_194 = arith.constant 0 : i32
    %dma_start3A_195 = arith.constant 0 : i32
    %dma_start3A_196 = tpu.memref_slice %arg11[%dma_start3A_194, %dma_start3A_195] : memref<10240x64xf32, #tpu.memory_space<vmem_shared>> -> memref<10240x64xf32, #tpu.memory_space<vmem_shared>>
    tpu.enqueue_indirect_dma source(%arg8 : memref<400x64xf32, #tpu.memory_space<vmem>>) target(%dma_start3A_196 : memref<10240x64xf32, #tpu.memory_space<vmem_shared>>) offsets(%dma_start3A_193 : memref<400xi32, #tpu.memory_space<vmem>>) semaphore(%arg14 : memref<!tpu.dma_semaphore, #tpu.memory_space<semaphore_mem>>) {add = true}
    %dma_wait3A_197 = arith.constant 3600 : i32
    %dma_wait3A_198 = tpu.memref_slice %arg6[%dma_wait3A_197] : memref<10000xi32, #tpu.memory_space<vmem>> -> memref<400xi32, #tpu.memory_space<vmem>>
    %dma_wait3A_199 = arith.constant 0 : i32
    %dma_wait3A_200 = arith.constant 0 : i32
    %dma_wait3A_201 = tpu.memref_slice %arg4[%dma_wait3A_199, %dma_wait3A_200] : memref<10000x64xf32, #tpu.memory_space<hbm>> -> memref<10000x64xf32, #tpu.memory_space<hbm>>
    tpu.wait_indirect_dma semaphore(%arg13 : memref<!tpu.dma_semaphore, #tpu.memory_space<semaphore_mem>>) src(%dma_wait3A_201 : memref<10000x64xf32, #tpu.memory_space<hbm>>) dst(%arg9 : memref<400x64xf32, #tpu.memory_space<vmem>>)
    %dma_wait3A_202 = arith.constant 3200 : i32
    %dma_wait3A_203 = tpu.memref_slice %arg7[%dma_wait3A_202] : memref<10000xi32, #tpu.memory_space<vmem>> -> memref<400xi32, #tpu.memory_space<vmem>>
    %dma_wait3A_204 = arith.constant 0 : i32
    %dma_wait3A_205 = arith.constant 0 : i32
    %dma_wait3A_206 = tpu.memref_slice %arg11[%dma_wait3A_204, %dma_wait3A_205] : memref<10240x64xf32, #tpu.memory_space<vmem_shared>> -> memref<10240x64xf32, #tpu.memory_space<vmem_shared>>
    tpu.wait_indirect_dma semaphore(%arg14 : memref<!tpu.dma_semaphore, #tpu.memory_space<semaphore_mem>>) src(%arg8 : memref<400x64xf32, #tpu.memory_space<vmem>>) dst(%dma_wait3A_206 : memref<10240x64xf32, #tpu.memory_space<vmem_shared>>)
    %dma_start3A_207 = arith.constant 4000 : i32
    %dma_start3A_208 = tpu.memref_slice %arg6[%dma_start3A_207] : memref<10000xi32, #tpu.memory_space<vmem>> -> memref<400xi32, #tpu.memory_space<vmem>>
    %dma_start3A_209 = arith.constant 0 : i32
    %dma_start3A_210 = arith.constant 0 : i32
    %dma_start3A_211 = tpu.memref_slice %arg4[%dma_start3A_209, %dma_start3A_210] : memref<10000x64xf32, #tpu.memory_space<hbm>> -> memref<10000x64xf32, #tpu.memory_space<hbm>>
    tpu.enqueue_indirect_dma source(%dma_start3A_211 : memref<10000x64xf32, #tpu.memory_space<hbm>>) target(%arg8 : memref<400x64xf32, #tpu.memory_space<vmem>>) offsets(%dma_start3A_208 : memref<400xi32, #tpu.memory_space<vmem>>) semaphore(%arg12 : memref<!tpu.dma_semaphore, #tpu.memory_space<semaphore_mem>>)
    %dma_start3A_212 = arith.constant 3600 : i32
    %dma_start3A_213 = tpu.memref_slice %arg7[%dma_start3A_212] : memref<10000xi32, #tpu.memory_space<vmem>> -> memref<400xi32, #tpu.memory_space<vmem>>
    %dma_start3A_214 = arith.constant 0 : i32
    %dma_start3A_215 = arith.constant 0 : i32
    %dma_start3A_216 = tpu.memref_slice %arg11[%dma_start3A_214, %dma_start3A_215] : memref<10240x64xf32, #tpu.memory_space<vmem_shared>> -> memref<10240x64xf32, #tpu.memory_space<vmem_shared>>
    tpu.enqueue_indirect_dma source(%arg9 : memref<400x64xf32, #tpu.memory_space<vmem>>) target(%dma_start3A_216 : memref<10240x64xf32, #tpu.memory_space<vmem_shared>>) offsets(%dma_start3A_213 : memref<400xi32, #tpu.memory_space<vmem>>) semaphore(%arg15 : memref<!tpu.dma_semaphore, #tpu.memory_space<semaphore_mem>>) {add = true}
    %dma_wait3A_217 = arith.constant 4000 : i32
    %dma_wait3A_218 = tpu.memref_slice %arg6[%dma_wait3A_217] : memref<10000xi32, #tpu.memory_space<vmem>> -> memref<400xi32, #tpu.memory_space<vmem>>
    %dma_wait3A_219 = arith.constant 0 : i32
    %dma_wait3A_220 = arith.constant 0 : i32
    %dma_wait3A_221 = tpu.memref_slice %arg4[%dma_wait3A_219, %dma_wait3A_220] : memref<10000x64xf32, #tpu.memory_space<hbm>> -> memref<10000x64xf32, #tpu.memory_space<hbm>>
    tpu.wait_indirect_dma semaphore(%arg12 : memref<!tpu.dma_semaphore, #tpu.memory_space<semaphore_mem>>) src(%dma_wait3A_221 : memref<10000x64xf32, #tpu.memory_space<hbm>>) dst(%arg8 : memref<400x64xf32, #tpu.memory_space<vmem>>)
    %dma_wait3A_222 = arith.constant 3600 : i32
    %dma_wait3A_223 = tpu.memref_slice %arg7[%dma_wait3A_222] : memref<10000xi32, #tpu.memory_space<vmem>> -> memref<400xi32, #tpu.memory_space<vmem>>
    %dma_wait3A_224 = arith.constant 0 : i32
    %dma_wait3A_225 = arith.constant 0 : i32
    %dma_wait3A_226 = tpu.memref_slice %arg11[%dma_wait3A_224, %dma_wait3A_225] : memref<10240x64xf32, #tpu.memory_space<vmem_shared>> -> memref<10240x64xf32, #tpu.memory_space<vmem_shared>>
    tpu.wait_indirect_dma semaphore(%arg15 : memref<!tpu.dma_semaphore, #tpu.memory_space<semaphore_mem>>) src(%arg9 : memref<400x64xf32, #tpu.memory_space<vmem>>) dst(%dma_wait3A_226 : memref<10240x64xf32, #tpu.memory_space<vmem_shared>>)
    %dma_start3A_227 = arith.constant 4400 : i32
    %dma_start3A_228 = tpu.memref_slice %arg6[%dma_start3A_227] : memref<10000xi32, #tpu.memory_space<vmem>> -> memref<400xi32, #tpu.memory_space<vmem>>
    %dma_start3A_229 = arith.constant 0 : i32
    %dma_start3A_230 = arith.constant 0 : i32
    %dma_start3A_231 = tpu.memref_slice %arg4[%dma_start3A_229, %dma_start3A_230] : memref<10000x64xf32, #tpu.memory_space<hbm>> -> memref<10000x64xf32, #tpu.memory_space<hbm>>
    tpu.enqueue_indirect_dma source(%dma_start3A_231 : memref<10000x64xf32, #tpu.memory_space<hbm>>) target(%arg9 : memref<400x64xf32, #tpu.memory_space<vmem>>) offsets(%dma_start3A_228 : memref<400xi32, #tpu.memory_space<vmem>>) semaphore(%arg13 : memref<!tpu.dma_semaphore, #tpu.memory_space<semaphore_mem>>)
    %dma_start3A_232 = arith.constant 4000 : i32
    %dma_start3A_233 = tpu.memref_slice %arg7[%dma_start3A_232] : memref<10000xi32, #tpu.memory_space<vmem>> -> memref<400xi32, #tpu.memory_space<vmem>>
    %dma_start3A_234 = arith.constant 0 : i32
    %dma_start3A_235 = arith.constant 0 : i32
    %dma_start3A_236 = tpu.memref_slice %arg11[%dma_start3A_234, %dma_start3A_235] : memref<10240x64xf32, #tpu.memory_space<vmem_shared>> -> memref<10240x64xf32, #tpu.memory_space<vmem_shared>>
    tpu.enqueue_indirect_dma source(%arg8 : memref<400x64xf32, #tpu.memory_space<vmem>>) target(%dma_start3A_236 : memref<10240x64xf32, #tpu.memory_space<vmem_shared>>) offsets(%dma_start3A_233 : memref<400xi32, #tpu.memory_space<vmem>>) semaphore(%arg14 : memref<!tpu.dma_semaphore, #tpu.memory_space<semaphore_mem>>) {add = true}
    %dma_wait3A_237 = arith.constant 4400 : i32
    %dma_wait3A_238 = tpu.memref_slice %arg6[%dma_wait3A_237] : memref<10000xi32, #tpu.memory_space<vmem>> -> memref<400xi32, #tpu.memory_space<vmem>>
    %dma_wait3A_239 = arith.constant 0 : i32
    %dma_wait3A_240 = arith.constant 0 : i32
    %dma_wait3A_241 = tpu.memref_slice %arg4[%dma_wait3A_239, %dma_wait3A_240] : memref<10000x64xf32, #tpu.memory_space<hbm>> -> memref<10000x64xf32, #tpu.memory_space<hbm>>
    tpu.wait_indirect_dma semaphore(%arg13 : memref<!tpu.dma_semaphore, #tpu.memory_space<semaphore_mem>>) src(%dma_wait3A_241 : memref<10000x64xf32, #tpu.memory_space<hbm>>) dst(%arg9 : memref<400x64xf32, #tpu.memory_space<vmem>>)
    %dma_wait3A_242 = arith.constant 4000 : i32
    %dma_wait3A_243 = tpu.memref_slice %arg7[%dma_wait3A_242] : memref<10000xi32, #tpu.memory_space<vmem>> -> memref<400xi32, #tpu.memory_space<vmem>>
    %dma_wait3A_244 = arith.constant 0 : i32
    %dma_wait3A_245 = arith.constant 0 : i32
    %dma_wait3A_246 = tpu.memref_slice %arg11[%dma_wait3A_244, %dma_wait3A_245] : memref<10240x64xf32, #tpu.memory_space<vmem_shared>> -> memref<10240x64xf32, #tpu.memory_space<vmem_shared>>
    tpu.wait_indirect_dma semaphore(%arg14 : memref<!tpu.dma_semaphore, #tpu.memory_space<semaphore_mem>>) src(%arg8 : memref<400x64xf32, #tpu.memory_space<vmem>>) dst(%dma_wait3A_246 : memref<10240x64xf32, #tpu.memory_space<vmem_shared>>)
    %dma_start3A_247 = arith.constant 4800 : i32
    %dma_start3A_248 = tpu.memref_slice %arg6[%dma_start3A_247] : memref<10000xi32, #tpu.memory_space<vmem>> -> memref<400xi32, #tpu.memory_space<vmem>>
    %dma_start3A_249 = arith.constant 0 : i32
    %dma_start3A_250 = arith.constant 0 : i32
    %dma_start3A_251 = tpu.memref_slice %arg4[%dma_start3A_249, %dma_start3A_250] : memref<10000x64xf32, #tpu.memory_space<hbm>> -> memref<10000x64xf32, #tpu.memory_space<hbm>>
    tpu.enqueue_indirect_dma source(%dma_start3A_251 : memref<10000x64xf32, #tpu.memory_space<hbm>>) target(%arg8 : memref<400x64xf32, #tpu.memory_space<vmem>>) offsets(%dma_start3A_248 : memref<400xi32, #tpu.memory_space<vmem>>) semaphore(%arg12 : memref<!tpu.dma_semaphore, #tpu.memory_space<semaphore_mem>>)
    %dma_start3A_252 = arith.constant 4400 : i32
    %dma_start3A_253 = tpu.memref_slice %arg7[%dma_start3A_252] : memref<10000xi32, #tpu.memory_space<vmem>> -> memref<400xi32, #tpu.memory_space<vmem>>
    %dma_start3A_254 = arith.constant 0 : i32
    %dma_start3A_255 = arith.constant 0 : i32
    %dma_start3A_256 = tpu.memref_slice %arg11[%dma_start3A_254, %dma_start3A_255] : memref<10240x64xf32, #tpu.memory_space<vmem_shared>> -> memref<10240x64xf32, #tpu.memory_space<vmem_shared>>
    tpu.enqueue_indirect_dma source(%arg9 : memref<400x64xf32, #tpu.memory_space<vmem>>) target(%dma_start3A_256 : memref<10240x64xf32, #tpu.memory_space<vmem_shared>>) offsets(%dma_start3A_253 : memref<400xi32, #tpu.memory_space<vmem>>) semaphore(%arg15 : memref<!tpu.dma_semaphore, #tpu.memory_space<semaphore_mem>>) {add = true}
    %dma_wait3A_257 = arith.constant 4800 : i32
    %dma_wait3A_258 = tpu.memref_slice %arg6[%dma_wait3A_257] : memref<10000xi32, #tpu.memory_space<vmem>> -> memref<400xi32, #tpu.memory_space<vmem>>
    %dma_wait3A_259 = arith.constant 0 : i32
    %dma_wait3A_260 = arith.constant 0 : i32
    %dma_wait3A_261 = tpu.memref_slice %arg4[%dma_wait3A_259, %dma_wait3A_260] : memref<10000x64xf32, #tpu.memory_space<hbm>> -> memref<10000x64xf32, #tpu.memory_space<hbm>>
    tpu.wait_indirect_dma semaphore(%arg12 : memref<!tpu.dma_semaphore, #tpu.memory_space<semaphore_mem>>) src(%dma_wait3A_261 : memref<10000x64xf32, #tpu.memory_space<hbm>>) dst(%arg8 : memref<400x64xf32, #tpu.memory_space<vmem>>)
    %dma_wait3A_262 = arith.constant 4400 : i32
    %dma_wait3A_263 = tpu.memref_slice %arg7[%dma_wait3A_262] : memref<10000xi32, #tpu.memory_space<vmem>> -> memref<400xi32, #tpu.memory_space<vmem>>
    %dma_wait3A_264 = arith.constant 0 : i32
    %dma_wait3A_265 = arith.constant 0 : i32
    %dma_wait3A_266 = tpu.memref_slice %arg11[%dma_wait3A_264, %dma_wait3A_265] : memref<10240x64xf32, #tpu.memory_space<vmem_shared>> -> memref<10240x64xf32, #tpu.memory_space<vmem_shared>>
    tpu.wait_indirect_dma semaphore(%arg15 : memref<!tpu.dma_semaphore, #tpu.memory_space<semaphore_mem>>) src(%arg9 : memref<400x64xf32, #tpu.memory_space<vmem>>) dst(%dma_wait3A_266 : memref<10240x64xf32, #tpu.memory_space<vmem_shared>>)
    %dma_start3A_267 = arith.constant 5200 : i32
    %dma_start3A_268 = tpu.memref_slice %arg6[%dma_start3A_267] : memref<10000xi32, #tpu.memory_space<vmem>> -> memref<400xi32, #tpu.memory_space<vmem>>
    %dma_start3A_269 = arith.constant 0 : i32
    %dma_start3A_270 = arith.constant 0 : i32
    %dma_start3A_271 = tpu.memref_slice %arg4[%dma_start3A_269, %dma_start3A_270] : memref<10000x64xf32, #tpu.memory_space<hbm>> -> memref<10000x64xf32, #tpu.memory_space<hbm>>
    tpu.enqueue_indirect_dma source(%dma_start3A_271 : memref<10000x64xf32, #tpu.memory_space<hbm>>) target(%arg9 : memref<400x64xf32, #tpu.memory_space<vmem>>) offsets(%dma_start3A_268 : memref<400xi32, #tpu.memory_space<vmem>>) semaphore(%arg13 : memref<!tpu.dma_semaphore, #tpu.memory_space<semaphore_mem>>)
    %dma_start3A_272 = arith.constant 4800 : i32
    %dma_start3A_273 = tpu.memref_slice %arg7[%dma_start3A_272] : memref<10000xi32, #tpu.memory_space<vmem>> -> memref<400xi32, #tpu.memory_space<vmem>>
    %dma_start3A_274 = arith.constant 0 : i32
    %dma_start3A_275 = arith.constant 0 : i32
    %dma_start3A_276 = tpu.memref_slice %arg11[%dma_start3A_274, %dma_start3A_275] : memref<10240x64xf32, #tpu.memory_space<vmem_shared>> -> memref<10240x64xf32, #tpu.memory_space<vmem_shared>>
    tpu.enqueue_indirect_dma source(%arg8 : memref<400x64xf32, #tpu.memory_space<vmem>>) target(%dma_start3A_276 : memref<10240x64xf32, #tpu.memory_space<vmem_shared>>) offsets(%dma_start3A_273 : memref<400xi32, #tpu.memory_space<vmem>>) semaphore(%arg14 : memref<!tpu.dma_semaphore, #tpu.memory_space<semaphore_mem>>) {add = true}
    %dma_wait3A_277 = arith.constant 5200 : i32
    %dma_wait3A_278 = tpu.memref_slice %arg6[%dma_wait3A_277] : memref<10000xi32, #tpu.memory_space<vmem>> -> memref<400xi32, #tpu.memory_space<vmem>>
    %dma_wait3A_279 = arith.constant 0 : i32
    %dma_wait3A_280 = arith.constant 0 : i32
    %dma_wait3A_281 = tpu.memref_slice %arg4[%dma_wait3A_279, %dma_wait3A_280] : memref<10000x64xf32, #tpu.memory_space<hbm>> -> memref<10000x64xf32, #tpu.memory_space<hbm>>
    tpu.wait_indirect_dma semaphore(%arg13 : memref<!tpu.dma_semaphore, #tpu.memory_space<semaphore_mem>>) src(%dma_wait3A_281 : memref<10000x64xf32, #tpu.memory_space<hbm>>) dst(%arg9 : memref<400x64xf32, #tpu.memory_space<vmem>>)
    %dma_wait3A_282 = arith.constant 4800 : i32
    %dma_wait3A_283 = tpu.memref_slice %arg7[%dma_wait3A_282] : memref<10000xi32, #tpu.memory_space<vmem>> -> memref<400xi32, #tpu.memory_space<vmem>>
    %dma_wait3A_284 = arith.constant 0 : i32
    %dma_wait3A_285 = arith.constant 0 : i32
    %dma_wait3A_286 = tpu.memref_slice %arg11[%dma_wait3A_284, %dma_wait3A_285] : memref<10240x64xf32, #tpu.memory_space<vmem_shared>> -> memref<10240x64xf32, #tpu.memory_space<vmem_shared>>
    tpu.wait_indirect_dma semaphore(%arg14 : memref<!tpu.dma_semaphore, #tpu.memory_space<semaphore_mem>>) src(%arg8 : memref<400x64xf32, #tpu.memory_space<vmem>>) dst(%dma_wait3A_286 : memref<10240x64xf32, #tpu.memory_space<vmem_shared>>)
    %dma_start3A_287 = arith.constant 5600 : i32
    %dma_start3A_288 = tpu.memref_slice %arg6[%dma_start3A_287] : memref<10000xi32, #tpu.memory_space<vmem>> -> memref<400xi32, #tpu.memory_space<vmem>>
    %dma_start3A_289 = arith.constant 0 : i32
    %dma_start3A_290 = arith.constant 0 : i32
    %dma_start3A_291 = tpu.memref_slice %arg4[%dma_start3A_289, %dma_start3A_290] : memref<10000x64xf32, #tpu.memory_space<hbm>> -> memref<10000x64xf32, #tpu.memory_space<hbm>>
    tpu.enqueue_indirect_dma source(%dma_start3A_291 : memref<10000x64xf32, #tpu.memory_space<hbm>>) target(%arg8 : memref<400x64xf32, #tpu.memory_space<vmem>>) offsets(%dma_start3A_288 : memref<400xi32, #tpu.memory_space<vmem>>) semaphore(%arg12 : memref<!tpu.dma_semaphore, #tpu.memory_space<semaphore_mem>>)
    %dma_start3A_292 = arith.constant 5200 : i32
    %dma_start3A_293 = tpu.memref_slice %arg7[%dma_start3A_292] : memref<10000xi32, #tpu.memory_space<vmem>> -> memref<400xi32, #tpu.memory_space<vmem>>
    %dma_start3A_294 = arith.constant 0 : i32
    %dma_start3A_295 = arith.constant 0 : i32
    %dma_start3A_296 = tpu.memref_slice %arg11[%dma_start3A_294, %dma_start3A_295] : memref<10240x64xf32, #tpu.memory_space<vmem_shared>> -> memref<10240x64xf32, #tpu.memory_space<vmem_shared>>
    tpu.enqueue_indirect_dma source(%arg9 : memref<400x64xf32, #tpu.memory_space<vmem>>) target(%dma_start3A_296 : memref<10240x64xf32, #tpu.memory_space<vmem_shared>>) offsets(%dma_start3A_293 : memref<400xi32, #tpu.memory_space<vmem>>) semaphore(%arg15 : memref<!tpu.dma_semaphore, #tpu.memory_space<semaphore_mem>>) {add = true}
    %dma_wait3A_297 = arith.constant 5600 : i32
    %dma_wait3A_298 = tpu.memref_slice %arg6[%dma_wait3A_297] : memref<10000xi32, #tpu.memory_space<vmem>> -> memref<400xi32, #tpu.memory_space<vmem>>
    %dma_wait3A_299 = arith.constant 0 : i32
    %dma_wait3A_300 = arith.constant 0 : i32
    %dma_wait3A_301 = tpu.memref_slice %arg4[%dma_wait3A_299, %dma_wait3A_300] : memref<10000x64xf32, #tpu.memory_space<hbm>> -> memref<10000x64xf32, #tpu.memory_space<hbm>>
    tpu.wait_indirect_dma semaphore(%arg12 : memref<!tpu.dma_semaphore, #tpu.memory_space<semaphore_mem>>) src(%dma_wait3A_301 : memref<10000x64xf32, #tpu.memory_space<hbm>>) dst(%arg8 : memref<400x64xf32, #tpu.memory_space<vmem>>)
    %dma_wait3A_302 = arith.constant 5200 : i32
    %dma_wait3A_303 = tpu.memref_slice %arg7[%dma_wait3A_302] : memref<10000xi32, #tpu.memory_space<vmem>> -> memref<400xi32, #tpu.memory_space<vmem>>
    %dma_wait3A_304 = arith.constant 0 : i32
    %dma_wait3A_305 = arith.constant 0 : i32
    %dma_wait3A_306 = tpu.memref_slice %arg11[%dma_wait3A_304, %dma_wait3A_305] : memref<10240x64xf32, #tpu.memory_space<vmem_shared>> -> memref<10240x64xf32, #tpu.memory_space<vmem_shared>>
    tpu.wait_indirect_dma semaphore(%arg15 : memref<!tpu.dma_semaphore, #tpu.memory_space<semaphore_mem>>) src(%arg9 : memref<400x64xf32, #tpu.memory_space<vmem>>) dst(%dma_wait3A_306 : memref<10240x64xf32, #tpu.memory_space<vmem_shared>>)
    %dma_start3A_307 = arith.constant 6000 : i32
    %dma_start3A_308 = tpu.memref_slice %arg6[%dma_start3A_307] : memref<10000xi32, #tpu.memory_space<vmem>> -> memref<400xi32, #tpu.memory_space<vmem>>
    %dma_start3A_309 = arith.constant 0 : i32
    %dma_start3A_310 = arith.constant 0 : i32
    %dma_start3A_311 = tpu.memref_slice %arg4[%dma_start3A_309, %dma_start3A_310] : memref<10000x64xf32, #tpu.memory_space<hbm>> -> memref<10000x64xf32, #tpu.memory_space<hbm>>
    tpu.enqueue_indirect_dma source(%dma_start3A_311 : memref<10000x64xf32, #tpu.memory_space<hbm>>) target(%arg9 : memref<400x64xf32, #tpu.memory_space<vmem>>) offsets(%dma_start3A_308 : memref<400xi32, #tpu.memory_space<vmem>>) semaphore(%arg13 : memref<!tpu.dma_semaphore, #tpu.memory_space<semaphore_mem>>)
    %dma_start3A_312 = arith.constant 5600 : i32
    %dma_start3A_313 = tpu.memref_slice %arg7[%dma_start3A_312] : memref<10000xi32, #tpu.memory_space<vmem>> -> memref<400xi32, #tpu.memory_space<vmem>>
    %dma_start3A_314 = arith.constant 0 : i32
    %dma_start3A_315 = arith.constant 0 : i32
    %dma_start3A_316 = tpu.memref_slice %arg11[%dma_start3A_314, %dma_start3A_315] : memref<10240x64xf32, #tpu.memory_space<vmem_shared>> -> memref<10240x64xf32, #tpu.memory_space<vmem_shared>>
    tpu.enqueue_indirect_dma source(%arg8 : memref<400x64xf32, #tpu.memory_space<vmem>>) target(%dma_start3A_316 : memref<10240x64xf32, #tpu.memory_space<vmem_shared>>) offsets(%dma_start3A_313 : memref<400xi32, #tpu.memory_space<vmem>>) semaphore(%arg14 : memref<!tpu.dma_semaphore, #tpu.memory_space<semaphore_mem>>) {add = true}
    %dma_wait3A_317 = arith.constant 6000 : i32
    %dma_wait3A_318 = tpu.memref_slice %arg6[%dma_wait3A_317] : memref<10000xi32, #tpu.memory_space<vmem>> -> memref<400xi32, #tpu.memory_space<vmem>>
    %dma_wait3A_319 = arith.constant 0 : i32
    %dma_wait3A_320 = arith.constant 0 : i32
    %dma_wait3A_321 = tpu.memref_slice %arg4[%dma_wait3A_319, %dma_wait3A_320] : memref<10000x64xf32, #tpu.memory_space<hbm>> -> memref<10000x64xf32, #tpu.memory_space<hbm>>
    tpu.wait_indirect_dma semaphore(%arg13 : memref<!tpu.dma_semaphore, #tpu.memory_space<semaphore_mem>>) src(%dma_wait3A_321 : memref<10000x64xf32, #tpu.memory_space<hbm>>) dst(%arg9 : memref<400x64xf32, #tpu.memory_space<vmem>>)
    %dma_wait3A_322 = arith.constant 5600 : i32
    %dma_wait3A_323 = tpu.memref_slice %arg7[%dma_wait3A_322] : memref<10000xi32, #tpu.memory_space<vmem>> -> memref<400xi32, #tpu.memory_space<vmem>>
    %dma_wait3A_324 = arith.constant 0 : i32
    %dma_wait3A_325 = arith.constant 0 : i32
    %dma_wait3A_326 = tpu.memref_slice %arg11[%dma_wait3A_324, %dma_wait3A_325] : memref<10240x64xf32, #tpu.memory_space<vmem_shared>> -> memref<10240x64xf32, #tpu.memory_space<vmem_shared>>
    tpu.wait_indirect_dma semaphore(%arg14 : memref<!tpu.dma_semaphore, #tpu.memory_space<semaphore_mem>>) src(%arg8 : memref<400x64xf32, #tpu.memory_space<vmem>>) dst(%dma_wait3A_326 : memref<10240x64xf32, #tpu.memory_space<vmem_shared>>)
    %dma_start3A_327 = arith.constant 6400 : i32
    %dma_start3A_328 = tpu.memref_slice %arg6[%dma_start3A_327] : memref<10000xi32, #tpu.memory_space<vmem>> -> memref<400xi32, #tpu.memory_space<vmem>>
    %dma_start3A_329 = arith.constant 0 : i32
    %dma_start3A_330 = arith.constant 0 : i32
    %dma_start3A_331 = tpu.memref_slice %arg4[%dma_start3A_329, %dma_start3A_330] : memref<10000x64xf32, #tpu.memory_space<hbm>> -> memref<10000x64xf32, #tpu.memory_space<hbm>>
    tpu.enqueue_indirect_dma source(%dma_start3A_331 : memref<10000x64xf32, #tpu.memory_space<hbm>>) target(%arg8 : memref<400x64xf32, #tpu.memory_space<vmem>>) offsets(%dma_start3A_328 : memref<400xi32, #tpu.memory_space<vmem>>) semaphore(%arg12 : memref<!tpu.dma_semaphore, #tpu.memory_space<semaphore_mem>>)
    %dma_start3A_332 = arith.constant 6000 : i32
    %dma_start3A_333 = tpu.memref_slice %arg7[%dma_start3A_332] : memref<10000xi32, #tpu.memory_space<vmem>> -> memref<400xi32, #tpu.memory_space<vmem>>
    %dma_start3A_334 = arith.constant 0 : i32
    %dma_start3A_335 = arith.constant 0 : i32
    %dma_start3A_336 = tpu.memref_slice %arg11[%dma_start3A_334, %dma_start3A_335] : memref<10240x64xf32, #tpu.memory_space<vmem_shared>> -> memref<10240x64xf32, #tpu.memory_space<vmem_shared>>
    tpu.enqueue_indirect_dma source(%arg9 : memref<400x64xf32, #tpu.memory_space<vmem>>) target(%dma_start3A_336 : memref<10240x64xf32, #tpu.memory_space<vmem_shared>>) offsets(%dma_start3A_333 : memref<400xi32, #tpu.memory_space<vmem>>) semaphore(%arg15 : memref<!tpu.dma_semaphore, #tpu.memory_space<semaphore_mem>>) {add = true}
    %dma_wait3A_337 = arith.constant 6400 : i32
    %dma_wait3A_338 = tpu.memref_slice %arg6[%dma_wait3A_337] : memref<10000xi32, #tpu.memory_space<vmem>> -> memref<400xi32, #tpu.memory_space<vmem>>
    %dma_wait3A_339 = arith.constant 0 : i32
    %dma_wait3A_340 = arith.constant 0 : i32
    %dma_wait3A_341 = tpu.memref_slice %arg4[%dma_wait3A_339, %dma_wait3A_340] : memref<10000x64xf32, #tpu.memory_space<hbm>> -> memref<10000x64xf32, #tpu.memory_space<hbm>>
    tpu.wait_indirect_dma semaphore(%arg12 : memref<!tpu.dma_semaphore, #tpu.memory_space<semaphore_mem>>) src(%dma_wait3A_341 : memref<10000x64xf32, #tpu.memory_space<hbm>>) dst(%arg8 : memref<400x64xf32, #tpu.memory_space<vmem>>)
    %dma_wait3A_342 = arith.constant 6000 : i32
    %dma_wait3A_343 = tpu.memref_slice %arg7[%dma_wait3A_342] : memref<10000xi32, #tpu.memory_space<vmem>> -> memref<400xi32, #tpu.memory_space<vmem>>
    %dma_wait3A_344 = arith.constant 0 : i32
    %dma_wait3A_345 = arith.constant 0 : i32
    %dma_wait3A_346 = tpu.memref_slice %arg11[%dma_wait3A_344, %dma_wait3A_345] : memref<10240x64xf32, #tpu.memory_space<vmem_shared>> -> memref<10240x64xf32, #tpu.memory_space<vmem_shared>>
    tpu.wait_indirect_dma semaphore(%arg15 : memref<!tpu.dma_semaphore, #tpu.memory_space<semaphore_mem>>) src(%arg9 : memref<400x64xf32, #tpu.memory_space<vmem>>) dst(%dma_wait3A_346 : memref<10240x64xf32, #tpu.memory_space<vmem_shared>>)
    %dma_start3A_347 = arith.constant 6800 : i32
    %dma_start3A_348 = tpu.memref_slice %arg6[%dma_start3A_347] : memref<10000xi32, #tpu.memory_space<vmem>> -> memref<400xi32, #tpu.memory_space<vmem>>
    %dma_start3A_349 = arith.constant 0 : i32
    %dma_start3A_350 = arith.constant 0 : i32
    %dma_start3A_351 = tpu.memref_slice %arg4[%dma_start3A_349, %dma_start3A_350] : memref<10000x64xf32, #tpu.memory_space<hbm>> -> memref<10000x64xf32, #tpu.memory_space<hbm>>
    tpu.enqueue_indirect_dma source(%dma_start3A_351 : memref<10000x64xf32, #tpu.memory_space<hbm>>) target(%arg9 : memref<400x64xf32, #tpu.memory_space<vmem>>) offsets(%dma_start3A_348 : memref<400xi32, #tpu.memory_space<vmem>>) semaphore(%arg13 : memref<!tpu.dma_semaphore, #tpu.memory_space<semaphore_mem>>)
    %dma_start3A_352 = arith.constant 6400 : i32
    %dma_start3A_353 = tpu.memref_slice %arg7[%dma_start3A_352] : memref<10000xi32, #tpu.memory_space<vmem>> -> memref<400xi32, #tpu.memory_space<vmem>>
    %dma_start3A_354 = arith.constant 0 : i32
    %dma_start3A_355 = arith.constant 0 : i32
    %dma_start3A_356 = tpu.memref_slice %arg11[%dma_start3A_354, %dma_start3A_355] : memref<10240x64xf32, #tpu.memory_space<vmem_shared>> -> memref<10240x64xf32, #tpu.memory_space<vmem_shared>>
    tpu.enqueue_indirect_dma source(%arg8 : memref<400x64xf32, #tpu.memory_space<vmem>>) target(%dma_start3A_356 : memref<10240x64xf32, #tpu.memory_space<vmem_shared>>) offsets(%dma_start3A_353 : memref<400xi32, #tpu.memory_space<vmem>>) semaphore(%arg14 : memref<!tpu.dma_semaphore, #tpu.memory_space<semaphore_mem>>) {add = true}
    %dma_wait3A_357 = arith.constant 6800 : i32
    %dma_wait3A_358 = tpu.memref_slice %arg6[%dma_wait3A_357] : memref<10000xi32, #tpu.memory_space<vmem>> -> memref<400xi32, #tpu.memory_space<vmem>>
    %dma_wait3A_359 = arith.constant 0 : i32
    %dma_wait3A_360 = arith.constant 0 : i32
    %dma_wait3A_361 = tpu.memref_slice %arg4[%dma_wait3A_359, %dma_wait3A_360] : memref<10000x64xf32, #tpu.memory_space<hbm>> -> memref<10000x64xf32, #tpu.memory_space<hbm>>
    tpu.wait_indirect_dma semaphore(%arg13 : memref<!tpu.dma_semaphore, #tpu.memory_space<semaphore_mem>>) src(%dma_wait3A_361 : memref<10000x64xf32, #tpu.memory_space<hbm>>) dst(%arg9 : memref<400x64xf32, #tpu.memory_space<vmem>>)
    %dma_wait3A_362 = arith.constant 6400 : i32
    %dma_wait3A_363 = tpu.memref_slice %arg7[%dma_wait3A_362] : memref<10000xi32, #tpu.memory_space<vmem>> -> memref<400xi32, #tpu.memory_space<vmem>>
    %dma_wait3A_364 = arith.constant 0 : i32
    %dma_wait3A_365 = arith.constant 0 : i32
    %dma_wait3A_366 = tpu.memref_slice %arg11[%dma_wait3A_364, %dma_wait3A_365] : memref<10240x64xf32, #tpu.memory_space<vmem_shared>> -> memref<10240x64xf32, #tpu.memory_space<vmem_shared>>
    tpu.wait_indirect_dma semaphore(%arg14 : memref<!tpu.dma_semaphore, #tpu.memory_space<semaphore_mem>>) src(%arg8 : memref<400x64xf32, #tpu.memory_space<vmem>>) dst(%dma_wait3A_366 : memref<10240x64xf32, #tpu.memory_space<vmem_shared>>)
    %dma_start3A_367 = arith.constant 7200 : i32
    %dma_start3A_368 = tpu.memref_slice %arg6[%dma_start3A_367] : memref<10000xi32, #tpu.memory_space<vmem>> -> memref<400xi32, #tpu.memory_space<vmem>>
    %dma_start3A_369 = arith.constant 0 : i32
    %dma_start3A_370 = arith.constant 0 : i32
    %dma_start3A_371 = tpu.memref_slice %arg4[%dma_start3A_369, %dma_start3A_370] : memref<10000x64xf32, #tpu.memory_space<hbm>> -> memref<10000x64xf32, #tpu.memory_space<hbm>>
    tpu.enqueue_indirect_dma source(%dma_start3A_371 : memref<10000x64xf32, #tpu.memory_space<hbm>>) target(%arg8 : memref<400x64xf32, #tpu.memory_space<vmem>>) offsets(%dma_start3A_368 : memref<400xi32, #tpu.memory_space<vmem>>) semaphore(%arg12 : memref<!tpu.dma_semaphore, #tpu.memory_space<semaphore_mem>>)
    %dma_start3A_372 = arith.constant 6800 : i32
    %dma_start3A_373 = tpu.memref_slice %arg7[%dma_start3A_372] : memref<10000xi32, #tpu.memory_space<vmem>> -> memref<400xi32, #tpu.memory_space<vmem>>
    %dma_start3A_374 = arith.constant 0 : i32
    %dma_start3A_375 = arith.constant 0 : i32
    %dma_start3A_376 = tpu.memref_slice %arg11[%dma_start3A_374, %dma_start3A_375] : memref<10240x64xf32, #tpu.memory_space<vmem_shared>> -> memref<10240x64xf32, #tpu.memory_space<vmem_shared>>
    tpu.enqueue_indirect_dma source(%arg9 : memref<400x64xf32, #tpu.memory_space<vmem>>) target(%dma_start3A_376 : memref<10240x64xf32, #tpu.memory_space<vmem_shared>>) offsets(%dma_start3A_373 : memref<400xi32, #tpu.memory_space<vmem>>) semaphore(%arg15 : memref<!tpu.dma_semaphore, #tpu.memory_space<semaphore_mem>>) {add = true}
    %dma_wait3A_377 = arith.constant 7200 : i32
    %dma_wait3A_378 = tpu.memref_slice %arg6[%dma_wait3A_377] : memref<10000xi32, #tpu.memory_space<vmem>> -> memref<400xi32, #tpu.memory_space<vmem>>
    %dma_wait3A_379 = arith.constant 0 : i32
    %dma_wait3A_380 = arith.constant 0 : i32
    %dma_wait3A_381 = tpu.memref_slice %arg4[%dma_wait3A_379, %dma_wait3A_380] : memref<10000x64xf32, #tpu.memory_space<hbm>> -> memref<10000x64xf32, #tpu.memory_space<hbm>>
    tpu.wait_indirect_dma semaphore(%arg12 : memref<!tpu.dma_semaphore, #tpu.memory_space<semaphore_mem>>) src(%dma_wait3A_381 : memref<10000x64xf32, #tpu.memory_space<hbm>>) dst(%arg8 : memref<400x64xf32, #tpu.memory_space<vmem>>)
    %dma_wait3A_382 = arith.constant 6800 : i32
    %dma_wait3A_383 = tpu.memref_slice %arg7[%dma_wait3A_382] : memref<10000xi32, #tpu.memory_space<vmem>> -> memref<400xi32, #tpu.memory_space<vmem>>
    %dma_wait3A_384 = arith.constant 0 : i32
    %dma_wait3A_385 = arith.constant 0 : i32
    %dma_wait3A_386 = tpu.memref_slice %arg11[%dma_wait3A_384, %dma_wait3A_385] : memref<10240x64xf32, #tpu.memory_space<vmem_shared>> -> memref<10240x64xf32, #tpu.memory_space<vmem_shared>>
    tpu.wait_indirect_dma semaphore(%arg15 : memref<!tpu.dma_semaphore, #tpu.memory_space<semaphore_mem>>) src(%arg9 : memref<400x64xf32, #tpu.memory_space<vmem>>) dst(%dma_wait3A_386 : memref<10240x64xf32, #tpu.memory_space<vmem_shared>>)
    %dma_start3A_387 = arith.constant 7600 : i32
    %dma_start3A_388 = tpu.memref_slice %arg6[%dma_start3A_387] : memref<10000xi32, #tpu.memory_space<vmem>> -> memref<400xi32, #tpu.memory_space<vmem>>
    %dma_start3A_389 = arith.constant 0 : i32
    %dma_start3A_390 = arith.constant 0 : i32
    %dma_start3A_391 = tpu.memref_slice %arg4[%dma_start3A_389, %dma_start3A_390] : memref<10000x64xf32, #tpu.memory_space<hbm>> -> memref<10000x64xf32, #tpu.memory_space<hbm>>
    tpu.enqueue_indirect_dma source(%dma_start3A_391 : memref<10000x64xf32, #tpu.memory_space<hbm>>) target(%arg9 : memref<400x64xf32, #tpu.memory_space<vmem>>) offsets(%dma_start3A_388 : memref<400xi32, #tpu.memory_space<vmem>>) semaphore(%arg13 : memref<!tpu.dma_semaphore, #tpu.memory_space<semaphore_mem>>)
    %dma_start3A_392 = arith.constant 7200 : i32
    %dma_start3A_393 = tpu.memref_slice %arg7[%dma_start3A_392] : memref<10000xi32, #tpu.memory_space<vmem>> -> memref<400xi32, #tpu.memory_space<vmem>>
    %dma_start3A_394 = arith.constant 0 : i32
    %dma_start3A_395 = arith.constant 0 : i32
    %dma_start3A_396 = tpu.memref_slice %arg11[%dma_start3A_394, %dma_start3A_395] : memref<10240x64xf32, #tpu.memory_space<vmem_shared>> -> memref<10240x64xf32, #tpu.memory_space<vmem_shared>>
    tpu.enqueue_indirect_dma source(%arg8 : memref<400x64xf32, #tpu.memory_space<vmem>>) target(%dma_start3A_396 : memref<10240x64xf32, #tpu.memory_space<vmem_shared>>) offsets(%dma_start3A_393 : memref<400xi32, #tpu.memory_space<vmem>>) semaphore(%arg14 : memref<!tpu.dma_semaphore, #tpu.memory_space<semaphore_mem>>) {add = true}
    %dma_wait3A_397 = arith.constant 7600 : i32
    %dma_wait3A_398 = tpu.memref_slice %arg6[%dma_wait3A_397] : memref<10000xi32, #tpu.memory_space<vmem>> -> memref<400xi32, #tpu.memory_space<vmem>>
    %dma_wait3A_399 = arith.constant 0 : i32
    %dma_wait3A_400 = arith.constant 0 : i32
    %dma_wait3A_401 = tpu.memref_slice %arg4[%dma_wait3A_399, %dma_wait3A_400] : memref<10000x64xf32, #tpu.memory_space<hbm>> -> memref<10000x64xf32, #tpu.memory_space<hbm>>
    tpu.wait_indirect_dma semaphore(%arg13 : memref<!tpu.dma_semaphore, #tpu.memory_space<semaphore_mem>>) src(%dma_wait3A_401 : memref<10000x64xf32, #tpu.memory_space<hbm>>) dst(%arg9 : memref<400x64xf32, #tpu.memory_space<vmem>>)
    %dma_wait3A_402 = arith.constant 7200 : i32
    %dma_wait3A_403 = tpu.memref_slice %arg7[%dma_wait3A_402] : memref<10000xi32, #tpu.memory_space<vmem>> -> memref<400xi32, #tpu.memory_space<vmem>>
    %dma_wait3A_404 = arith.constant 0 : i32
    %dma_wait3A_405 = arith.constant 0 : i32
    %dma_wait3A_406 = tpu.memref_slice %arg11[%dma_wait3A_404, %dma_wait3A_405] : memref<10240x64xf32, #tpu.memory_space<vmem_shared>> -> memref<10240x64xf32, #tpu.memory_space<vmem_shared>>
    tpu.wait_indirect_dma semaphore(%arg14 : memref<!tpu.dma_semaphore, #tpu.memory_space<semaphore_mem>>) src(%arg8 : memref<400x64xf32, #tpu.memory_space<vmem>>) dst(%dma_wait3A_406 : memref<10240x64xf32, #tpu.memory_space<vmem_shared>>)
    %dma_start3A_407 = arith.constant 8000 : i32
    %dma_start3A_408 = tpu.memref_slice %arg6[%dma_start3A_407] : memref<10000xi32, #tpu.memory_space<vmem>> -> memref<400xi32, #tpu.memory_space<vmem>>
    %dma_start3A_409 = arith.constant 0 : i32
    %dma_start3A_410 = arith.constant 0 : i32
    %dma_start3A_411 = tpu.memref_slice %arg4[%dma_start3A_409, %dma_start3A_410] : memref<10000x64xf32, #tpu.memory_space<hbm>> -> memref<10000x64xf32, #tpu.memory_space<hbm>>
    tpu.enqueue_indirect_dma source(%dma_start3A_411 : memref<10000x64xf32, #tpu.memory_space<hbm>>) target(%arg8 : memref<400x64xf32, #tpu.memory_space<vmem>>) offsets(%dma_start3A_408 : memref<400xi32, #tpu.memory_space<vmem>>) semaphore(%arg12 : memref<!tpu.dma_semaphore, #tpu.memory_space<semaphore_mem>>)
    %dma_start3A_412 = arith.constant 7600 : i32
    %dma_start3A_413 = tpu.memref_slice %arg7[%dma_start3A_412] : memref<10000xi32, #tpu.memory_space<vmem>> -> memref<400xi32, #tpu.memory_space<vmem>>
    %dma_start3A_414 = arith.constant 0 : i32
    %dma_start3A_415 = arith.constant 0 : i32
    %dma_start3A_416 = tpu.memref_slice %arg11[%dma_start3A_414, %dma_start3A_415] : memref<10240x64xf32, #tpu.memory_space<vmem_shared>> -> memref<10240x64xf32, #tpu.memory_space<vmem_shared>>
    tpu.enqueue_indirect_dma source(%arg9 : memref<400x64xf32, #tpu.memory_space<vmem>>) target(%dma_start3A_416 : memref<10240x64xf32, #tpu.memory_space<vmem_shared>>) offsets(%dma_start3A_413 : memref<400xi32, #tpu.memory_space<vmem>>) semaphore(%arg15 : memref<!tpu.dma_semaphore, #tpu.memory_space<semaphore_mem>>) {add = true}
    %dma_wait3A_417 = arith.constant 8000 : i32
    %dma_wait3A_418 = tpu.memref_slice %arg6[%dma_wait3A_417] : memref<10000xi32, #tpu.memory_space<vmem>> -> memref<400xi32, #tpu.memory_space<vmem>>
    %dma_wait3A_419 = arith.constant 0 : i32
    %dma_wait3A_420 = arith.constant 0 : i32
    %dma_wait3A_421 = tpu.memref_slice %arg4[%dma_wait3A_419, %dma_wait3A_420] : memref<10000x64xf32, #tpu.memory_space<hbm>> -> memref<10000x64xf32, #tpu.memory_space<hbm>>
    tpu.wait_indirect_dma semaphore(%arg12 : memref<!tpu.dma_semaphore, #tpu.memory_space<semaphore_mem>>) src(%dma_wait3A_421 : memref<10000x64xf32, #tpu.memory_space<hbm>>) dst(%arg8 : memref<400x64xf32, #tpu.memory_space<vmem>>)
    %dma_wait3A_422 = arith.constant 7600 : i32
    %dma_wait3A_423 = tpu.memref_slice %arg7[%dma_wait3A_422] : memref<10000xi32, #tpu.memory_space<vmem>> -> memref<400xi32, #tpu.memory_space<vmem>>
    %dma_wait3A_424 = arith.constant 0 : i32
    %dma_wait3A_425 = arith.constant 0 : i32
    %dma_wait3A_426 = tpu.memref_slice %arg11[%dma_wait3A_424, %dma_wait3A_425] : memref<10240x64xf32, #tpu.memory_space<vmem_shared>> -> memref<10240x64xf32, #tpu.memory_space<vmem_shared>>
    tpu.wait_indirect_dma semaphore(%arg15 : memref<!tpu.dma_semaphore, #tpu.memory_space<semaphore_mem>>) src(%arg9 : memref<400x64xf32, #tpu.memory_space<vmem>>) dst(%dma_wait3A_426 : memref<10240x64xf32, #tpu.memory_space<vmem_shared>>)
    %dma_start3A_427 = arith.constant 8400 : i32
    %dma_start3A_428 = tpu.memref_slice %arg6[%dma_start3A_427] : memref<10000xi32, #tpu.memory_space<vmem>> -> memref<400xi32, #tpu.memory_space<vmem>>
    %dma_start3A_429 = arith.constant 0 : i32
    %dma_start3A_430 = arith.constant 0 : i32
    %dma_start3A_431 = tpu.memref_slice %arg4[%dma_start3A_429, %dma_start3A_430] : memref<10000x64xf32, #tpu.memory_space<hbm>> -> memref<10000x64xf32, #tpu.memory_space<hbm>>
    tpu.enqueue_indirect_dma source(%dma_start3A_431 : memref<10000x64xf32, #tpu.memory_space<hbm>>) target(%arg9 : memref<400x64xf32, #tpu.memory_space<vmem>>) offsets(%dma_start3A_428 : memref<400xi32, #tpu.memory_space<vmem>>) semaphore(%arg13 : memref<!tpu.dma_semaphore, #tpu.memory_space<semaphore_mem>>)
    %dma_start3A_432 = arith.constant 8000 : i32
    %dma_start3A_433 = tpu.memref_slice %arg7[%dma_start3A_432] : memref<10000xi32, #tpu.memory_space<vmem>> -> memref<400xi32, #tpu.memory_space<vmem>>
    %dma_start3A_434 = arith.constant 0 : i32
    %dma_start3A_435 = arith.constant 0 : i32
    %dma_start3A_436 = tpu.memref_slice %arg11[%dma_start3A_434, %dma_start3A_435] : memref<10240x64xf32, #tpu.memory_space<vmem_shared>> -> memref<10240x64xf32, #tpu.memory_space<vmem_shared>>
    tpu.enqueue_indirect_dma source(%arg8 : memref<400x64xf32, #tpu.memory_space<vmem>>) target(%dma_start3A_436 : memref<10240x64xf32, #tpu.memory_space<vmem_shared>>) offsets(%dma_start3A_433 : memref<400xi32, #tpu.memory_space<vmem>>) semaphore(%arg14 : memref<!tpu.dma_semaphore, #tpu.memory_space<semaphore_mem>>) {add = true}
    %dma_wait3A_437 = arith.constant 8400 : i32
    %dma_wait3A_438 = tpu.memref_slice %arg6[%dma_wait3A_437] : memref<10000xi32, #tpu.memory_space<vmem>> -> memref<400xi32, #tpu.memory_space<vmem>>
    %dma_wait3A_439 = arith.constant 0 : i32
    %dma_wait3A_440 = arith.constant 0 : i32
    %dma_wait3A_441 = tpu.memref_slice %arg4[%dma_wait3A_439, %dma_wait3A_440] : memref<10000x64xf32, #tpu.memory_space<hbm>> -> memref<10000x64xf32, #tpu.memory_space<hbm>>
    tpu.wait_indirect_dma semaphore(%arg13 : memref<!tpu.dma_semaphore, #tpu.memory_space<semaphore_mem>>) src(%dma_wait3A_441 : memref<10000x64xf32, #tpu.memory_space<hbm>>) dst(%arg9 : memref<400x64xf32, #tpu.memory_space<vmem>>)
    %dma_wait3A_442 = arith.constant 8000 : i32
    %dma_wait3A_443 = tpu.memref_slice %arg7[%dma_wait3A_442] : memref<10000xi32, #tpu.memory_space<vmem>> -> memref<400xi32, #tpu.memory_space<vmem>>
    %dma_wait3A_444 = arith.constant 0 : i32
    %dma_wait3A_445 = arith.constant 0 : i32
    %dma_wait3A_446 = tpu.memref_slice %arg11[%dma_wait3A_444, %dma_wait3A_445] : memref<10240x64xf32, #tpu.memory_space<vmem_shared>> -> memref<10240x64xf32, #tpu.memory_space<vmem_shared>>
    tpu.wait_indirect_dma semaphore(%arg14 : memref<!tpu.dma_semaphore, #tpu.memory_space<semaphore_mem>>) src(%arg8 : memref<400x64xf32, #tpu.memory_space<vmem>>) dst(%dma_wait3A_446 : memref<10240x64xf32, #tpu.memory_space<vmem_shared>>)
    %dma_start3A_447 = arith.constant 8800 : i32
    %dma_start3A_448 = tpu.memref_slice %arg6[%dma_start3A_447] : memref<10000xi32, #tpu.memory_space<vmem>> -> memref<400xi32, #tpu.memory_space<vmem>>
    %dma_start3A_449 = arith.constant 0 : i32
    %dma_start3A_450 = arith.constant 0 : i32
    %dma_start3A_451 = tpu.memref_slice %arg4[%dma_start3A_449, %dma_start3A_450] : memref<10000x64xf32, #tpu.memory_space<hbm>> -> memref<10000x64xf32, #tpu.memory_space<hbm>>
    tpu.enqueue_indirect_dma source(%dma_start3A_451 : memref<10000x64xf32, #tpu.memory_space<hbm>>) target(%arg8 : memref<400x64xf32, #tpu.memory_space<vmem>>) offsets(%dma_start3A_448 : memref<400xi32, #tpu.memory_space<vmem>>) semaphore(%arg12 : memref<!tpu.dma_semaphore, #tpu.memory_space<semaphore_mem>>)
    %dma_start3A_452 = arith.constant 8400 : i32
    %dma_start3A_453 = tpu.memref_slice %arg7[%dma_start3A_452] : memref<10000xi32, #tpu.memory_space<vmem>> -> memref<400xi32, #tpu.memory_space<vmem>>
    %dma_start3A_454 = arith.constant 0 : i32
    %dma_start3A_455 = arith.constant 0 : i32
    %dma_start3A_456 = tpu.memref_slice %arg11[%dma_start3A_454, %dma_start3A_455] : memref<10240x64xf32, #tpu.memory_space<vmem_shared>> -> memref<10240x64xf32, #tpu.memory_space<vmem_shared>>
    tpu.enqueue_indirect_dma source(%arg9 : memref<400x64xf32, #tpu.memory_space<vmem>>) target(%dma_start3A_456 : memref<10240x64xf32, #tpu.memory_space<vmem_shared>>) offsets(%dma_start3A_453 : memref<400xi32, #tpu.memory_space<vmem>>) semaphore(%arg15 : memref<!tpu.dma_semaphore, #tpu.memory_space<semaphore_mem>>) {add = true}
    %dma_wait3A_457 = arith.constant 8800 : i32
    %dma_wait3A_458 = tpu.memref_slice %arg6[%dma_wait3A_457] : memref<10000xi32, #tpu.memory_space<vmem>> -> memref<400xi32, #tpu.memory_space<vmem>>
    %dma_wait3A_459 = arith.constant 0 : i32
    %dma_wait3A_460 = arith.constant 0 : i32
    %dma_wait3A_461 = tpu.memref_slice %arg4[%dma_wait3A_459, %dma_wait3A_460] : memref<10000x64xf32, #tpu.memory_space<hbm>> -> memref<10000x64xf32, #tpu.memory_space<hbm>>
    tpu.wait_indirect_dma semaphore(%arg12 : memref<!tpu.dma_semaphore, #tpu.memory_space<semaphore_mem>>) src(%dma_wait3A_461 : memref<10000x64xf32, #tpu.memory_space<hbm>>) dst(%arg8 : memref<400x64xf32, #tpu.memory_space<vmem>>)
    %dma_wait3A_462 = arith.constant 8400 : i32
    %dma_wait3A_463 = tpu.memref_slice %arg7[%dma_wait3A_462] : memref<10000xi32, #tpu.memory_space<vmem>> -> memref<400xi32, #tpu.memory_space<vmem>>
    %dma_wait3A_464 = arith.constant 0 : i32
    %dma_wait3A_465 = arith.constant 0 : i32
    %dma_wait3A_466 = tpu.memref_slice %arg11[%dma_wait3A_464, %dma_wait3A_465] : memref<10240x64xf32, #tpu.memory_space<vmem_shared>> -> memref<10240x64xf32, #tpu.memory_space<vmem_shared>>
    tpu.wait_indirect_dma semaphore(%arg15 : memref<!tpu.dma_semaphore, #tpu.memory_space<semaphore_mem>>) src(%arg9 : memref<400x64xf32, #tpu.memory_space<vmem>>) dst(%dma_wait3A_466 : memref<10240x64xf32, #tpu.memory_space<vmem_shared>>)
    %dma_start3A_467 = arith.constant 9200 : i32
    %dma_start3A_468 = tpu.memref_slice %arg6[%dma_start3A_467] : memref<10000xi32, #tpu.memory_space<vmem>> -> memref<400xi32, #tpu.memory_space<vmem>>
    %dma_start3A_469 = arith.constant 0 : i32
    %dma_start3A_470 = arith.constant 0 : i32
    %dma_start3A_471 = tpu.memref_slice %arg4[%dma_start3A_469, %dma_start3A_470] : memref<10000x64xf32, #tpu.memory_space<hbm>> -> memref<10000x64xf32, #tpu.memory_space<hbm>>
    tpu.enqueue_indirect_dma source(%dma_start3A_471 : memref<10000x64xf32, #tpu.memory_space<hbm>>) target(%arg9 : memref<400x64xf32, #tpu.memory_space<vmem>>) offsets(%dma_start3A_468 : memref<400xi32, #tpu.memory_space<vmem>>) semaphore(%arg13 : memref<!tpu.dma_semaphore, #tpu.memory_space<semaphore_mem>>)
    %dma_start3A_472 = arith.constant 8800 : i32
    %dma_start3A_473 = tpu.memref_slice %arg7[%dma_start3A_472] : memref<10000xi32, #tpu.memory_space<vmem>> -> memref<400xi32, #tpu.memory_space<vmem>>
    %dma_start3A_474 = arith.constant 0 : i32
    %dma_start3A_475 = arith.constant 0 : i32
    %dma_start3A_476 = tpu.memref_slice %arg11[%dma_start3A_474, %dma_start3A_475] : memref<10240x64xf32, #tpu.memory_space<vmem_shared>> -> memref<10240x64xf32, #tpu.memory_space<vmem_shared>>
    tpu.enqueue_indirect_dma source(%arg8 : memref<400x64xf32, #tpu.memory_space<vmem>>) target(%dma_start3A_476 : memref<10240x64xf32, #tpu.memory_space<vmem_shared>>) offsets(%dma_start3A_473 : memref<400xi32, #tpu.memory_space<vmem>>) semaphore(%arg14 : memref<!tpu.dma_semaphore, #tpu.memory_space<semaphore_mem>>) {add = true}
    %dma_wait3A_477 = arith.constant 9200 : i32
    %dma_wait3A_478 = tpu.memref_slice %arg6[%dma_wait3A_477] : memref<10000xi32, #tpu.memory_space<vmem>> -> memref<400xi32, #tpu.memory_space<vmem>>
    %dma_wait3A_479 = arith.constant 0 : i32
    %dma_wait3A_480 = arith.constant 0 : i32
    %dma_wait3A_481 = tpu.memref_slice %arg4[%dma_wait3A_479, %dma_wait3A_480] : memref<10000x64xf32, #tpu.memory_space<hbm>> -> memref<10000x64xf32, #tpu.memory_space<hbm>>
    tpu.wait_indirect_dma semaphore(%arg13 : memref<!tpu.dma_semaphore, #tpu.memory_space<semaphore_mem>>) src(%dma_wait3A_481 : memref<10000x64xf32, #tpu.memory_space<hbm>>) dst(%arg9 : memref<400x64xf32, #tpu.memory_space<vmem>>)
    %dma_wait3A_482 = arith.constant 8800 : i32
    %dma_wait3A_483 = tpu.memref_slice %arg7[%dma_wait3A_482] : memref<10000xi32, #tpu.memory_space<vmem>> -> memref<400xi32, #tpu.memory_space<vmem>>
    %dma_wait3A_484 = arith.constant 0 : i32
    %dma_wait3A_485 = arith.constant 0 : i32
    %dma_wait3A_486 = tpu.memref_slice %arg11[%dma_wait3A_484, %dma_wait3A_485] : memref<10240x64xf32, #tpu.memory_space<vmem_shared>> -> memref<10240x64xf32, #tpu.memory_space<vmem_shared>>
    tpu.wait_indirect_dma semaphore(%arg14 : memref<!tpu.dma_semaphore, #tpu.memory_space<semaphore_mem>>) src(%arg8 : memref<400x64xf32, #tpu.memory_space<vmem>>) dst(%dma_wait3A_486 : memref<10240x64xf32, #tpu.memory_space<vmem_shared>>)
    %dma_start3A_487 = arith.constant 9600 : i32
    %dma_start3A_488 = tpu.memref_slice %arg6[%dma_start3A_487] : memref<10000xi32, #tpu.memory_space<vmem>> -> memref<400xi32, #tpu.memory_space<vmem>>
    %dma_start3A_489 = arith.constant 0 : i32
    %dma_start3A_490 = arith.constant 0 : i32
    %dma_start3A_491 = tpu.memref_slice %arg4[%dma_start3A_489, %dma_start3A_490] : memref<10000x64xf32, #tpu.memory_space<hbm>> -> memref<10000x64xf32, #tpu.memory_space<hbm>>
    tpu.enqueue_indirect_dma source(%dma_start3A_491 : memref<10000x64xf32, #tpu.memory_space<hbm>>) target(%arg8 : memref<400x64xf32, #tpu.memory_space<vmem>>) offsets(%dma_start3A_488 : memref<400xi32, #tpu.memory_space<vmem>>) semaphore(%arg12 : memref<!tpu.dma_semaphore, #tpu.memory_space<semaphore_mem>>)
    %dma_start3A_492 = arith.constant 9200 : i32
    %dma_start3A_493 = tpu.memref_slice %arg7[%dma_start3A_492] : memref<10000xi32, #tpu.memory_space<vmem>> -> memref<400xi32, #tpu.memory_space<vmem>>
    %dma_start3A_494 = arith.constant 0 : i32
    %dma_start3A_495 = arith.constant 0 : i32
    %dma_start3A_496 = tpu.memref_slice %arg11[%dma_start3A_494, %dma_start3A_495] : memref<10240x64xf32, #tpu.memory_space<vmem_shared>> -> memref<10240x64xf32, #tpu.memory_space<vmem_shared>>
    tpu.enqueue_indirect_dma source(%arg9 : memref<400x64xf32, #tpu.memory_space<vmem>>) target(%dma_start3A_496 : memref<10240x64xf32, #tpu.memory_space<vmem_shared>>) offsets(%dma_start3A_493 : memref<400xi32, #tpu.memory_space<vmem>>) semaphore(%arg15 : memref<!tpu.dma_semaphore, #tpu.memory_space<semaphore_mem>>) {add = true}
    %dma_wait3A_497 = arith.constant 9600 : i32
    %dma_wait3A_498 = tpu.memref_slice %arg6[%dma_wait3A_497] : memref<10000xi32, #tpu.memory_space<vmem>> -> memref<400xi32, #tpu.memory_space<vmem>>
    %dma_wait3A_499 = arith.constant 0 : i32
    %dma_wait3A_500 = arith.constant 0 : i32
    %dma_wait3A_501 = tpu.memref_slice %arg4[%dma_wait3A_499, %dma_wait3A_500] : memref<10000x64xf32, #tpu.memory_space<hbm>> -> memref<10000x64xf32, #tpu.memory_space<hbm>>
    tpu.wait_indirect_dma semaphore(%arg12 : memref<!tpu.dma_semaphore, #tpu.memory_space<semaphore_mem>>) src(%dma_wait3A_501 : memref<10000x64xf32, #tpu.memory_space<hbm>>) dst(%arg8 : memref<400x64xf32, #tpu.memory_space<vmem>>)
    %dma_start3A_502 = arith.constant 9600 : i32
    %dma_start3A_503 = tpu.memref_slice %arg7[%dma_start3A_502] : memref<10000xi32, #tpu.memory_space<vmem>> -> memref<400xi32, #tpu.memory_space<vmem>>
    %dma_start3A_504 = arith.constant 0 : i32
    %dma_start3A_505 = arith.constant 0 : i32
    %dma_start3A_506 = tpu.memref_slice %arg11[%dma_start3A_504, %dma_start3A_505] : memref<10240x64xf32, #tpu.memory_space<vmem_shared>> -> memref<10240x64xf32, #tpu.memory_space<vmem_shared>>
    tpu.enqueue_indirect_dma source(%arg8 : memref<400x64xf32, #tpu.memory_space<vmem>>) target(%dma_start3A_506 : memref<10240x64xf32, #tpu.memory_space<vmem_shared>>) offsets(%dma_start3A_503 : memref<400xi32, #tpu.memory_space<vmem>>) semaphore(%arg14 : memref<!tpu.dma_semaphore, #tpu.memory_space<semaphore_mem>>) {add = true}
    %dma_wait3A_507 = arith.constant 9600 : i32
    %dma_wait3A_508 = tpu.memref_slice %arg7[%dma_wait3A_507] : memref<10000xi32, #tpu.memory_space<vmem>> -> memref<400xi32, #tpu.memory_space<vmem>>
    %dma_wait3A_509 = arith.constant 0 : i32
    %dma_wait3A_510 = arith.constant 0 : i32
    %dma_wait3A_511 = tpu.memref_slice %arg11[%dma_wait3A_509, %dma_wait3A_510] : memref<10240x64xf32, #tpu.memory_space<vmem_shared>> -> memref<10240x64xf32, #tpu.memory_space<vmem_shared>>
    tpu.wait_indirect_dma semaphore(%arg14 : memref<!tpu.dma_semaphore, #tpu.memory_space<semaphore_mem>>) src(%arg8 : memref<400x64xf32, #tpu.memory_space<vmem>>) dst(%dma_wait3A_511 : memref<10240x64xf32, #tpu.memory_space<vmem_shared>>)
    %dma_wait3A_512 = arith.constant 9200 : i32
    %dma_wait3A_513 = tpu.memref_slice %arg7[%dma_wait3A_512] : memref<10000xi32, #tpu.memory_space<vmem>> -> memref<400xi32, #tpu.memory_space<vmem>>
    %dma_wait3A_514 = arith.constant 0 : i32
    %dma_wait3A_515 = arith.constant 0 : i32
    %dma_wait3A_516 = tpu.memref_slice %arg11[%dma_wait3A_514, %dma_wait3A_515] : memref<10240x64xf32, #tpu.memory_space<vmem_shared>> -> memref<10240x64xf32, #tpu.memory_space<vmem_shared>>
    tpu.wait_indirect_dma semaphore(%arg15 : memref<!tpu.dma_semaphore, #tpu.memory_space<semaphore_mem>>) src(%arg9 : memref<400x64xf32, #tpu.memory_space<vmem>>) dst(%dma_wait3A_516 : memref<10240x64xf32, #tpu.memory_space<vmem_shared>>)
    %barrier3A_517 = arith.constant 0 : index
    tpu.barrier barrier_id(%barrier3A_517)
    "tpu.region"() ({
      %run_scoped3A = tpu.sem_alloc : memref<!tpu.dma_semaphore, #tpu.memory_space<semaphore_mem>>
      %dma_start3A_518 = arith.constant 0 : i32
      %dma_start3A_519 = tpu.memref_slice %arg5[%arg0, %mul3A_2, %dma_start3A_518] : memref<2x10240x64xf32, #tpu.memory_space<hbm>> -> memref<1x640x64xf32, #tpu.memory_space<hbm>>
      %dma_start3A_520 = tpu.memref_squeeze %dma_start3A_519 : memref<1x640x64xf32, #tpu.memory_space<hbm>> -> memref<640x64xf32, #tpu.memory_space<hbm>>
      %dma_start3A_521 = arith.constant 0 : i32
      %dma_start3A_522 = tpu.memref_slice %arg11[%mul3A_2, %dma_start3A_521] : memref<10240x64xf32, #tpu.memory_space<vmem_shared>> -> memref<640x64xf32, #tpu.memory_space<vmem_shared>>
      tpu.enqueue_dma source(%dma_start3A_522 : memref<640x64xf32, #tpu.memory_space<vmem_shared>>) target(%dma_start3A_520 : memref<640x64xf32, #tpu.memory_space<hbm>>) target_semaphore(%run_scoped3A : memref<!tpu.dma_semaphore, #tpu.memory_space<semaphore_mem>>)
      %dma_wait3A_523 = arith.constant 0 : i32
      %dma_wait3A_524 = tpu.memref_slice %arg5[%arg0, %mul3A_2, %dma_wait3A_523] : memref<2x10240x64xf32, #tpu.memory_space<hbm>> -> memref<1x640x64xf32, #tpu.memory_space<hbm>>
      %dma_wait3A_525 = tpu.memref_squeeze %dma_wait3A_524 : memref<1x640x64xf32, #tpu.memory_space<hbm>> -> memref<640x64xf32, #tpu.memory_space<hbm>>
      %dma_wait3A_526 = arith.constant 0 : i32
      %dma_wait3A_527 = tpu.memref_slice %arg11[%mul3A_2, %dma_wait3A_526] : memref<10240x64xf32, #tpu.memory_space<vmem_shared>> -> memref<640x64xf32, #tpu.memory_space<vmem_shared>>
      tpu.wait_dma2 semaphore(%run_scoped3A : memref<!tpu.dma_semaphore, #tpu.memory_space<semaphore_mem>>) src(%dma_wait3A_527 : memref<640x64xf32, #tpu.memory_space<vmem_shared>>) dst(%dma_wait3A_525 : memref<640x64xf32, #tpu.memory_space<hbm>>)
      tpu.yield
    }) : () -> ()
    return
  }
}

#map = affine_map<(d0, d1) -> (0)>
#map1 = affine_map<(d0, d1) -> (0, 0)>
#map2 = affine_map<(d0, d1) -> (0, 0, 0)>
module attributes {stable_mosaic.version = 14 : i64} {
  func.func @k(%arg0: i32, %arg1: i32, %arg2: memref<320000xi32, #tpu.memory_space<hbm>>, %arg3: memref<320000x16xf32, #tpu.memory_space<hbm>>, %arg4: memref<2x10240x16xf32, #tpu.memory_space<hbm>>, %arg5: memref<2x10240x16xf32, #tpu.memory_space<hbm>>, %arg6: memref<10000xi32, #tpu.memory_space<vmem>>, %arg7: memref<2000x16xf32, #tpu.memory_space<vmem>>, %arg8: memref<2000x16xf32, #tpu.memory_space<vmem>>, %arg9: memref<2000x16xf32, #tpu.memory_space<vmem>>, %arg10: memref<160x16xf32, #tpu.memory_space<vmem>>, %arg11: memref<10240x16xf32, #tpu.memory_space<vmem_shared>>, %arg12: memref<10240x16xf32, #tpu.memory_space<vmem_shared>>, %arg13: memref<!tpu.dma_semaphore, #tpu.memory_space<semaphore_mem>>, %arg14: memref<!tpu.dma_semaphore, #tpu.memory_space<semaphore_mem>>) attributes {dimension_semantics = [#tpu.dimension_semantics<core_parallel>, #tpu.dimension_semantics<subcore_parallel>], iteration_bounds = array<i64: 2, 16>, scalar_prefetch = 0 : i64, scratch_operands = 9 : i64, tpu.core_type = #tpu.core_type<sc_vector_subcore>, window_params = [{transform_indices = #map}, {transform_indices = #map1}, {transform_indices = #map2}, {transform_indices = #map2}]} {
    %mul3A = arith.constant 16 : i32
    %mul3A_0 = arith.muli %arg0, %mul3A : i32
    %add3A = arith.addi %mul3A_0, %arg1 : i32
    %mul3A_1 = arith.constant 10000 : i32
    %mul3A_2 = arith.muli %add3A, %mul3A_1 : i32
    "tpu.region"() ({
      %run_scoped3A = tpu.sem_alloc : memref<!tpu.dma_semaphore, #tpu.memory_space<semaphore_mem>>
      %dma_start3A_84 = tpu.memref_slice %arg2[%mul3A_2] : memref<320000xi32, #tpu.memory_space<hbm>> -> memref<10000xi32, #tpu.memory_space<hbm>>
      %dma_start3A_85 = tpu.memref_slice %arg2[%mul3A_2] : memref<320000xi32, #tpu.memory_space<hbm>> -> memref<10000xi32, #tpu.memory_space<hbm>>
      tpu.enqueue_dma source(%dma_start3A_85 : memref<10000xi32, #tpu.memory_space<hbm>>) target(%arg6 : memref<10000xi32, #tpu.memory_space<vmem>>) target_semaphore(%run_scoped3A : memref<!tpu.dma_semaphore, #tpu.memory_space<semaphore_mem>>)
      %dma_wait3A_86 = tpu.memref_slice %arg2[%mul3A_2] : memref<320000xi32, #tpu.memory_space<hbm>> -> memref<10000xi32, #tpu.memory_space<hbm>>
      %dma_wait3A_87 = tpu.memref_slice %arg2[%mul3A_2] : memref<320000xi32, #tpu.memory_space<hbm>> -> memref<10000xi32, #tpu.memory_space<hbm>>
      tpu.wait_dma2 semaphore(%run_scoped3A : memref<!tpu.dma_semaphore, #tpu.memory_space<semaphore_mem>>) src(%dma_wait3A_87 : memref<10000xi32, #tpu.memory_space<hbm>>) dst(%arg6 : memref<10000xi32, #tpu.memory_space<vmem>>)
      tpu.yield
    }) : () -> ()
    %broadcast_in_dim3A = arith.constant 0.000000e+00 : f32
    %broadcast_in_dim3A_3 = vector.broadcast %broadcast_in_dim3A : f32 to vector<16xf32>
    %scan3A = arith.constant 0 : i32
    %scan3A_4 = arith.constant 0 : i32
    %scan3A_5 = arith.constant 160 : i32
    %scan3A_6 = arith.addi %scan3A_4, %scan3A_5 : i32
    %scan3A_7 = arith.constant 1 : i32
    scf.for %scan3A_84 = %scan3A_4 to %scan3A_6 step %scan3A_7  : i32 {
      %swap3A = arith.index_cast %scan3A_84 : i32 to index
      %swap3A_85 = arith.constant 0 : index
      %swap3A_86 = tpu.vector_load %arg10[%swap3A, %swap3A_85] {strides = array<i32>} : memref<160x16xf32, #tpu.memory_space<vmem>>, vector<1x16xf32>,
      %swap3A_87 = vector.shape_cast %swap3A_86 : vector<1x16xf32> to vector<16xf32>
      %swap3A_88 = vector.shape_cast %broadcast_in_dim3A_3 : vector<16xf32> to vector<1x16xf32>
      tpu.vector_store %arg10[%swap3A, %swap3A_85], %swap3A_88 {strides = array<i32>} : memref<160x16xf32, #tpu.memory_space<vmem>>, vector<1x16xf32>,
    }
    %scan3A_8 = arith.constant 160 : i32
    %broadcast_in_dim3A_9 = arith.constant 1.000000e+00 : f32
    %broadcast_in_dim3A_10 = vector.broadcast %broadcast_in_dim3A_9 : f32 to vector<16xf32>
    %scan3A_11 = arith.constant 0 : i32
    %scan3A_12 = arith.constant 0 : i32
    %scan3A_13 = arith.constant 2000 : i32
    %scan3A_14 = arith.addi %scan3A_12, %scan3A_13 : i32
    %scan3A_15 = arith.constant 1 : i32
    scf.for %scan3A_84 = %scan3A_12 to %scan3A_14 step %scan3A_15  : i32 {
      %swap3A = arith.index_cast %scan3A_84 : i32 to index
      %swap3A_85 = arith.constant 0 : index
      %swap3A_86 = tpu.vector_load %arg9[%swap3A, %swap3A_85] {strides = array<i32>} : memref<2000x16xf32, #tpu.memory_space<vmem>>, vector<1x16xf32>,
      %swap3A_87 = vector.shape_cast %swap3A_86 : vector<1x16xf32> to vector<16xf32>
      %swap3A_88 = vector.shape_cast %broadcast_in_dim3A_10 : vector<16xf32> to vector<1x16xf32>
      tpu.vector_store %arg9[%swap3A, %swap3A_85], %swap3A_88 {strides = array<i32>} : memref<2000x16xf32, #tpu.memory_space<vmem>>, vector<1x16xf32>,
    }
    %scan3A_16 = arith.constant 2000 : i32
    %mul3A_17 = arith.constant 640 : i32
    %mul3A_18 = arith.muli %arg1, %mul3A_17 : i32
    %add3A_19 = arith.constant 0 : i32
    %add3A_20 = arith.addi %mul3A_18, %add3A_19 : i32
    "tpu.region"() ({
      %run_scoped3A = tpu.sem_alloc : memref<!tpu.dma_semaphore, #tpu.memory_space<semaphore_mem>>
      %dma_start3A_84 = arith.constant 0 : i32
      %dma_start3A_85 = tpu.memref_slice %arg11[%add3A_20, %dma_start3A_84] : memref<10240x16xf32, #tpu.memory_space<vmem_shared>> -> memref<160x16xf32, #tpu.memory_space<vmem_shared>>
      %dma_start3A_86 = arith.constant 0 : i32
      %dma_start3A_87 = tpu.memref_slice %arg11[%add3A_20, %dma_start3A_86] : memref<10240x16xf32, #tpu.memory_space<vmem_shared>> -> memref<160x16xf32, #tpu.memory_space<vmem_shared>>
      tpu.enqueue_dma source(%arg10 : memref<160x16xf32, #tpu.memory_space<vmem>>) target(%dma_start3A_87 : memref<160x16xf32, #tpu.memory_space<vmem_shared>>) target_semaphore(%run_scoped3A : memref<!tpu.dma_semaphore, #tpu.memory_space<semaphore_mem>>)
      %dma_wait3A_88 = arith.constant 0 : i32
      %dma_wait3A_89 = tpu.memref_slice %arg11[%add3A_20, %dma_wait3A_88] : memref<10240x16xf32, #tpu.memory_space<vmem_shared>> -> memref<160x16xf32, #tpu.memory_space<vmem_shared>>
      %dma_wait3A_90 = arith.constant 0 : i32
      %dma_wait3A_91 = tpu.memref_slice %arg11[%add3A_20, %dma_wait3A_90] : memref<10240x16xf32, #tpu.memory_space<vmem_shared>> -> memref<160x16xf32, #tpu.memory_space<vmem_shared>>
      tpu.wait_dma2 semaphore(%run_scoped3A : memref<!tpu.dma_semaphore, #tpu.memory_space<semaphore_mem>>) src(%arg10 : memref<160x16xf32, #tpu.memory_space<vmem>>) dst(%dma_wait3A_91 : memref<160x16xf32, #tpu.memory_space<vmem_shared>>)
      tpu.yield
    }) : () -> ()
    %add3A_21 = arith.constant 0 : i32
    %add3A_22 = arith.addi %mul3A_18, %add3A_21 : i32
    "tpu.region"() ({
      %run_scoped3A = tpu.sem_alloc : memref<!tpu.dma_semaphore, #tpu.memory_space<semaphore_mem>>
      %dma_start3A_84 = arith.constant 0 : i32
      %dma_start3A_85 = tpu.memref_slice %arg12[%add3A_22, %dma_start3A_84] : memref<10240x16xf32, #tpu.memory_space<vmem_shared>> -> memref<160x16xf32, #tpu.memory_space<vmem_shared>>
      %dma_start3A_86 = arith.constant 0 : i32
      %dma_start3A_87 = tpu.memref_slice %arg12[%add3A_22, %dma_start3A_86] : memref<10240x16xf32, #tpu.memory_space<vmem_shared>> -> memref<160x16xf32, #tpu.memory_space<vmem_shared>>
      tpu.enqueue_dma source(%arg10 : memref<160x16xf32, #tpu.memory_space<vmem>>) target(%dma_start3A_87 : memref<160x16xf32, #tpu.memory_space<vmem_shared>>) target_semaphore(%run_scoped3A : memref<!tpu.dma_semaphore, #tpu.memory_space<semaphore_mem>>)
      %dma_wait3A_88 = arith.constant 0 : i32
      %dma_wait3A_89 = tpu.memref_slice %arg12[%add3A_22, %dma_wait3A_88] : memref<10240x16xf32, #tpu.memory_space<vmem_shared>> -> memref<160x16xf32, #tpu.memory_space<vmem_shared>>
      %dma_wait3A_90 = arith.constant 0 : i32
      %dma_wait3A_91 = tpu.memref_slice %arg12[%add3A_22, %dma_wait3A_90] : memref<10240x16xf32, #tpu.memory_space<vmem_shared>> -> memref<160x16xf32, #tpu.memory_space<vmem_shared>>
      tpu.wait_dma2 semaphore(%run_scoped3A : memref<!tpu.dma_semaphore, #tpu.memory_space<semaphore_mem>>) src(%arg10 : memref<160x16xf32, #tpu.memory_space<vmem>>) dst(%dma_wait3A_91 : memref<160x16xf32, #tpu.memory_space<vmem_shared>>)
      tpu.yield
    }) : () -> ()
    %add3A_23 = arith.constant 160 : i32
    %add3A_24 = arith.addi %mul3A_18, %add3A_23 : i32
    "tpu.region"() ({
      %run_scoped3A = tpu.sem_alloc : memref<!tpu.dma_semaphore, #tpu.memory_space<semaphore_mem>>
      %dma_start3A_84 = arith.constant 0 : i32
      %dma_start3A_85 = tpu.memref_slice %arg11[%add3A_24, %dma_start3A_84] : memref<10240x16xf32, #tpu.memory_space<vmem_shared>> -> memref<160x16xf32, #tpu.memory_space<vmem_shared>>
      %dma_start3A_86 = arith.constant 0 : i32
      %dma_start3A_87 = tpu.memref_slice %arg11[%add3A_24, %dma_start3A_86] : memref<10240x16xf32, #tpu.memory_space<vmem_shared>> -> memref<160x16xf32, #tpu.memory_space<vmem_shared>>
      tpu.enqueue_dma source(%arg10 : memref<160x16xf32, #tpu.memory_space<vmem>>) target(%dma_start3A_87 : memref<160x16xf32, #tpu.memory_space<vmem_shared>>) target_semaphore(%run_scoped3A : memref<!tpu.dma_semaphore, #tpu.memory_space<semaphore_mem>>)
      %dma_wait3A_88 = arith.constant 0 : i32
      %dma_wait3A_89 = tpu.memref_slice %arg11[%add3A_24, %dma_wait3A_88] : memref<10240x16xf32, #tpu.memory_space<vmem_shared>> -> memref<160x16xf32, #tpu.memory_space<vmem_shared>>
      %dma_wait3A_90 = arith.constant 0 : i32
      %dma_wait3A_91 = tpu.memref_slice %arg11[%add3A_24, %dma_wait3A_90] : memref<10240x16xf32, #tpu.memory_space<vmem_shared>> -> memref<160x16xf32, #tpu.memory_space<vmem_shared>>
      tpu.wait_dma2 semaphore(%run_scoped3A : memref<!tpu.dma_semaphore, #tpu.memory_space<semaphore_mem>>) src(%arg10 : memref<160x16xf32, #tpu.memory_space<vmem>>) dst(%dma_wait3A_91 : memref<160x16xf32, #tpu.memory_space<vmem_shared>>)
      tpu.yield
    }) : () -> ()
    %add3A_25 = arith.constant 160 : i32
    %add3A_26 = arith.addi %mul3A_18, %add3A_25 : i32
    "tpu.region"() ({
      %run_scoped3A = tpu.sem_alloc : memref<!tpu.dma_semaphore, #tpu.memory_space<semaphore_mem>>
      %dma_start3A_84 = arith.constant 0 : i32
      %dma_start3A_85 = tpu.memref_slice %arg12[%add3A_26, %dma_start3A_84] : memref<10240x16xf32, #tpu.memory_space<vmem_shared>> -> memref<160x16xf32, #tpu.memory_space<vmem_shared>>
      %dma_start3A_86 = arith.constant 0 : i32
      %dma_start3A_87 = tpu.memref_slice %arg12[%add3A_26, %dma_start3A_86] : memref<10240x16xf32, #tpu.memory_space<vmem_shared>> -> memref<160x16xf32, #tpu.memory_space<vmem_shared>>
      tpu.enqueue_dma source(%arg10 : memref<160x16xf32, #tpu.memory_space<vmem>>) target(%dma_start3A_87 : memref<160x16xf32, #tpu.memory_space<vmem_shared>>) target_semaphore(%run_scoped3A : memref<!tpu.dma_semaphore, #tpu.memory_space<semaphore_mem>>)
      %dma_wait3A_88 = arith.constant 0 : i32
      %dma_wait3A_89 = tpu.memref_slice %arg12[%add3A_26, %dma_wait3A_88] : memref<10240x16xf32, #tpu.memory_space<vmem_shared>> -> memref<160x16xf32, #tpu.memory_space<vmem_shared>>
      %dma_wait3A_90 = arith.constant 0 : i32
      %dma_wait3A_91 = tpu.memref_slice %arg12[%add3A_26, %dma_wait3A_90] : memref<10240x16xf32, #tpu.memory_space<vmem_shared>> -> memref<160x16xf32, #tpu.memory_space<vmem_shared>>
      tpu.wait_dma2 semaphore(%run_scoped3A : memref<!tpu.dma_semaphore, #tpu.memory_space<semaphore_mem>>) src(%arg10 : memref<160x16xf32, #tpu.memory_space<vmem>>) dst(%dma_wait3A_91 : memref<160x16xf32, #tpu.memory_space<vmem_shared>>)
      tpu.yield
    }) : () -> ()
    %add3A_27 = arith.constant 320 : i32
    %add3A_28 = arith.addi %mul3A_18, %add3A_27 : i32
    "tpu.region"() ({
      %run_scoped3A = tpu.sem_alloc : memref<!tpu.dma_semaphore, #tpu.memory_space<semaphore_mem>>
      %dma_start3A_84 = arith.constant 0 : i32
      %dma_start3A_85 = tpu.memref_slice %arg11[%add3A_28, %dma_start3A_84] : memref<10240x16xf32, #tpu.memory_space<vmem_shared>> -> memref<160x16xf32, #tpu.memory_space<vmem_shared>>
      %dma_start3A_86 = arith.constant 0 : i32
      %dma_start3A_87 = tpu.memref_slice %arg11[%add3A_28, %dma_start3A_86] : memref<10240x16xf32, #tpu.memory_space<vmem_shared>> -> memref<160x16xf32, #tpu.memory_space<vmem_shared>>
      tpu.enqueue_dma source(%arg10 : memref<160x16xf32, #tpu.memory_space<vmem>>) target(%dma_start3A_87 : memref<160x16xf32, #tpu.memory_space<vmem_shared>>) target_semaphore(%run_scoped3A : memref<!tpu.dma_semaphore, #tpu.memory_space<semaphore_mem>>)
      %dma_wait3A_88 = arith.constant 0 : i32
      %dma_wait3A_89 = tpu.memref_slice %arg11[%add3A_28, %dma_wait3A_88] : memref<10240x16xf32, #tpu.memory_space<vmem_shared>> -> memref<160x16xf32, #tpu.memory_space<vmem_shared>>
      %dma_wait3A_90 = arith.constant 0 : i32
      %dma_wait3A_91 = tpu.memref_slice %arg11[%add3A_28, %dma_wait3A_90] : memref<10240x16xf32, #tpu.memory_space<vmem_shared>> -> memref<160x16xf32, #tpu.memory_space<vmem_shared>>
      tpu.wait_dma2 semaphore(%run_scoped3A : memref<!tpu.dma_semaphore, #tpu.memory_space<semaphore_mem>>) src(%arg10 : memref<160x16xf32, #tpu.memory_space<vmem>>) dst(%dma_wait3A_91 : memref<160x16xf32, #tpu.memory_space<vmem_shared>>)
      tpu.yield
    }) : () -> ()
    %add3A_29 = arith.constant 320 : i32
    %add3A_30 = arith.addi %mul3A_18, %add3A_29 : i32
    "tpu.region"() ({
      %run_scoped3A = tpu.sem_alloc : memref<!tpu.dma_semaphore, #tpu.memory_space<semaphore_mem>>
      %dma_start3A_84 = arith.constant 0 : i32
      %dma_start3A_85 = tpu.memref_slice %arg12[%add3A_30, %dma_start3A_84] : memref<10240x16xf32, #tpu.memory_space<vmem_shared>> -> memref<160x16xf32, #tpu.memory_space<vmem_shared>>
      %dma_start3A_86 = arith.constant 0 : i32
      %dma_start3A_87 = tpu.memref_slice %arg12[%add3A_30, %dma_start3A_86] : memref<10240x16xf32, #tpu.memory_space<vmem_shared>> -> memref<160x16xf32, #tpu.memory_space<vmem_shared>>
      tpu.enqueue_dma source(%arg10 : memref<160x16xf32, #tpu.memory_space<vmem>>) target(%dma_start3A_87 : memref<160x16xf32, #tpu.memory_space<vmem_shared>>) target_semaphore(%run_scoped3A : memref<!tpu.dma_semaphore, #tpu.memory_space<semaphore_mem>>)
      %dma_wait3A_88 = arith.constant 0 : i32
      %dma_wait3A_89 = tpu.memref_slice %arg12[%add3A_30, %dma_wait3A_88] : memref<10240x16xf32, #tpu.memory_space<vmem_shared>> -> memref<160x16xf32, #tpu.memory_space<vmem_shared>>
      %dma_wait3A_90 = arith.constant 0 : i32
      %dma_wait3A_91 = tpu.memref_slice %arg12[%add3A_30, %dma_wait3A_90] : memref<10240x16xf32, #tpu.memory_space<vmem_shared>> -> memref<160x16xf32, #tpu.memory_space<vmem_shared>>
      tpu.wait_dma2 semaphore(%run_scoped3A : memref<!tpu.dma_semaphore, #tpu.memory_space<semaphore_mem>>) src(%arg10 : memref<160x16xf32, #tpu.memory_space<vmem>>) dst(%dma_wait3A_91 : memref<160x16xf32, #tpu.memory_space<vmem_shared>>)
      tpu.yield
    }) : () -> ()
    %add3A_31 = arith.constant 480 : i32
    %add3A_32 = arith.addi %mul3A_18, %add3A_31 : i32
    "tpu.region"() ({
      %run_scoped3A = tpu.sem_alloc : memref<!tpu.dma_semaphore, #tpu.memory_space<semaphore_mem>>
      %dma_start3A_84 = arith.constant 0 : i32
      %dma_start3A_85 = tpu.memref_slice %arg11[%add3A_32, %dma_start3A_84] : memref<10240x16xf32, #tpu.memory_space<vmem_shared>> -> memref<160x16xf32, #tpu.memory_space<vmem_shared>>
      %dma_start3A_86 = arith.constant 0 : i32
      %dma_start3A_87 = tpu.memref_slice %arg11[%add3A_32, %dma_start3A_86] : memref<10240x16xf32, #tpu.memory_space<vmem_shared>> -> memref<160x16xf32, #tpu.memory_space<vmem_shared>>
      tpu.enqueue_dma source(%arg10 : memref<160x16xf32, #tpu.memory_space<vmem>>) target(%dma_start3A_87 : memref<160x16xf32, #tpu.memory_space<vmem_shared>>) target_semaphore(%run_scoped3A : memref<!tpu.dma_semaphore, #tpu.memory_space<semaphore_mem>>)
      %dma_wait3A_88 = arith.constant 0 : i32
      %dma_wait3A_89 = tpu.memref_slice %arg11[%add3A_32, %dma_wait3A_88] : memref<10240x16xf32, #tpu.memory_space<vmem_shared>> -> memref<160x16xf32, #tpu.memory_space<vmem_shared>>
      %dma_wait3A_90 = arith.constant 0 : i32
      %dma_wait3A_91 = tpu.memref_slice %arg11[%add3A_32, %dma_wait3A_90] : memref<10240x16xf32, #tpu.memory_space<vmem_shared>> -> memref<160x16xf32, #tpu.memory_space<vmem_shared>>
      tpu.wait_dma2 semaphore(%run_scoped3A : memref<!tpu.dma_semaphore, #tpu.memory_space<semaphore_mem>>) src(%arg10 : memref<160x16xf32, #tpu.memory_space<vmem>>) dst(%dma_wait3A_91 : memref<160x16xf32, #tpu.memory_space<vmem_shared>>)
      tpu.yield
    }) : () -> ()
    %add3A_33 = arith.constant 480 : i32
    %add3A_34 = arith.addi %mul3A_18, %add3A_33 : i32
    "tpu.region"() ({
      %run_scoped3A = tpu.sem_alloc : memref<!tpu.dma_semaphore, #tpu.memory_space<semaphore_mem>>
      %dma_start3A_84 = arith.constant 0 : i32
      %dma_start3A_85 = tpu.memref_slice %arg12[%add3A_34, %dma_start3A_84] : memref<10240x16xf32, #tpu.memory_space<vmem_shared>> -> memref<160x16xf32, #tpu.memory_space<vmem_shared>>
      %dma_start3A_86 = arith.constant 0 : i32
      %dma_start3A_87 = tpu.memref_slice %arg12[%add3A_34, %dma_start3A_86] : memref<10240x16xf32, #tpu.memory_space<vmem_shared>> -> memref<160x16xf32, #tpu.memory_space<vmem_shared>>
      tpu.enqueue_dma source(%arg10 : memref<160x16xf32, #tpu.memory_space<vmem>>) target(%dma_start3A_87 : memref<160x16xf32, #tpu.memory_space<vmem_shared>>) target_semaphore(%run_scoped3A : memref<!tpu.dma_semaphore, #tpu.memory_space<semaphore_mem>>)
      %dma_wait3A_88 = arith.constant 0 : i32
      %dma_wait3A_89 = tpu.memref_slice %arg12[%add3A_34, %dma_wait3A_88] : memref<10240x16xf32, #tpu.memory_space<vmem_shared>> -> memref<160x16xf32, #tpu.memory_space<vmem_shared>>
      %dma_wait3A_90 = arith.constant 0 : i32
      %dma_wait3A_91 = tpu.memref_slice %arg12[%add3A_34, %dma_wait3A_90] : memref<10240x16xf32, #tpu.memory_space<vmem_shared>> -> memref<160x16xf32, #tpu.memory_space<vmem_shared>>
      tpu.wait_dma2 semaphore(%run_scoped3A : memref<!tpu.dma_semaphore, #tpu.memory_space<semaphore_mem>>) src(%arg10 : memref<160x16xf32, #tpu.memory_space<vmem>>) dst(%dma_wait3A_91 : memref<160x16xf32, #tpu.memory_space<vmem_shared>>)
      tpu.yield
    }) : () -> ()
    %barrier3A = arith.constant 0 : index
    tpu.barrier barrier_id(%barrier3A)
    %mul3A_35 = arith.constant 10000 : i32
    %mul3A_36 = arith.muli %add3A, %mul3A_35 : i32
    %dma_start3A = arith.constant 0 : i32
    %dma_start3A_37 = tpu.memref_slice %arg3[%mul3A_36, %dma_start3A] : memref<320000x16xf32, #tpu.memory_space<hbm>> -> memref<2000x16xf32, #tpu.memory_space<hbm>>
    %dma_start3A_38 = arith.constant 0 : i32
    %dma_start3A_39 = tpu.memref_slice %arg3[%mul3A_36, %dma_start3A_38] : memref<320000x16xf32, #tpu.memory_space<hbm>> -> memref<2000x16xf32, #tpu.memory_space<hbm>>
    tpu.enqueue_dma source(%dma_start3A_39 : memref<2000x16xf32, #tpu.memory_space<hbm>>) target(%arg7 : memref<2000x16xf32, #tpu.memory_space<vmem>>) target_semaphore(%arg13 : memref<!tpu.dma_semaphore, #tpu.memory_space<semaphore_mem>>)
    %dma_wait3A = arith.constant 0 : i32
    %dma_wait3A_40 = tpu.memref_slice %arg3[%mul3A_36, %dma_wait3A] : memref<320000x16xf32, #tpu.memory_space<hbm>> -> memref<2000x16xf32, #tpu.memory_space<hbm>>
    %dma_wait3A_41 = arith.constant 0 : i32
    %dma_wait3A_42 = tpu.memref_slice %arg3[%mul3A_36, %dma_wait3A_41] : memref<320000x16xf32, #tpu.memory_space<hbm>> -> memref<2000x16xf32, #tpu.memory_space<hbm>>
    tpu.wait_dma2 semaphore(%arg13 : memref<!tpu.dma_semaphore, #tpu.memory_space<semaphore_mem>>) src(%dma_wait3A_42 : memref<2000x16xf32, #tpu.memory_space<hbm>>) dst(%arg7 : memref<2000x16xf32, #tpu.memory_space<vmem>>)
    %add3A_43 = arith.constant 2000 : i32
    %add3A_44 = arith.addi %mul3A_36, %add3A_43 : i32
    %dma_start3A_45 = arith.constant 0 : i32
    %dma_start3A_46 = tpu.memref_slice %arg3[%add3A_44, %dma_start3A_45] : memref<320000x16xf32, #tpu.memory_space<hbm>> -> memref<2000x16xf32, #tpu.memory_space<hbm>>
    %dma_start3A_47 = arith.constant 0 : i32
    %dma_start3A_48 = tpu.memref_slice %arg3[%add3A_44, %dma_start3A_47] : memref<320000x16xf32, #tpu.memory_space<hbm>> -> memref<2000x16xf32, #tpu.memory_space<hbm>>
    tpu.enqueue_dma source(%dma_start3A_48 : memref<2000x16xf32, #tpu.memory_space<hbm>>) target(%arg8 : memref<2000x16xf32, #tpu.memory_space<vmem>>) target_semaphore(%arg14 : memref<!tpu.dma_semaphore, #tpu.memory_space<semaphore_mem>>)
    "tpu.region"() ({
      %run_scoped3A = tpu.sem_alloc : memref<!tpu.dma_semaphore, #tpu.memory_space<semaphore_mem>>
      %dma_start3A_84 = arith.constant 0 : i32
      %dma_start3A_85 = tpu.memref_slice %arg6[%dma_start3A_84] : memref<10000xi32, #tpu.memory_space<vmem>> -> memref<2000xi32, #tpu.memory_space<vmem>>
      %dma_start3A_86 = arith.constant 0 : i32
      %dma_start3A_87 = arith.constant 0 : i32
      %dma_start3A_88 = tpu.memref_slice %arg11[%dma_start3A_86, %dma_start3A_87] : memref<10240x16xf32, #tpu.memory_space<vmem_shared>> -> memref<10240x16xf32, #tpu.memory_space<vmem_shared>>
      tpu.enqueue_indirect_dma source(%arg7 : memref<2000x16xf32, #tpu.memory_space<vmem>>) target(%dma_start3A_88 : memref<10240x16xf32, #tpu.memory_space<vmem_shared>>) offsets(%dma_start3A_85 : memref<2000xi32, #tpu.memory_space<vmem>>) semaphore(%run_scoped3A : memref<!tpu.dma_semaphore, #tpu.memory_space<semaphore_mem>>) {add = true}
      %dma_wait3A_89 = arith.constant 0 : i32
      %dma_wait3A_90 = tpu.memref_slice %arg6[%dma_wait3A_89] : memref<10000xi32, #tpu.memory_space<vmem>> -> memref<2000xi32, #tpu.memory_space<vmem>>
      %dma_wait3A_91 = arith.constant 0 : i32
      %dma_wait3A_92 = arith.constant 0 : i32
      %dma_wait3A_93 = tpu.memref_slice %arg11[%dma_wait3A_91, %dma_wait3A_92] : memref<10240x16xf32, #tpu.memory_space<vmem_shared>> -> memref<10240x16xf32, #tpu.memory_space<vmem_shared>>
      tpu.wait_indirect_dma semaphore(%run_scoped3A : memref<!tpu.dma_semaphore, #tpu.memory_space<semaphore_mem>>) src(%arg7 : memref<2000x16xf32, #tpu.memory_space<vmem>>) dst(%dma_wait3A_93 : memref<10240x16xf32, #tpu.memory_space<vmem_shared>>)
      tpu.yield
    }) : () -> ()
    "tpu.region"() ({
      %run_scoped3A = tpu.sem_alloc : memref<!tpu.dma_semaphore, #tpu.memory_space<semaphore_mem>>
      %dma_start3A_84 = arith.constant 0 : i32
      %dma_start3A_85 = tpu.memref_slice %arg6[%dma_start3A_84] : memref<10000xi32, #tpu.memory_space<vmem>> -> memref<2000xi32, #tpu.memory_space<vmem>>
      %dma_start3A_86 = arith.constant 0 : i32
      %dma_start3A_87 = arith.constant 0 : i32
      %dma_start3A_88 = tpu.memref_slice %arg12[%dma_start3A_86, %dma_start3A_87] : memref<10240x16xf32, #tpu.memory_space<vmem_shared>> -> memref<10240x16xf32, #tpu.memory_space<vmem_shared>>
      tpu.enqueue_indirect_dma source(%arg9 : memref<2000x16xf32, #tpu.memory_space<vmem>>) target(%dma_start3A_88 : memref<10240x16xf32, #tpu.memory_space<vmem_shared>>) offsets(%dma_start3A_85 : memref<2000xi32, #tpu.memory_space<vmem>>) semaphore(%run_scoped3A : memref<!tpu.dma_semaphore, #tpu.memory_space<semaphore_mem>>) {add = true}
      %dma_wait3A_89 = arith.constant 0 : i32
      %dma_wait3A_90 = tpu.memref_slice %arg6[%dma_wait3A_89] : memref<10000xi32, #tpu.memory_space<vmem>> -> memref<2000xi32, #tpu.memory_space<vmem>>
      %dma_wait3A_91 = arith.constant 0 : i32
      %dma_wait3A_92 = arith.constant 0 : i32
      %dma_wait3A_93 = tpu.memref_slice %arg12[%dma_wait3A_91, %dma_wait3A_92] : memref<10240x16xf32, #tpu.memory_space<vmem_shared>> -> memref<10240x16xf32, #tpu.memory_space<vmem_shared>>
      tpu.wait_indirect_dma semaphore(%run_scoped3A : memref<!tpu.dma_semaphore, #tpu.memory_space<semaphore_mem>>) src(%arg9 : memref<2000x16xf32, #tpu.memory_space<vmem>>) dst(%dma_wait3A_93 : memref<10240x16xf32, #tpu.memory_space<vmem_shared>>)
      tpu.yield
    }) : () -> ()
    %dma_wait3A_49 = arith.constant 0 : i32
    %dma_wait3A_50 = tpu.memref_slice %arg3[%add3A_44, %dma_wait3A_49] : memref<320000x16xf32, #tpu.memory_space<hbm>> -> memref<2000x16xf32, #tpu.memory_space<hbm>>
    %dma_wait3A_51 = arith.constant 0 : i32
    %dma_wait3A_52 = tpu.memref_slice %arg3[%add3A_44, %dma_wait3A_51] : memref<320000x16xf32, #tpu.memory_space<hbm>> -> memref<2000x16xf32, #tpu.memory_space<hbm>>
    tpu.wait_dma2 semaphore(%arg14 : memref<!tpu.dma_semaphore, #tpu.memory_space<semaphore_mem>>) src(%dma_wait3A_52 : memref<2000x16xf32, #tpu.memory_space<hbm>>) dst(%arg8 : memref<2000x16xf32, #tpu.memory_space<vmem>>)
    %add3A_53 = arith.constant 4000 : i32
    %add3A_54 = arith.addi %mul3A_36, %add3A_53 : i32
    %dma_start3A_55 = arith.constant 0 : i32
    %dma_start3A_56 = tpu.memref_slice %arg3[%add3A_54, %dma_start3A_55] : memref<320000x16xf32, #tpu.memory_space<hbm>> -> memref<2000x16xf32, #tpu.memory_space<hbm>>
    %dma_start3A_57 = arith.constant 0 : i32
    %dma_start3A_58 = tpu.memref_slice %arg3[%add3A_54, %dma_start3A_57] : memref<320000x16xf32, #tpu.memory_space<hbm>> -> memref<2000x16xf32, #tpu.memory_space<hbm>>
    tpu.enqueue_dma source(%dma_start3A_58 : memref<2000x16xf32, #tpu.memory_space<hbm>>) target(%arg7 : memref<2000x16xf32, #tpu.memory_space<vmem>>) target_semaphore(%arg13 : memref<!tpu.dma_semaphore, #tpu.memory_space<semaphore_mem>>)
    "tpu.region"() ({
      %run_scoped3A = tpu.sem_alloc : memref<!tpu.dma_semaphore, #tpu.memory_space<semaphore_mem>>
      %dma_start3A_84 = arith.constant 2000 : i32
      %dma_start3A_85 = tpu.memref_slice %arg6[%dma_start3A_84] : memref<10000xi32, #tpu.memory_space<vmem>> -> memref<2000xi32, #tpu.memory_space<vmem>>
      %dma_start3A_86 = arith.constant 0 : i32
      %dma_start3A_87 = arith.constant 0 : i32
      %dma_start3A_88 = tpu.memref_slice %arg11[%dma_start3A_86, %dma_start3A_87] : memref<10240x16xf32, #tpu.memory_space<vmem_shared>> -> memref<10240x16xf32, #tpu.memory_space<vmem_shared>>
      tpu.enqueue_indirect_dma source(%arg8 : memref<2000x16xf32, #tpu.memory_space<vmem>>) target(%dma_start3A_88 : memref<10240x16xf32, #tpu.memory_space<vmem_shared>>) offsets(%dma_start3A_85 : memref<2000xi32, #tpu.memory_space<vmem>>) semaphore(%run_scoped3A : memref<!tpu.dma_semaphore, #tpu.memory_space<semaphore_mem>>) {add = true}
      %dma_wait3A_89 = arith.constant 2000 : i32
      %dma_wait3A_90 = tpu.memref_slice %arg6[%dma_wait3A_89] : memref<10000xi32, #tpu.memory_space<vmem>> -> memref<2000xi32, #tpu.memory_space<vmem>>
      %dma_wait3A_91 = arith.constant 0 : i32
      %dma_wait3A_92 = arith.constant 0 : i32
      %dma_wait3A_93 = tpu.memref_slice %arg11[%dma_wait3A_91, %dma_wait3A_92] : memref<10240x16xf32, #tpu.memory_space<vmem_shared>> -> memref<10240x16xf32, #tpu.memory_space<vmem_shared>>
      tpu.wait_indirect_dma semaphore(%run_scoped3A : memref<!tpu.dma_semaphore, #tpu.memory_space<semaphore_mem>>) src(%arg8 : memref<2000x16xf32, #tpu.memory_space<vmem>>) dst(%dma_wait3A_93 : memref<10240x16xf32, #tpu.memory_space<vmem_shared>>)
      tpu.yield
    }) : () -> ()
    "tpu.region"() ({
      %run_scoped3A = tpu.sem_alloc : memref<!tpu.dma_semaphore, #tpu.memory_space<semaphore_mem>>
      %dma_start3A_84 = arith.constant 2000 : i32
      %dma_start3A_85 = tpu.memref_slice %arg6[%dma_start3A_84] : memref<10000xi32, #tpu.memory_space<vmem>> -> memref<2000xi32, #tpu.memory_space<vmem>>
      %dma_start3A_86 = arith.constant 0 : i32
      %dma_start3A_87 = arith.constant 0 : i32
      %dma_start3A_88 = tpu.memref_slice %arg12[%dma_start3A_86, %dma_start3A_87] : memref<10240x16xf32, #tpu.memory_space<vmem_shared>> -> memref<10240x16xf32, #tpu.memory_space<vmem_shared>>
      tpu.enqueue_indirect_dma source(%arg9 : memref<2000x16xf32, #tpu.memory_space<vmem>>) target(%dma_start3A_88 : memref<10240x16xf32, #tpu.memory_space<vmem_shared>>) offsets(%dma_start3A_85 : memref<2000xi32, #tpu.memory_space<vmem>>) semaphore(%run_scoped3A : memref<!tpu.dma_semaphore, #tpu.memory_space<semaphore_mem>>) {add = true}
      %dma_wait3A_89 = arith.constant 2000 : i32
      %dma_wait3A_90 = tpu.memref_slice %arg6[%dma_wait3A_89] : memref<10000xi32, #tpu.memory_space<vmem>> -> memref<2000xi32, #tpu.memory_space<vmem>>
      %dma_wait3A_91 = arith.constant 0 : i32
      %dma_wait3A_92 = arith.constant 0 : i32
      %dma_wait3A_93 = tpu.memref_slice %arg12[%dma_wait3A_91, %dma_wait3A_92] : memref<10240x16xf32, #tpu.memory_space<vmem_shared>> -> memref<10240x16xf32, #tpu.memory_space<vmem_shared>>
      tpu.wait_indirect_dma semaphore(%run_scoped3A : memref<!tpu.dma_semaphore, #tpu.memory_space<semaphore_mem>>) src(%arg9 : memref<2000x16xf32, #tpu.memory_space<vmem>>) dst(%dma_wait3A_93 : memref<10240x16xf32, #tpu.memory_space<vmem_shared>>)
      tpu.yield
    }) : () -> ()
    %dma_wait3A_59 = arith.constant 0 : i32
    %dma_wait3A_60 = tpu.memref_slice %arg3[%add3A_54, %dma_wait3A_59] : memref<320000x16xf32, #tpu.memory_space<hbm>> -> memref<2000x16xf32, #tpu.memory_space<hbm>>
    %dma_wait3A_61 = arith.constant 0 : i32
    %dma_wait3A_62 = tpu.memref_slice %arg3[%add3A_54, %dma_wait3A_61] : memref<320000x16xf32, #tpu.memory_space<hbm>> -> memref<2000x16xf32, #tpu.memory_space<hbm>>
    tpu.wait_dma2 semaphore(%arg13 : memref<!tpu.dma_semaphore, #tpu.memory_space<semaphore_mem>>) src(%dma_wait3A_62 : memref<2000x16xf32, #tpu.memory_space<hbm>>) dst(%arg7 : memref<2000x16xf32, #tpu.memory_space<vmem>>)
    %add3A_63 = arith.constant 6000 : i32
    %add3A_64 = arith.addi %mul3A_36, %add3A_63 : i32
    %dma_start3A_65 = arith.constant 0 : i32
    %dma_start3A_66 = tpu.memref_slice %arg3[%add3A_64, %dma_start3A_65] : memref<320000x16xf32, #tpu.memory_space<hbm>> -> memref<2000x16xf32, #tpu.memory_space<hbm>>
    %dma_start3A_67 = arith.constant 0 : i32
    %dma_start3A_68 = tpu.memref_slice %arg3[%add3A_64, %dma_start3A_67] : memref<320000x16xf32, #tpu.memory_space<hbm>> -> memref<2000x16xf32, #tpu.memory_space<hbm>>
    tpu.enqueue_dma source(%dma_start3A_68 : memref<2000x16xf32, #tpu.memory_space<hbm>>) target(%arg8 : memref<2000x16xf32, #tpu.memory_space<vmem>>) target_semaphore(%arg14 : memref<!tpu.dma_semaphore, #tpu.memory_space<semaphore_mem>>)
    "tpu.region"() ({
      %run_scoped3A = tpu.sem_alloc : memref<!tpu.dma_semaphore, #tpu.memory_space<semaphore_mem>>
      %dma_start3A_84 = arith.constant 4000 : i32
      %dma_start3A_85 = tpu.memref_slice %arg6[%dma_start3A_84] : memref<10000xi32, #tpu.memory_space<vmem>> -> memref<2000xi32, #tpu.memory_space<vmem>>
      %dma_start3A_86 = arith.constant 0 : i32
      %dma_start3A_87 = arith.constant 0 : i32
      %dma_start3A_88 = tpu.memref_slice %arg11[%dma_start3A_86, %dma_start3A_87] : memref<10240x16xf32, #tpu.memory_space<vmem_shared>> -> memref<10240x16xf32, #tpu.memory_space<vmem_shared>>
      tpu.enqueue_indirect_dma source(%arg7 : memref<2000x16xf32, #tpu.memory_space<vmem>>) target(%dma_start3A_88 : memref<10240x16xf32, #tpu.memory_space<vmem_shared>>) offsets(%dma_start3A_85 : memref<2000xi32, #tpu.memory_space<vmem>>) semaphore(%run_scoped3A : memref<!tpu.dma_semaphore, #tpu.memory_space<semaphore_mem>>) {add = true}
      %dma_wait3A_89 = arith.constant 4000 : i32
      %dma_wait3A_90 = tpu.memref_slice %arg6[%dma_wait3A_89] : memref<10000xi32, #tpu.memory_space<vmem>> -> memref<2000xi32, #tpu.memory_space<vmem>>
      %dma_wait3A_91 = arith.constant 0 : i32
      %dma_wait3A_92 = arith.constant 0 : i32
      %dma_wait3A_93 = tpu.memref_slice %arg11[%dma_wait3A_91, %dma_wait3A_92] : memref<10240x16xf32, #tpu.memory_space<vmem_shared>> -> memref<10240x16xf32, #tpu.memory_space<vmem_shared>>
      tpu.wait_indirect_dma semaphore(%run_scoped3A : memref<!tpu.dma_semaphore, #tpu.memory_space<semaphore_mem>>) src(%arg7 : memref<2000x16xf32, #tpu.memory_space<vmem>>) dst(%dma_wait3A_93 : memref<10240x16xf32, #tpu.memory_space<vmem_shared>>)
      tpu.yield
    }) : () -> ()
    "tpu.region"() ({
      %run_scoped3A = tpu.sem_alloc : memref<!tpu.dma_semaphore, #tpu.memory_space<semaphore_mem>>
      %dma_start3A_84 = arith.constant 4000 : i32
      %dma_start3A_85 = tpu.memref_slice %arg6[%dma_start3A_84] : memref<10000xi32, #tpu.memory_space<vmem>> -> memref<2000xi32, #tpu.memory_space<vmem>>
      %dma_start3A_86 = arith.constant 0 : i32
      %dma_start3A_87 = arith.constant 0 : i32
      %dma_start3A_88 = tpu.memref_slice %arg12[%dma_start3A_86, %dma_start3A_87] : memref<10240x16xf32, #tpu.memory_space<vmem_shared>> -> memref<10240x16xf32, #tpu.memory_space<vmem_shared>>
      tpu.enqueue_indirect_dma source(%arg9 : memref<2000x16xf32, #tpu.memory_space<vmem>>) target(%dma_start3A_88 : memref<10240x16xf32, #tpu.memory_space<vmem_shared>>) offsets(%dma_start3A_85 : memref<2000xi32, #tpu.memory_space<vmem>>) semaphore(%run_scoped3A : memref<!tpu.dma_semaphore, #tpu.memory_space<semaphore_mem>>) {add = true}
      %dma_wait3A_89 = arith.constant 4000 : i32
      %dma_wait3A_90 = tpu.memref_slice %arg6[%dma_wait3A_89] : memref<10000xi32, #tpu.memory_space<vmem>> -> memref<2000xi32, #tpu.memory_space<vmem>>
      %dma_wait3A_91 = arith.constant 0 : i32
      %dma_wait3A_92 = arith.constant 0 : i32
      %dma_wait3A_93 = tpu.memref_slice %arg12[%dma_wait3A_91, %dma_wait3A_92] : memref<10240x16xf32, #tpu.memory_space<vmem_shared>> -> memref<10240x16xf32, #tpu.memory_space<vmem_shared>>
      tpu.wait_indirect_dma semaphore(%run_scoped3A : memref<!tpu.dma_semaphore, #tpu.memory_space<semaphore_mem>>) src(%arg9 : memref<2000x16xf32, #tpu.memory_space<vmem>>) dst(%dma_wait3A_93 : memref<10240x16xf32, #tpu.memory_space<vmem_shared>>)
      tpu.yield
    }) : () -> ()
    %dma_wait3A_69 = arith.constant 0 : i32
    %dma_wait3A_70 = tpu.memref_slice %arg3[%add3A_64, %dma_wait3A_69] : memref<320000x16xf32, #tpu.memory_space<hbm>> -> memref<2000x16xf32, #tpu.memory_space<hbm>>
    %dma_wait3A_71 = arith.constant 0 : i32
    %dma_wait3A_72 = tpu.memref_slice %arg3[%add3A_64, %dma_wait3A_71] : memref<320000x16xf32, #tpu.memory_space<hbm>> -> memref<2000x16xf32, #tpu.memory_space<hbm>>
    tpu.wait_dma2 semaphore(%arg14 : memref<!tpu.dma_semaphore, #tpu.memory_space<semaphore_mem>>) src(%dma_wait3A_72 : memref<2000x16xf32, #tpu.memory_space<hbm>>) dst(%arg8 : memref<2000x16xf32, #tpu.memory_space<vmem>>)
    %add3A_73 = arith.constant 8000 : i32
    %add3A_74 = arith.addi %mul3A_36, %add3A_73 : i32
    %dma_start3A_75 = arith.constant 0 : i32
    %dma_start3A_76 = tpu.memref_slice %arg3[%add3A_74, %dma_start3A_75] : memref<320000x16xf32, #tpu.memory_space<hbm>> -> memref<2000x16xf32, #tpu.memory_space<hbm>>
    %dma_start3A_77 = arith.constant 0 : i32
    %dma_start3A_78 = tpu.memref_slice %arg3[%add3A_74, %dma_start3A_77] : memref<320000x16xf32, #tpu.memory_space<hbm>> -> memref<2000x16xf32, #tpu.memory_space<hbm>>
    tpu.enqueue_dma source(%dma_start3A_78 : memref<2000x16xf32, #tpu.memory_space<hbm>>) target(%arg7 : memref<2000x16xf32, #tpu.memory_space<vmem>>) target_semaphore(%arg13 : memref<!tpu.dma_semaphore, #tpu.memory_space<semaphore_mem>>)
    "tpu.region"() ({
      %run_scoped3A = tpu.sem_alloc : memref<!tpu.dma_semaphore, #tpu.memory_space<semaphore_mem>>
      %dma_start3A_84 = arith.constant 6000 : i32
      %dma_start3A_85 = tpu.memref_slice %arg6[%dma_start3A_84] : memref<10000xi32, #tpu.memory_space<vmem>> -> memref<2000xi32, #tpu.memory_space<vmem>>
      %dma_start3A_86 = arith.constant 0 : i32
      %dma_start3A_87 = arith.constant 0 : i32
      %dma_start3A_88 = tpu.memref_slice %arg11[%dma_start3A_86, %dma_start3A_87] : memref<10240x16xf32, #tpu.memory_space<vmem_shared>> -> memref<10240x16xf32, #tpu.memory_space<vmem_shared>>
      tpu.enqueue_indirect_dma source(%arg8 : memref<2000x16xf32, #tpu.memory_space<vmem>>) target(%dma_start3A_88 : memref<10240x16xf32, #tpu.memory_space<vmem_shared>>) offsets(%dma_start3A_85 : memref<2000xi32, #tpu.memory_space<vmem>>) semaphore(%run_scoped3A : memref<!tpu.dma_semaphore, #tpu.memory_space<semaphore_mem>>) {add = true}
      %dma_wait3A_89 = arith.constant 6000 : i32
      %dma_wait3A_90 = tpu.memref_slice %arg6[%dma_wait3A_89] : memref<10000xi32, #tpu.memory_space<vmem>> -> memref<2000xi32, #tpu.memory_space<vmem>>
      %dma_wait3A_91 = arith.constant 0 : i32
      %dma_wait3A_92 = arith.constant 0 : i32
      %dma_wait3A_93 = tpu.memref_slice %arg11[%dma_wait3A_91, %dma_wait3A_92] : memref<10240x16xf32, #tpu.memory_space<vmem_shared>> -> memref<10240x16xf32, #tpu.memory_space<vmem_shared>>
      tpu.wait_indirect_dma semaphore(%run_scoped3A : memref<!tpu.dma_semaphore, #tpu.memory_space<semaphore_mem>>) src(%arg8 : memref<2000x16xf32, #tpu.memory_space<vmem>>) dst(%dma_wait3A_93 : memref<10240x16xf32, #tpu.memory_space<vmem_shared>>)
      tpu.yield
    }) : () -> ()
    "tpu.region"() ({
      %run_scoped3A = tpu.sem_alloc : memref<!tpu.dma_semaphore, #tpu.memory_space<semaphore_mem>>
      %dma_start3A_84 = arith.constant 6000 : i32
      %dma_start3A_85 = tpu.memref_slice %arg6[%dma_start3A_84] : memref<10000xi32, #tpu.memory_space<vmem>> -> memref<2000xi32, #tpu.memory_space<vmem>>
      %dma_start3A_86 = arith.constant 0 : i32
      %dma_start3A_87 = arith.constant 0 : i32
      %dma_start3A_88 = tpu.memref_slice %arg12[%dma_start3A_86, %dma_start3A_87] : memref<10240x16xf32, #tpu.memory_space<vmem_shared>> -> memref<10240x16xf32, #tpu.memory_space<vmem_shared>>
      tpu.enqueue_indirect_dma source(%arg9 : memref<2000x16xf32, #tpu.memory_space<vmem>>) target(%dma_start3A_88 : memref<10240x16xf32, #tpu.memory_space<vmem_shared>>) offsets(%dma_start3A_85 : memref<2000xi32, #tpu.memory_space<vmem>>) semaphore(%run_scoped3A : memref<!tpu.dma_semaphore, #tpu.memory_space<semaphore_mem>>) {add = true}
      %dma_wait3A_89 = arith.constant 6000 : i32
      %dma_wait3A_90 = tpu.memref_slice %arg6[%dma_wait3A_89] : memref<10000xi32, #tpu.memory_space<vmem>> -> memref<2000xi32, #tpu.memory_space<vmem>>
      %dma_wait3A_91 = arith.constant 0 : i32
      %dma_wait3A_92 = arith.constant 0 : i32
      %dma_wait3A_93 = tpu.memref_slice %arg12[%dma_wait3A_91, %dma_wait3A_92] : memref<10240x16xf32, #tpu.memory_space<vmem_shared>> -> memref<10240x16xf32, #tpu.memory_space<vmem_shared>>
      tpu.wait_indirect_dma semaphore(%run_scoped3A : memref<!tpu.dma_semaphore, #tpu.memory_space<semaphore_mem>>) src(%arg9 : memref<2000x16xf32, #tpu.memory_space<vmem>>) dst(%dma_wait3A_93 : memref<10240x16xf32, #tpu.memory_space<vmem_shared>>)
      tpu.yield
    }) : () -> ()
    %dma_wait3A_79 = arith.constant 0 : i32
    %dma_wait3A_80 = tpu.memref_slice %arg3[%add3A_74, %dma_wait3A_79] : memref<320000x16xf32, #tpu.memory_space<hbm>> -> memref<2000x16xf32, #tpu.memory_space<hbm>>
    %dma_wait3A_81 = arith.constant 0 : i32
    %dma_wait3A_82 = tpu.memref_slice %arg3[%add3A_74, %dma_wait3A_81] : memref<320000x16xf32, #tpu.memory_space<hbm>> -> memref<2000x16xf32, #tpu.memory_space<hbm>>
    tpu.wait_dma2 semaphore(%arg13 : memref<!tpu.dma_semaphore, #tpu.memory_space<semaphore_mem>>) src(%dma_wait3A_82 : memref<2000x16xf32, #tpu.memory_space<hbm>>) dst(%arg7 : memref<2000x16xf32, #tpu.memory_space<vmem>>)
    "tpu.region"() ({
      %run_scoped3A = tpu.sem_alloc : memref<!tpu.dma_semaphore, #tpu.memory_space<semaphore_mem>>
      %dma_start3A_84 = arith.constant 8000 : i32
      %dma_start3A_85 = tpu.memref_slice %arg6[%dma_start3A_84] : memref<10000xi32, #tpu.memory_space<vmem>> -> memref<2000xi32, #tpu.memory_space<vmem>>
      %dma_start3A_86 = arith.constant 0 : i32
      %dma_start3A_87 = arith.constant 0 : i32
      %dma_start3A_88 = tpu.memref_slice %arg11[%dma_start3A_86, %dma_start3A_87] : memref<10240x16xf32, #tpu.memory_space<vmem_shared>> -> memref<10240x16xf32, #tpu.memory_space<vmem_shared>>
      tpu.enqueue_indirect_dma source(%arg7 : memref<2000x16xf32, #tpu.memory_space<vmem>>) target(%dma_start3A_88 : memref<10240x16xf32, #tpu.memory_space<vmem_shared>>) offsets(%dma_start3A_85 : memref<2000xi32, #tpu.memory_space<vmem>>) semaphore(%run_scoped3A : memref<!tpu.dma_semaphore, #tpu.memory_space<semaphore_mem>>) {add = true}
      %dma_wait3A_89 = arith.constant 8000 : i32
      %dma_wait3A_90 = tpu.memref_slice %arg6[%dma_wait3A_89] : memref<10000xi32, #tpu.memory_space<vmem>> -> memref<2000xi32, #tpu.memory_space<vmem>>
      %dma_wait3A_91 = arith.constant 0 : i32
      %dma_wait3A_92 = arith.constant 0 : i32
      %dma_wait3A_93 = tpu.memref_slice %arg11[%dma_wait3A_91, %dma_wait3A_92] : memref<10240x16xf32, #tpu.memory_space<vmem_shared>> -> memref<10240x16xf32, #tpu.memory_space<vmem_shared>>
      tpu.wait_indirect_dma semaphore(%run_scoped3A : memref<!tpu.dma_semaphore, #tpu.memory_space<semaphore_mem>>) src(%arg7 : memref<2000x16xf32, #tpu.memory_space<vmem>>) dst(%dma_wait3A_93 : memref<10240x16xf32, #tpu.memory_space<vmem_shared>>)
      tpu.yield
    }) : () -> ()
    "tpu.region"() ({
      %run_scoped3A = tpu.sem_alloc : memref<!tpu.dma_semaphore, #tpu.memory_space<semaphore_mem>>
      %dma_start3A_84 = arith.constant 8000 : i32
      %dma_start3A_85 = tpu.memref_slice %arg6[%dma_start3A_84] : memref<10000xi32, #tpu.memory_space<vmem>> -> memref<2000xi32, #tpu.memory_space<vmem>>
      %dma_start3A_86 = arith.constant 0 : i32
      %dma_start3A_87 = arith.constant 0 : i32
      %dma_start3A_88 = tpu.memref_slice %arg12[%dma_start3A_86, %dma_start3A_87] : memref<10240x16xf32, #tpu.memory_space<vmem_shared>> -> memref<10240x16xf32, #tpu.memory_space<vmem_shared>>
      tpu.enqueue_indirect_dma source(%arg9 : memref<2000x16xf32, #tpu.memory_space<vmem>>) target(%dma_start3A_88 : memref<10240x16xf32, #tpu.memory_space<vmem_shared>>) offsets(%dma_start3A_85 : memref<2000xi32, #tpu.memory_space<vmem>>) semaphore(%run_scoped3A : memref<!tpu.dma_semaphore, #tpu.memory_space<semaphore_mem>>) {add = true}
      %dma_wait3A_89 = arith.constant 8000 : i32
      %dma_wait3A_90 = tpu.memref_slice %arg6[%dma_wait3A_89] : memref<10000xi32, #tpu.memory_space<vmem>> -> memref<2000xi32, #tpu.memory_space<vmem>>
      %dma_wait3A_91 = arith.constant 0 : i32
      %dma_wait3A_92 = arith.constant 0 : i32
      %dma_wait3A_93 = tpu.memref_slice %arg12[%dma_wait3A_91, %dma_wait3A_92] : memref<10240x16xf32, #tpu.memory_space<vmem_shared>> -> memref<10240x16xf32, #tpu.memory_space<vmem_shared>>
      tpu.wait_indirect_dma semaphore(%run_scoped3A : memref<!tpu.dma_semaphore, #tpu.memory_space<semaphore_mem>>) src(%arg9 : memref<2000x16xf32, #tpu.memory_space<vmem>>) dst(%dma_wait3A_93 : memref<10240x16xf32, #tpu.memory_space<vmem_shared>>)
      tpu.yield
    }) : () -> ()
    %barrier3A_83 = arith.constant 0 : index
    tpu.barrier barrier_id(%barrier3A_83)
    "tpu.region"() ({
      %run_scoped3A = tpu.sem_alloc : memref<!tpu.dma_semaphore, #tpu.memory_space<semaphore_mem>>
      %dma_start3A_84 = arith.constant 0 : i32
      %dma_start3A_85 = tpu.memref_slice %arg4[%arg0, %mul3A_18, %dma_start3A_84] : memref<2x10240x16xf32, #tpu.memory_space<hbm>> -> memref<1x640x16xf32, #tpu.memory_space<hbm>>
      %dma_start3A_86 = tpu.memref_squeeze %dma_start3A_85 : memref<1x640x16xf32, #tpu.memory_space<hbm>> -> memref<640x16xf32, #tpu.memory_space<hbm>>
      %dma_start3A_87 = arith.constant 0 : i32
      %dma_start3A_88 = tpu.memref_slice %arg11[%mul3A_18, %dma_start3A_87] : memref<10240x16xf32, #tpu.memory_space<vmem_shared>> -> memref<640x16xf32, #tpu.memory_space<vmem_shared>>
      tpu.enqueue_dma source(%dma_start3A_88 : memref<640x16xf32, #tpu.memory_space<vmem_shared>>) target(%dma_start3A_86 : memref<640x16xf32, #tpu.memory_space<hbm>>) target_semaphore(%run_scoped3A : memref<!tpu.dma_semaphore, #tpu.memory_space<semaphore_mem>>)
      %dma_wait3A_89 = arith.constant 0 : i32
      %dma_wait3A_90 = tpu.memref_slice %arg4[%arg0, %mul3A_18, %dma_wait3A_89] : memref<2x10240x16xf32, #tpu.memory_space<hbm>> -> memref<1x640x16xf32, #tpu.memory_space<hbm>>
      %dma_wait3A_91 = tpu.memref_squeeze %dma_wait3A_90 : memref<1x640x16xf32, #tpu.memory_space<hbm>> -> memref<640x16xf32, #tpu.memory_space<hbm>>
      %dma_wait3A_92 = arith.constant 0 : i32
      %dma_wait3A_93 = tpu.memref_slice %arg11[%mul3A_18, %dma_wait3A_92] : memref<10240x16xf32, #tpu.memory_space<vmem_shared>> -> memref<640x16xf32, #tpu.memory_space<vmem_shared>>
      tpu.wait_dma2 semaphore(%run_scoped3A : memref<!tpu.dma_semaphore, #tpu.memory_space<semaphore_mem>>) src(%dma_wait3A_93 : memref<640x16xf32, #tpu.memory_space<vmem_shared>>) dst(%dma_wait3A_91 : memref<640x16xf32, #tpu.memory_space<hbm>>)
      tpu.yield
    }) : () -> ()
    "tpu.region"() ({
      %run_scoped3A = tpu.sem_alloc : memref<!tpu.dma_semaphore, #tpu.memory_space<semaphore_mem>>
      %dma_start3A_84 = arith.constant 0 : i32
      %dma_start3A_85 = tpu.memref_slice %arg5[%arg0, %mul3A_18, %dma_start3A_84] : memref<2x10240x16xf32, #tpu.memory_space<hbm>> -> memref<1x640x16xf32, #tpu.memory_space<hbm>>
      %dma_start3A_86 = tpu.memref_squeeze %dma_start3A_85 : memref<1x640x16xf32, #tpu.memory_space<hbm>> -> memref<640x16xf32, #tpu.memory_space<hbm>>
      %dma_start3A_87 = arith.constant 0 : i32
      %dma_start3A_88 = tpu.memref_slice %arg12[%mul3A_18, %dma_start3A_87] : memref<10240x16xf32, #tpu.memory_space<vmem_shared>> -> memref<640x16xf32, #tpu.memory_space<vmem_shared>>
      tpu.enqueue_dma source(%dma_start3A_88 : memref<640x16xf32, #tpu.memory_space<vmem_shared>>) target(%dma_start3A_86 : memref<640x16xf32, #tpu.memory_space<hbm>>) target_semaphore(%run_scoped3A : memref<!tpu.dma_semaphore, #tpu.memory_space<semaphore_mem>>)
      %dma_wait3A_89 = arith.constant 0 : i32
      %dma_wait3A_90 = tpu.memref_slice %arg5[%arg0, %mul3A_18, %dma_wait3A_89] : memref<2x10240x16xf32, #tpu.memory_space<hbm>> -> memref<1x640x16xf32, #tpu.memory_space<hbm>>
      %dma_wait3A_91 = tpu.memref_squeeze %dma_wait3A_90 : memref<1x640x16xf32, #tpu.memory_space<hbm>> -> memref<640x16xf32, #tpu.memory_space<hbm>>
      %dma_wait3A_92 = arith.constant 0 : i32
      %dma_wait3A_93 = tpu.memref_slice %arg12[%mul3A_18, %dma_wait3A_92] : memref<10240x16xf32, #tpu.memory_space<vmem_shared>> -> memref<640x16xf32, #tpu.memory_space<vmem_shared>>
      tpu.wait_dma2 semaphore(%run_scoped3A : memref<!tpu.dma_semaphore, #tpu.memory_space<semaphore_mem>>) src(%dma_wait3A_93 : memref<640x16xf32, #tpu.memory_space<vmem_shared>>) dst(%dma_wait3A_91 : memref<640x16xf32, #tpu.memory_space<hbm>>)
      tpu.yield
    }) : () -> ()
    return
  }
}

module attributes {stable_mosaic.version = 14 : i64} {
  func.func @body(%arg0: i32, %arg1: memref<1000x128xf32, #tpu.memory_space<vmem>>, %arg2: memref<2x1000x16xf32, #tpu.memory_space<vmem>>, %arg3: memref<2x1000x16xf32, #tpu.memory_space<vmem>>, %arg4: memref<128x64xf32, #tpu.memory_space<vmem>>, %arg5: memref<16x64xf32, #tpu.memory_space<vmem>>, %arg6: memref<1000x64xf32, #tpu.memory_space<vmem>>) attributes {dimension_semantics = [#tpu.dimension_semantics<arbitrary>], iteration_bounds = array<i64: 10>, scalar_prefetch = 0 : i64, scratch_operands = 0 : i64, tpu.core_type = #tpu.core_type<tc>, window_params = [{transform_indices = @transform_0, window_bounds = array<i64: 1000, 128>}, {transform_indices = @transform_1, window_bounds = array<i64: 2, 1000, 16>}, {transform_indices = @transform_2, window_bounds = array<i64: 2, 1000, 16>}, {pipeline_mode = #tpu.pipeline_mode<synchronous>, transform_indices = @transform_3, window_bounds = array<i64: 128, 64>}, {pipeline_mode = #tpu.pipeline_mode<synchronous>, transform_indices = @transform_4, window_bounds = array<i64: 16, 64>}, {transform_indices = @transform_5, window_bounds = array<i64: 1000, 64>}]} {
    %get3A = arith.constant 0 : index
    %get3A_0 = arith.constant 0 : index
    %get3A_1 = arith.constant 0 : index
    %get3A_2 = vector.load %arg2[%get3A, %get3A_0, %get3A_1] : memref<2x1000x16xf32, #tpu.memory_space<vmem>>, vector<1x1000x16xf32>
    %get3A_3 = vector.shape_cast %get3A_2 : vector<1x1000x16xf32> to vector<1000x16xf32>
    %get3A_4 = arith.constant 1 : index
    %get3A_5 = arith.constant 0 : index
    %get3A_6 = arith.constant 0 : index
    %get3A_7 = vector.load %arg2[%get3A_4, %get3A_5, %get3A_6] : memref<2x1000x16xf32, #tpu.memory_space<vmem>>, vector<1x1000x16xf32>
    %get3A_8 = vector.shape_cast %get3A_7 : vector<1x1000x16xf32> to vector<1000x16xf32>
    %add3A = arith.addf %get3A_3, %get3A_8 : vector<1000x16xf32>
    %get3A_9 = arith.constant 0 : index
    %get3A_10 = arith.constant 0 : index
    %get3A_11 = arith.constant 0 : index
    %get3A_12 = vector.load %arg3[%get3A_9, %get3A_10, %get3A_11] : memref<2x1000x16xf32, #tpu.memory_space<vmem>>, vector<1x1000x16xf32>
    %get3A_13 = vector.shape_cast %get3A_12 : vector<1x1000x16xf32> to vector<1000x16xf32>
    %get3A_14 = arith.constant 1 : index
    %get3A_15 = arith.constant 0 : index
    %get3A_16 = arith.constant 0 : index
    %get3A_17 = vector.load %arg3[%get3A_14, %get3A_15, %get3A_16] : memref<2x1000x16xf32, #tpu.memory_space<vmem>>, vector<1x1000x16xf32>
    %get3A_18 = vector.shape_cast %get3A_17 : vector<1x1000x16xf32> to vector<1000x16xf32>
    %add3A_19 = arith.addf %get3A_13, %get3A_18 : vector<1000x16xf32>
    %slice3A = vector.extract_strided_slice %add3A_19 {offsets = [0, 0], sizes = [1000, 1], strides = [1, 1]} : vector<1000x16xf32> to vector<1000x1xf32>
    %max3A = arith.constant 1.000000e+00 : f32
    %max3A_20 = vector.broadcast %max3A : f32 to vector<1000x1xf32>
    %max3A_21 = arith.maximumf %slice3A, %max3A_20 : vector<1000x1xf32>
    %div3A = vector.broadcast %max3A_21 : vector<1000x1xf32> to vector<1000x16xf32>
    %div3A_22 = arith.divf %add3A, %div3A : vector<1000x16xf32>
    %get3A_23 = arith.constant 0 : index
    %get3A_24 = arith.constant 0 : index
    %get3A_25 = vector.load %arg1[%get3A_23, %get3A_24] : memref<1000x128xf32, #tpu.memory_space<vmem>>, vector<1000x128xf32>
    %get3A_26 = arith.constant 0 : index
    %get3A_27 = arith.constant 0 : index
    %get3A_28 = vector.load %arg4[%get3A_26, %get3A_27] : memref<128x64xf32, #tpu.memory_space<vmem>>, vector<128x64xf32>
    %dot_general3A = arith.constant dense<0.000000e+00> : vector<1000x64xf32>
    %dot_general3A_29 = tpu.matmul %get3A_25, %get3A_28, %dot_general3A {dimension_numbers = #tpu.dot_dimension_numbers<[1], [0], [0], [1], [0, 0, 1, 1], [], []>, transpose_lhs_hint = false} : vector<1000x128xf32>, vector<128x64xf32>, vector<1000x64xf32> -> vector<1000x64xf32>
    %get3A_30 = arith.constant 0 : index
    %get3A_31 = arith.constant 0 : index
    %get3A_32 = vector.load %arg5[%get3A_30, %get3A_31] : memref<16x64xf32, #tpu.memory_space<vmem>>, vector<16x64xf32>
    %dot_general3A_33 = arith.constant dense<0.000000e+00> : vector<1000x64xf32>
    %dot_general3A_34 = tpu.matmul %div3A_22, %get3A_32, %dot_general3A_33 {dimension_numbers = #tpu.dot_dimension_numbers<[1], [0], [0], [1], [0, 0, 1, 1], [], []>, transpose_lhs_hint = false} : vector<1000x16xf32>, vector<16x64xf32>, vector<1000x64xf32> -> vector<1000x64xf32>
    %add3A_35 = arith.addf %dot_general3A_29, %dot_general3A_34 : vector<1000x64xf32>
    %swap3A = arith.constant 0 : index
    %swap3A_36 = arith.constant 0 : index
    %swap3A_37 = vector.load %arg6[%swap3A, %swap3A_36] : memref<1000x64xf32, #tpu.memory_space<vmem>>, vector<1000x64xf32>
    tpu.vector_store %arg6[%swap3A, %swap3A_36], %add3A_35 {strides = array<i32>} : memref<1000x64xf32, #tpu.memory_space<vmem>>, vector<1000x64xf32>,
    return
  }
  func.func @transform_0(%arg0: i32) -> (i32, i32) {
    %c0_i32 = arith.constant 0 : i32
    %c0_i32_0 = arith.constant 0 : i32
    return %arg0, %c0_i32 : i32, i32
  }
  func.func @transform_1(%arg0: i32) -> (i32, i32, i32) {
    %c0_i32 = arith.constant 0 : i32
    %c0_i32_0 = arith.constant 0 : i32
    %c0_i32_1 = arith.constant 0 : i32
    return %c0_i32, %arg0, %c0_i32_0 : i32, i32, i32
  }
  func.func @transform_2(%arg0: i32) -> (i32, i32, i32) {
    %c0_i32 = arith.constant 0 : i32
    %c0_i32_0 = arith.constant 0 : i32
    %c0_i32_1 = arith.constant 0 : i32
    return %c0_i32, %arg0, %c0_i32_0 : i32, i32, i32
  }
  func.func @transform_3(%arg0: i32) -> (i32, i32) {
    %c0_i32 = arith.constant 0 : i32
    %c0_i32_0 = arith.constant 0 : i32
    %c0_i32_1 = arith.constant 0 : i32
    return %c0_i32, %c0_i32_0 : i32, i32
  }
  func.func @transform_4(%arg0: i32) -> (i32, i32) {
    %c0_i32 = arith.constant 0 : i32
    %c0_i32_0 = arith.constant 0 : i32
    %c0_i32_1 = arith.constant 0 : i32
    return %c0_i32, %c0_i32_0 : i32, i32
  }
  func.func @transform_5(%arg0: i32) -> (i32, i32) {
    %c0_i32 = arith.constant 0 : i32
    %c0_i32_0 = arith.constant 0 : i32
    return %arg0, %c0_i32 : i32, i32
  }
}

module attributes {stable_mosaic.version = 14 : i64} {
  func.func @body(%arg0: i32, %arg1: memref<1000x64xf32, #tpu.memory_space<vmem>>, %arg2: memref<2x1000x64xf32, #tpu.memory_space<vmem>>, %arg3: memref<1x64xf32, #tpu.memory_space<vmem>>, %arg4: memref<64x64xf32, #tpu.memory_space<vmem>>, %arg5: memref<1x64xf32, #tpu.memory_space<vmem>>, %arg6: memref<64x64xf32, #tpu.memory_space<vmem>>, %arg7: memref<1000x64xf32, #tpu.memory_space<vmem>>) attributes {dimension_semantics = [#tpu.dimension_semantics<arbitrary>], iteration_bounds = array<i64: 10>, scalar_prefetch = 0 : i64, scratch_operands = 0 : i64, tpu.core_type = #tpu.core_type<tc>, window_params = [{transform_indices = @transform_0, window_bounds = array<i64: 1000, 64>}, {transform_indices = @transform_1, window_bounds = array<i64: 2, 1000, 64>}, {pipeline_mode = #tpu.pipeline_mode<synchronous>, transform_indices = @transform_2, window_bounds = array<i64: 1, 64>}, {pipeline_mode = #tpu.pipeline_mode<synchronous>, transform_indices = @transform_3, window_bounds = array<i64: 64, 64>}, {pipeline_mode = #tpu.pipeline_mode<synchronous>, transform_indices = @transform_4, window_bounds = array<i64: 1, 64>}, {pipeline_mode = #tpu.pipeline_mode<synchronous>, transform_indices = @transform_5, window_bounds = array<i64: 64, 64>}, {transform_indices = @transform_6, window_bounds = array<i64: 1000, 64>}]} {
    %get3A = arith.constant 0 : index
    %get3A_0 = arith.constant 0 : index
    %get3A_1 = vector.load %arg1[%get3A, %get3A_0] : memref<1000x64xf32, #tpu.memory_space<vmem>>, vector<1000x64xf32>
    %get3A_2 = arith.constant 0 : index
    %get3A_3 = arith.constant 0 : index
    %get3A_4 = arith.constant 0 : index
    %get3A_5 = vector.load %arg2[%get3A_2, %get3A_3, %get3A_4] : memref<2x1000x64xf32, #tpu.memory_space<vmem>>, vector<1x1000x64xf32>
    %get3A_6 = vector.shape_cast %get3A_5 : vector<1x1000x64xf32> to vector<1000x64xf32>
    %add3A = arith.addf %get3A_1, %get3A_6 : vector<1000x64xf32>
    %get3A_7 = arith.constant 1 : index
    %get3A_8 = arith.constant 0 : index
    %get3A_9 = arith.constant 0 : index
    %get3A_10 = vector.load %arg2[%get3A_7, %get3A_8, %get3A_9] : memref<2x1000x64xf32, #tpu.memory_space<vmem>>, vector<1x1000x64xf32>
    %get3A_11 = vector.shape_cast %get3A_10 : vector<1x1000x64xf32> to vector<1000x64xf32>
    %add3A_12 = arith.addf %add3A, %get3A_11 : vector<1000x64xf32>
    %get3A_13 = arith.constant 0 : index
    %get3A_14 = arith.constant 0 : index
    %get3A_15 = vector.load %arg3[%get3A_13, %get3A_14] : memref<1x64xf32, #tpu.memory_space<vmem>>, vector<1x64xf32>
    %add3A_16 = vector.broadcast %get3A_15 : vector<1x64xf32> to vector<1000x64xf32>
    %add3A_17 = arith.addf %add3A_12, %add3A_16 : vector<1000x64xf32>
    %max3A = arith.constant 0.000000e+00 : f32
    %max3A_18 = vector.broadcast %max3A : f32 to vector<1000x64xf32>
    %max3A_19 = arith.maximumf %add3A_17, %max3A_18 : vector<1000x64xf32>
    %get3A_20 = arith.constant 0 : index
    %get3A_21 = arith.constant 0 : index
    %get3A_22 = vector.load %arg4[%get3A_20, %get3A_21] : memref<64x64xf32, #tpu.memory_space<vmem>>, vector<64x64xf32>
    %dot_general3A = arith.constant dense<0.000000e+00> : vector<1000x64xf32>
    %dot_general3A_23 = tpu.matmul %max3A_19, %get3A_22, %dot_general3A {dimension_numbers = #tpu.dot_dimension_numbers<[1], [0], [0], [1], [0, 0, 1, 1], [], []>, transpose_lhs_hint = false} : vector<1000x64xf32>, vector<64x64xf32>, vector<1000x64xf32> -> vector<1000x64xf32>
    %get3A_24 = arith.constant 0 : index
    %get3A_25 = arith.constant 0 : index
    %get3A_26 = vector.load %arg5[%get3A_24, %get3A_25] : memref<1x64xf32, #tpu.memory_space<vmem>>, vector<1x64xf32>
    %add3A_27 = vector.broadcast %get3A_26 : vector<1x64xf32> to vector<1000x64xf32>
    %add3A_28 = arith.addf %dot_general3A_23, %add3A_27 : vector<1000x64xf32>
    %max3A_29 = arith.constant 0.000000e+00 : f32
    %max3A_30 = vector.broadcast %max3A_29 : f32 to vector<1000x64xf32>
    %max3A_31 = arith.maximumf %add3A_28, %max3A_30 : vector<1000x64xf32>
    %get3A_32 = arith.constant 0 : index
    %get3A_33 = arith.constant 0 : index
    %get3A_34 = vector.load %arg6[%get3A_32, %get3A_33] : memref<64x64xf32, #tpu.memory_space<vmem>>, vector<64x64xf32>
    %dot_general3A_35 = arith.constant dense<0.000000e+00> : vector<1000x64xf32>
    %dot_general3A_36 = tpu.matmul %max3A_31, %get3A_34, %dot_general3A_35 {dimension_numbers = #tpu.dot_dimension_numbers<[1], [0], [0], [1], [0, 0, 1, 1], [], []>, transpose_lhs_hint = false} : vector<1000x64xf32>, vector<64x64xf32>, vector<1000x64xf32> -> vector<1000x64xf32>
    %swap3A = arith.constant 0 : index
    %swap3A_37 = arith.constant 0 : index
    %swap3A_38 = vector.load %arg7[%swap3A, %swap3A_37] : memref<1000x64xf32, #tpu.memory_space<vmem>>, vector<1000x64xf32>
    tpu.vector_store %arg7[%swap3A, %swap3A_37], %dot_general3A_36 {strides = array<i32>} : memref<1000x64xf32, #tpu.memory_space<vmem>>, vector<1000x64xf32>,
    return
  }
  func.func @transform_0(%arg0: i32) -> (i32, i32) {
    %c0_i32 = arith.constant 0 : i32
    %c0_i32_0 = arith.constant 0 : i32
    return %arg0, %c0_i32 : i32, i32
  }
  func.func @transform_1(%arg0: i32) -> (i32, i32, i32) {
    %c0_i32 = arith.constant 0 : i32
    %c0_i32_0 = arith.constant 0 : i32
    %c0_i32_1 = arith.constant 0 : i32
    return %c0_i32, %arg0, %c0_i32_0 : i32, i32, i32
  }
  func.func @transform_2(%arg0: i32) -> (i32, i32) {
    %c0_i32 = arith.constant 0 : i32
    %c0_i32_0 = arith.constant 0 : i32
    %c0_i32_1 = arith.constant 0 : i32
    return %c0_i32, %c0_i32_0 : i32, i32
  }
  func.func @transform_3(%arg0: i32) -> (i32, i32) {
    %c0_i32 = arith.constant 0 : i32
    %c0_i32_0 = arith.constant 0 : i32
    %c0_i32_1 = arith.constant 0 : i32
    return %c0_i32, %c0_i32_0 : i32, i32
  }
  func.func @transform_4(%arg0: i32) -> (i32, i32) {
    %c0_i32 = arith.constant 0 : i32
    %c0_i32_0 = arith.constant 0 : i32
    %c0_i32_1 = arith.constant 0 : i32
    return %c0_i32, %c0_i32_0 : i32, i32
  }
  func.func @transform_5(%arg0: i32) -> (i32, i32) {
    %c0_i32 = arith.constant 0 : i32
    %c0_i32_0 = arith.constant 0 : i32
    %c0_i32_1 = arith.constant 0 : i32
    return %c0_i32, %c0_i32_0 : i32, i32
  }
  func.func @transform_6(%arg0: i32) -> (i32, i32) {
    %c0_i32 = arith.constant 0 : i32
    %c0_i32_0 = arith.constant 0 : i32
    return %arg0, %c0_i32 : i32, i32
  }
}

module attributes {stable_mosaic.version = 14 : i64} {
  func.func @body(%arg0: i32, %arg1: memref<1000x64xf32, #tpu.memory_space<vmem>>, %arg2: memref<64x128xf32, #tpu.memory_space<vmem>>, %arg3: memref<1x128xf32, #tpu.memory_space<vmem>>, %arg4: memref<128x128xf32, #tpu.memory_space<vmem>>, %arg5: memref<1x128xf32, #tpu.memory_space<vmem>>, %arg6: memref<1x128xf32, #tpu.memory_space<vmem>>, %arg7: memref<1x64xf32, #tpu.memory_space<vmem>>) attributes {dimension_semantics = [#tpu.dimension_semantics<arbitrary>], iteration_bounds = array<i64: 10>, scalar_prefetch = 0 : i64, scratch_operands = 1 : i64, tpu.core_type = #tpu.core_type<tc>, window_params = [{transform_indices = @transform_0, window_bounds = array<i64: 1000, 64>}, {pipeline_mode = #tpu.pipeline_mode<synchronous>, transform_indices = @transform_1, window_bounds = array<i64: 64, 128>}, {pipeline_mode = #tpu.pipeline_mode<synchronous>, transform_indices = @transform_2, window_bounds = array<i64: 1, 128>}, {pipeline_mode = #tpu.pipeline_mode<synchronous>, transform_indices = @transform_3, window_bounds = array<i64: 128, 128>}, {pipeline_mode = #tpu.pipeline_mode<synchronous>, transform_indices = @transform_4, window_bounds = array<i64: 1, 128>}, {pipeline_mode = #tpu.pipeline_mode<synchronous>, transform_indices = @transform_5, window_bounds = array<i64: 1, 128>}]} {
    %eq3A = arith.constant 0 : i32
    %eq3A_0 = arith.cmpi eq, %arg0, %eq3A : i32
    %convert_element_type3A = arith.extui %eq3A_0 : i1 to i32
    %cond3A = arith.constant 0 : i32
    %cond3A_1 = arith.cmpi ne, %convert_element_type3A, %cond3A : i32
    scf.if %cond3A_1 {
      %broadcast_in_dim3A_15 = arith.constant 0.000000e+00 : f32
      %broadcast_in_dim3A_16 = vector.broadcast %broadcast_in_dim3A_15 : f32 to vector<1x64xf32>
      %swap3A_17 = arith.constant 0 : index
      %swap3A_18 = arith.constant 0 : index
      %swap3A_19 = vector.load %arg7[%swap3A_17, %swap3A_18] : memref<1x64xf32, #tpu.memory_space<vmem>>, vector<1x64xf32>
      tpu.vector_store %arg7[%swap3A_17, %swap3A_18], %broadcast_in_dim3A_16 {strides = array<i32>} : memref<1x64xf32, #tpu.memory_space<vmem>>, vector<1x64xf32>,
    } else {
    }
    %get3A = arith.constant 0 : index
    %get3A_2 = arith.constant 0 : index
    %get3A_3 = vector.load %arg7[%get3A, %get3A_2] : memref<1x64xf32, #tpu.memory_space<vmem>>, vector<1x64xf32>
    %get3A_4 = arith.constant 0 : index
    %get3A_5 = arith.constant 0 : index
    %get3A_6 = vector.load %arg1[%get3A_4, %get3A_5] : memref<1000x64xf32, #tpu.memory_space<vmem>>, vector<1000x64xf32>
    %reduce_sum3A = arith.constant dense<0.000000e+00> : vector<64xf32>
    %reduce_sum3A_7 = vector.multi_reduction <add>, %get3A_6, %reduce_sum3A [0] : vector<1000x64xf32> to vector<64xf32>
    %broadcast_in_dim3A = vector.shape_cast %reduce_sum3A_7 : vector<64xf32> to vector<1x64xf32>
    %add3A = arith.addf %get3A_3, %broadcast_in_dim3A : vector<1x64xf32>
    %swap3A = arith.constant 0 : index
    %swap3A_8 = arith.constant 0 : index
    %swap3A_9 = vector.load %arg7[%swap3A, %swap3A_8] : memref<1x64xf32, #tpu.memory_space<vmem>>, vector<1x64xf32>
    tpu.vector_store %arg7[%swap3A, %swap3A_8], %add3A {strides = array<i32>} : memref<1x64xf32, #tpu.memory_space<vmem>>, vector<1x64xf32>,
    %eq3A_10 = arith.constant 9 : i32
    %eq3A_11 = arith.cmpi eq, %arg0, %eq3A_10 : i32
    %convert_element_type3A_12 = arith.extui %eq3A_11 : i1 to i32
    %cond3A_13 = arith.constant 0 : i32
    %cond3A_14 = arith.cmpi ne, %convert_element_type3A_12, %cond3A_13 : i32
    scf.if %cond3A_14 {
      %get3A_15 = arith.constant 0 : index
      %get3A_16 = arith.constant 0 : index
      %get3A_17 = vector.load %arg7[%get3A_15, %get3A_16] : memref<1x64xf32, #tpu.memory_space<vmem>>, vector<1x64xf32>
      %mul3A = arith.constant 9.99999974E-5 : f32
      %mul3A_18 = vector.broadcast %mul3A : f32 to vector<1x64xf32>
      %mul3A_19 = arith.mulf %get3A_17, %mul3A_18 : vector<1x64xf32>
      %get3A_20 = arith.constant 0 : index
      %get3A_21 = arith.constant 0 : index
      %get3A_22 = vector.load %arg2[%get3A_20, %get3A_21] : memref<64x128xf32, #tpu.memory_space<vmem>>, vector<64x128xf32>
      %dot_general3A = arith.constant dense<0.000000e+00> : vector<1x128xf32>
      %dot_general3A_23 = tpu.matmul %mul3A_19, %get3A_22, %dot_general3A {dimension_numbers = #tpu.dot_dimension_numbers<[1], [0], [0], [1], [0, 0, 1, 1], [], []>, transpose_lhs_hint = false} : vector<1x64xf32>, vector<64x128xf32>, vector<1x128xf32> -> vector<1x128xf32>
      %get3A_24 = arith.constant 0 : index
      %get3A_25 = arith.constant 0 : index
      %get3A_26 = vector.load %arg3[%get3A_24, %get3A_25] : memref<1x128xf32, #tpu.memory_space<vmem>>, vector<1x128xf32>
      %add3A_27 = arith.addf %dot_general3A_23, %get3A_26 : vector<1x128xf32>
      %max3A = arith.constant 0.000000e+00 : f32
      %max3A_28 = vector.broadcast %max3A : f32 to vector<1x128xf32>
      %max3A_29 = arith.maximumf %add3A_27, %max3A_28 : vector<1x128xf32>
      %get3A_30 = arith.constant 0 : index
      %get3A_31 = arith.constant 0 : index
      %get3A_32 = vector.load %arg4[%get3A_30, %get3A_31] : memref<128x128xf32, #tpu.memory_space<vmem>>, vector<128x128xf32>
      %dot_general3A_33 = arith.constant dense<0.000000e+00> : vector<1x128xf32>
      %dot_general3A_34 = tpu.matmul %max3A_29, %get3A_32, %dot_general3A_33 {dimension_numbers = #tpu.dot_dimension_numbers<[1], [0], [0], [1], [0, 0, 1, 1], [], []>, transpose_lhs_hint = false} : vector<1x128xf32>, vector<128x128xf32>, vector<1x128xf32> -> vector<1x128xf32>
      %get3A_35 = arith.constant 0 : index
      %get3A_36 = arith.constant 0 : index
      %get3A_37 = vector.load %arg5[%get3A_35, %get3A_36] : memref<1x128xf32, #tpu.memory_space<vmem>>, vector<1x128xf32>
      %add3A_38 = arith.addf %dot_general3A_34, %get3A_37 : vector<1x128xf32>
      %swap3A_39 = arith.constant 0 : index
      %swap3A_40 = arith.constant 0 : index
      %swap3A_41 = vector.load %arg6[%swap3A_39, %swap3A_40] : memref<1x128xf32, #tpu.memory_space<vmem>>, vector<1x128xf32>
      tpu.vector_store %arg6[%swap3A_39, %swap3A_40], %add3A_38 {strides = array<i32>} : memref<1x128xf32, #tpu.memory_space<vmem>>, vector<1x128xf32>,
    } else {
    }
    return
  }
  func.func @transform_0(%arg0: i32) -> (i32, i32) {
    %c0_i32 = arith.constant 0 : i32
    %c0_i32_0 = arith.constant 0 : i32
    return %arg0, %c0_i32 : i32, i32
  }
  func.func @transform_1(%arg0: i32) -> (i32, i32) {
    %c0_i32 = arith.constant 0 : i32
    %c0_i32_0 = arith.constant 0 : i32
    %c0_i32_1 = arith.constant 0 : i32
    return %c0_i32, %c0_i32_0 : i32, i32
  }
  func.func @transform_2(%arg0: i32) -> (i32, i32) {
    %c0_i32 = arith.constant 0 : i32
    %c0_i32_0 = arith.constant 0 : i32
    %c0_i32_1 = arith.constant 0 : i32
    return %c0_i32, %c0_i32_0 : i32, i32
  }
  func.func @transform_3(%arg0: i32) -> (i32, i32) {
    %c0_i32 = arith.constant 0 : i32
    %c0_i32_0 = arith.constant 0 : i32
    %c0_i32_1 = arith.constant 0 : i32
    return %c0_i32, %c0_i32_0 : i32, i32
  }
  func.func @transform_4(%arg0: i32) -> (i32, i32) {
    %c0_i32 = arith.constant 0 : i32
    %c0_i32_0 = arith.constant 0 : i32
    %c0_i32_1 = arith.constant 0 : i32
    return %c0_i32, %c0_i32_0 : i32, i32
  }
  func.func @transform_5(%arg0: i32) -> (i32, i32) {
    %c0_i32 = arith.constant 0 : i32
    %c0_i32_0 = arith.constant 0 : i32
    %c0_i32_1 = arith.constant 0 : i32
    return %c0_i32, %c0_i32_0 : i32, i32
  }
}

</mosaic_0001>

<sc_bundles>
// kernel: closed_call.9.cloned.1.call-start
scs
__scs_entry_jumppad:
0x0: {  	(pc) =	sbr.rel $0x88, $3  }
0x1: {  	(tag) =	ssettag $0x0;
	lr =	simm.s32 $0x1  }
0x2: {  	[smem:$0x3F82] =	sst lr;
	_ =	strace $0xD0000000  }
0x3: {  	_ = 	snop  }
0x4: {  	_ = 	snop  }
0x5: {  	_ = 	snop  }
0x6: {  	_ = 	snop  }
0x7: {  	_ = 	snop  }
__scs_overlays_trampoline_lowered:
0x8: {  	[smem:$0x3F91] =	sst s0  }
0x9: {  	[smem:$0x3F92] =	sst s1  }
0xa: {  	[smem:$0x3F93] =	sst s2  }
0xb: {  	[smem:$0x3F94] =	sst s3  }
0xc: {  	[smem:$0x3F95] =	sst s4  }
0xd: {  	[smem:$0x3F96] =	sst s5  }
0xe: {  	[smem:$0x3F97] =	sst s6  }
0xf: {  	[smem:$0x3F98] =	sst s7  }
0x10: {  	[smem:$0x3F99] =	sst s8  }
0x11: {  	[smem:$0x3F9A] =	sst s9;
	s0 =	simm.s32 @!p0 $0x0  }
0x12: {  	s1 =	sld [smem:$0x3F80];
	s0 =	simm.s32 @p0 $0x1  }
0x13: {  	[smem:$0x3F9B] =	sst s0;
	s0 =	simm.s32 @!p1 $0x0  }
0x14: {  	s2 =	sld [smem:$0x3F7F];
	s0 =	simm.s32 @p1 $0x1  }
0x15: {  	[smem:$0x3F9C] =	sst s0;
	s0 =	simm.s32 @!p2 $0x0  }
0x16: {  	s3 =	sld [smem:$0x3FDB];
	s0 =	simm.s32 @p2 $0x1  }
0x17: {  	s4 =	simm.s32 $0x1BF5;
	[smem:$0x3F9E] =	sst s0  }
0x18: {  	s0 =	sld [smem:$0x3F81];
	_ =	swait.ge [sflag:s4], $0x0  }
0x19: {  	s7 =	sld [smem:$0x3F82]  }
0x1a: {  	s8 =	sadd.s32 $0xFFFFE003, lr  }
0x1b: {  	s9 =	sadd.s32 $0xFFFFFEF7, lr;
	s5 =	simm.s32 $0xFFFFFFFF;
	p2 =	slt.u32 s8, $0xFFFFF086  }
0x1c: {  	p1 =	slt.u32 s9, $0xF7A;
	s5 =	simm.s32 @!p2 $0x0  }
0x1d: {  	s5 =	simm.s32 @p1 $0x1;
	p0 =	seq.s32 s7, s2  }
0x1e: {  	s7 =	smul.u32 @!p0 $0xF7A, s2;
	p2 =	seq.s32 @!p0 s5, $0x0  }
0x1f: {  	s9 =	smul.u32 $0xF7A, s1;
	s8 =	simm.s32 @!p0 $0x1BF5;
	p2 =	por !p2, p0  }
0x20: {  	[sflag:s8] =	ssyncset.s32 @!p0 $0xFFFFF086;
	s6 =	sadd.s32 @!p0 s3, s7;
	s7 =	simm.s32 @!p0 $0x108  }
0x21: {  	s3 =	sadd.s32 s3, s9;
	s6 =	sadd.s32 @!p0 $0x88, s6;
	s7 =	simm.s32 @p2 $0x1082  }
0x22: {  	[simem:s7], [sflag:s8] =	dma.local @!p0 [hbm:s6], $0xF7A  }
0x23: {  	s9 =	sor.u32 $0xD0000000, s2;
	s6 =	simm.s32 $0x108;
	_ =	swait.ge @!p0 [sflag:s8], $0x0  }
0x24: {  	s3 =	sadd.s32 $0x88, s3;
	s6 =	simm.s32 @!p1 $0x1082;
	[sflag:s4] =	ssyncset.s32 $0xFFFFF086  }
0x25: {  	[simem:s6], [sflag:s4] =	dma.local [hbm:s3], $0xF7A  }
0x26: {  	[smem:$0x3F82] =	sst s1;
	(tag) =	ssettag s2;
	_ =	strace s9  }
0x27: {  	s1 =	sld [smem:$0x3F92]  }
0x28: {  	s2 =	sld [smem:$0x3F93]  }
0x29: {  	s4 =	sld [smem:$0x3F95]  }
0x2a: {  	p0 =	seq.s32 s5, $0x0;
	s5 =	sld [smem:$0x3F96]  }
0x2b: {  	s6 =	sld [smem:$0x3F97]  }
0x2c: {  	s7 =	sld [smem:$0x3F98]  }
0x2d: {  	s3 =	simm.s32 $0x108;
	s8 =	sld [smem:$0x3F99]  }
0x2e: {  	s3 =	simm.s32 @!p0 $0x1082;
	s9 =	sld [smem:$0x3F9A]  }
0x2f: {  	lr =	sadd.s32 s0, s3;
	s0 =	sld [smem:$0x3F91]  }
0x30: {  	s3 =	sld [smem:$0x3F94]  }
0x31: {  	[smem:$0x3F9D] =	sst s10  }
0x32: {  	s10 =	sld [smem:$0x3F9B];
	_ =	sdelay $0x3  }
0x33: {  	p0 =	seq.s32 s10, $0x1;
	s10 =	sld [smem:$0x3F9D];
	_ =	sdelay $0x3  }
0x34: {  	[smem:$0x3F9D] =	sst s10  }
0x35: {  	s10 =	sld [smem:$0x3F9C];
	_ =	sdelay $0x3  }
0x36: {  	p1 =	seq.s32 s10, $0x1;
	s10 =	sld [smem:$0x3F9D];
	_ =	sdelay $0x3  }
0x37: {  	[smem:$0x3F9D] =	sst s10  }
0x38: {  	s10 =	sld [smem:$0x3F9E]  }
0x39: {  	_ = 	snop;
	(pc) =	sbr.ind lr, $3  }
0x3a: {  	_ = 	snop  }
0x3b: {  	_ = 	snop  }
0x3c: {  	p2 =	seq.s32 s10, $0x1;
	s10 =	sld [smem:$0x3F9D]  }
0x3d: {  	_ =	shalt  }
0x3e: {  	_ =	shalt  }
0x3f: {  	_ =	shalt  }
0x40: {  	_ =	shalt  }
0x41: {  	_ =	shalt  }
0x42: {  	_ =	shalt  }
0x43: {  	_ =	shalt  }
0x44: {  	_ =	shalt  }
0x45: {  	_ =	shalt  }
0x46: {  	_ =	shalt  }
0x47: {  	_ =	shalt  }
0x48: {  	_ =	shalt  }
0x49: {  	_ =	shalt  }
0x4a: {  	_ =	shalt  }
0x4b: {  	_ =	shalt  }
0x4c: {  	_ =	shalt  }
0x4d: {  	_ =	shalt  }
0x4e: {  	_ =	shalt  }
0x4f: {  	_ =	shalt  }
0x50: {  	_ =	shalt  }
0x51: {  	_ =	shalt  }
0x52: {  	_ =	shalt  }
0x53: {  	_ =	shalt  }
0x54: {  	_ =	shalt  }
0x55: {  	_ =	shalt  }
0x56: {  	_ =	shalt  }
0x57: {  	_ =	shalt  }
0x58: {  	_ =	shalt  }
0x59: {  	_ =	shalt  }
0x5a: {  	_ =	shalt  }
0x5b: {  	_ =	shalt  }
0x5c: {  	_ =	shalt  }
0x5d: {  	_ =	shalt  }
0x5e: {  	_ =	shalt  }
0x5f: {  	_ =	shalt  }
0x60: {  	_ =	shalt  }
0x61: {  	_ =	shalt  }
0x62: {  	_ =	shalt  }
0x63: {  	_ =	shalt  }
0x64: {  	_ =	shalt  }
0x65: {  	_ =	shalt  }
0x66: {  	_ =	shalt  }
0x67: {  	_ =	shalt  }
0x68: {  	_ =	shalt  }
0x69: {  	_ =	shalt  }
0x6a: {  	_ =	shalt  }
0x6b: {  	_ =	shalt  }
0x6c: {  	_ =	shalt  }
0x6d: {  	_ =	shalt  }
0x6e: {  	_ =	shalt  }
0x6f: {  	_ =	shalt  }
0x70: {  	_ =	shalt  }
0x71: {  	_ =	shalt  }
0x72: {  	_ =	shalt  }
0x73: {  	_ =	shalt  }
0x74: {  	_ =	shalt  }
0x75: {  	_ =	shalt  }
0x76: {  	_ =	shalt  }
0x77: {  	_ =	shalt  }
0x78: {  	_ =	shalt  }
0x79: {  	_ =	shalt  }
0x7a: {  	_ =	shalt  }
0x7b: {  	_ =	shalt  }
0x7c: {  	_ =	shalt  }
0x7d: {  	_ =	shalt  }
0x7e: {  	_ =	shalt  }
0x7f: {  	_ =	shalt  }
0x80: {  	_ =	shalt  }
0x81: {  	_ =	shalt  }
0x82: {  	_ =	shalt  }
0x83: {  	_ =	shalt  }
0x84: {  	_ =	shalt  }
0x85: {  	_ =	shalt  }
0x86: {  	_ =	shalt  }
0x87: {  	_ =	shalt  }
.Lfunc_end0:
.L_simem_size_0:
called_computation_lowered:
.L_overlay_start_0:
0x88: {  	s2 =	sld [smem:$0x3FD9]  }
0x89: {  	s3 =	sld [smem:$0x3FFE];
	_ =	sdelay $0x1  }
0x8a: {  	s1 =	srdreg.scid  }
0x8b: {  	s0 =	sand.u32 $0x1, s1  }
0x8c: {  	s16 =	sshll.u32 s0, $0xA;
	s2 =	sadd.s32 s3, s2  }
0x8d: {  	s2 =	sadd.s32 s2, s16  }
0x8e: {  	[smem:$0x3FA9] =	sst s2  }
0x8f: {  	_ = 	snop  }
0x90: {  	(tm) =	ssettm $0x1  }
0x91: {  	s17 =	sld [smem:$0x3FFB];
	_ =	sdelay $0x3  }
0x92: {  	_ =	strace s17  }
0x93: {  	s2 =	sld [smem:$0x3FFC];
	_ =	sdelay $0x3  }
0x94: {  	_ =	strace s2  }
0x95: {  	s2 =	sld [smem:$0x3FFD];
	_ =	sdelay $0x3  }
0x96: {  	_ =	strace s2  }
0x97: {  	_ =	strace $0x8FFFFFFF  }
0x98: {  	s18 =	sld [smem:$0x3FDB];
	_ =	sdelay $0x1  }
0x99: {  	s19 =	simm.s32 $_scs_section_size  }
0x9a: {  	s4 =	simm.s32 $_size__tile_overlayer_lowered;
	s5 =	simm.s32 $_tile_overlayer_lowered  }
0x9b: {  	s22 =	simm.s32 $0x1BFF;
	s21 =	sshll.u32 s5, $0x1;
	s2 =	sadd.s32 s19, s18  }
0x9c: {  	s6 =	simm.s32 $0x0;
	s20 =	sshll.u32 s4, $0x1;
	s4 =	sadd.s32 s21, s2  }
0x9d: {  	[timem:s6], [sflag:s22] =	dma.local [hbm:s4], s20  }
0x9e: {  	_ =	swait.ge [sflag:s22], s20  }
0x9f: {  	s3 =	ssub.s32 $0x0, s20;
	[sflag:s22] =	ssyncset.done $0x0  }
0xa0: {  	[sflag:s22] =	ssyncadd.s32 s3;
	_ =	sdelay $0x1  }
0xa1: {  	s23 =	simm.s32 $0x1B8B  }
0xa2: {  	_ =	swait.ge [sflag:s23], $0x1  }
0xa3: {  	[sflag:s23] =	ssyncset.done $0x0  }
0xa4: {  	s25 =	simm.s32 $0x1B8E;
	s24 =	sld [smem:$0x3FFE];
	[sflag:s23] =	ssyncadd.s32 $0xFFFFFFFF  }
0xa5: {  	s26 =	simm.s32 $execute0_lowered;
	[smem:$0x3FD2] =	sst s25  }
0xa6: {  	s4 =	sshll.u32 s26, $0x1;
	_ =	strace $0x80000049;
	[dreg:$0x1] =	wrdreg $0xFFFFFFFF  }
0xa7: {  	s28 =	simm.s32 $_size_execute0_lowered;
	s2 =	sadd.s32 s2, s4;
	[dreg:$0x0] =	wrdreg $0x0  }
0xa8: {  	s4 =	sshll.u32 s28, $0x1;
	[dreg:$0x2] =	wrdreg s2  }
0xa9: {  	[dreg:$0x3] =	wrdreg s4  }
0xaa: {  	[dreg:$0x4] =	wrdreg $0xC0  }
0xab: {  	_ =	task [dreg:s6], $0x5FFFF  }
0xac: {  	[dreg:$0x1] =	wrdreg $0xFFFFFFFF  }
0xad: {  	[dreg:$0x0] =	wrdreg $0x60  }
0xae: {  	[dreg:$0x2] =	wrdreg s24  }
0xaf: {  	[dreg:$0x3] =	wrdreg $0x13E200  }
0xb0: {  	[dreg:$0x4] =	wrdreg $0x9  }
0xb1: {  	_ =	task.clear_ibuf [dreg:s6], $0x5FFFF;
	_ =	strace $0x90000049  }
0xb2: {  	s29 =	simm.s32 $0x9;
	_ =	strace $0x8000004B  }
0xb3: {  	_ =	swait.ge [sflag:s29], $0x1  }
0xb4: {  	[sflag:s29] =	ssyncadd.s32 $0xFFFFFFFF  }
0xb5: {  	_ =	strace $0x9000004B  }
0xb6: {  	_ =	sfence  }
0xb7: {  	s30 =	sld [smem:$0x0];
	_ =	sdelay $0x2  }
0xb8: {  	s31 =	sshll.u32 s1, $0xD;
	s1 =	sshrl.u32 s1, $0x2  }
0xb9: {  	s3 =	sand.u32 $0x4000, s31;
	s1 =	sadd.s32 s1, s30  }
0xba: {  	s0 =	sor.u32 s3, s0;
	s1 =	sshll.u32 s1, $0x11  }
0xbb: {  	s0 =	sor.u32 s1, s0  }
0xbc: {  	s0 =	sadd.s32 $0x8F2B, s0  }
0xbd: {  	[sflag:s0] =	ssyncadd.remote.s32 $0x1  }
0xbe: {  	_ =	sfence.sel $0xFFFF  }
0xbf: {  	[dreg:$0x0] =	wrdreg $0xFFFFFFFF;
	(pc) =	sbr.abs _section_cstart, $3  }
0xc0: {  	[dreg:$0x1] =	wrdreg $0xFFFFFFFF  }
0xc1: {  	_ =	task.clear_ibuf [dreg:s6], $0x2FFFF;
	_ =	strace $0x9FFFFFFF  }
0xc2: {  	(tm) =	ssettm $0x7FFFFFFF  }
0xc3: {  	_ =	shalt  }
tec
execute0_lowered:
.L_overlay_start_1:
0x0: {  	(tag) =	ssettag $0x1  }
0x1: {  	s0 =	srdreg.scid;
	s5 =	rddreg [dreg:$0x0]  }
0x2: {  	s8 =	stileid.u32;
	s2 =	rddreg [dreg:$0x1]  }
0x3: {  	s3 =	simm.s32 $0x0;
	s13 =	simm.s32 $0x5;
	s14 =	simm.s32 $0x2710  }
0x4: {  	s15 =	simm.s32 $0x11620;
	s16 =	simm.s32 $0x190;
	s17 =	simm.s32 $0x4E20  }
0x5: {  	s18 =	simm.s32 $0x1;
	s19 =	simm.s32 $0xB220;
	s20 =	simm.s32 $0x2  }
0x6: {  	s21 =	simm.s32 $0x3;
	s24 =	simm.s32 $0x4;
	s23 =	simm.s32 $0x47E0  }
0x7: {  	s28 =	simm.s32 $0x2580;
	s29 =	simm.s32 $0x4B00;
	s30 =	simm.s32 $0x4C90  }
0x8: {  	s31 =	simm.s32 $0x0;
	s0 =	sand.u32 $0x1, s0;
	s7 =	smul.u32 $0xA000, s8  }
0x9: {  	[smem:$0x7FF] =	sst s3;
	s1 =	sshll.u32 s0, $0x4;
	s4 =	smul.u32 $0xA0000, s0  }
0xa: {  	s0 =	ssub.s32 $0x2, s0;
	s1 =	sor.u32 s8, s1;
	s8 =	smul.u32 $0x28000, s8  }
0xb: {  	_ =	strace $0x8000004A;
	s25 =	sshrl.u32 s0, $0x1;
	s1 =	smul.u32 $0x4E2, s1  }
0xc: {  	s4 =	sadd.s32 s7, s4;
	s0 =	ssub.s32 s0, s25;
	s7 =	sadd.s32 s7, s2  }
0xd: {  	s25 =	simm.s32 $0x23F0;
	s6 =	sshrl.u32 s4, $0x3;
	s4 =	sadd.s32 $0x19000, s5  }
0xe: {  	s8 =	sshrl.u32 s8, $0x2;
	s12 =	smax.u32 s0, $0x1;
	s1 =	sadd.s32 s1, s5  }
0xf: {  	s11 =	sadd.s32 s6, s5;
	s26 =	sadd.s32 s8, s2;
	s5 =	sadd.s32 $0x5400, s1  }
0x10: {  	s6 =	sadd.s32 $0xF200, s1;
	s8 =	sadd.s32 $0x2800, s26;
	s9 =	sadd.s32 $0x5000, s26  }
0x11: {  	v0 =	vimm.f32 $0.0e+00;
	s10 =	sadd.s32 $0x7800, s26;
	s11 =	sadd.s32 $0x2CA00, s11;
	s26 =	simm.s32 $0x4970  }
.LBB2_1:
0x12: {  	[tilespmem:s3], [sflag:$0x5] =	stream.linear.gather [hbm4b:s5+s3], $0x2710, $0x38;
	[tilespmem:$0x1DE20] =	vst v63  }
0x13: {  	_ =	swait.ge [sflag:s13], $0x2710  }
0x14: {  	[sflag:s13] =	ssyncset.done $0x0  }
0x15: {  	[sflag:s13] =	ssyncadd.s32 $0xFFFFD8F0  }
0x16: {  	[tilespmem:s14], [sflag:$0x5] =	stream.linear.gather [hbm4b:s6+s3], $0x2710, $0x38;
	[tilespmem:$0x1DE20] =	vst v63  }
0x17: {  	_ =	swait.ge [sflag:s13], $0x2710  }
0x18: {  	[sflag:s13] =	ssyncset.done $0x0  }
0x19: {  	s0 =	simm.s32 $0x100;
	s1 =	simm.s32 $0x0;
	[sflag:s13] =	ssyncadd.s32 $0xFFFFD8F0  }
.LBB2_2:
0x1a: {  	p0 =	sne.s32 s0, $0x9F00;
	[tilespmem:s1+$0x11650] =	vst v0;
	s22 =	smov.u32 s0;
	s0 =	sadd.s32 $0x100, s0  }
.Ltmp0:
0x1b: {  	[tilespmem:s1+$0x11640] =	vst v0;
	(pc) =	sbr.rel @p0 .LBB2_2-.Ltmp0, $3  }
0x1c: {  	[tilespmem:s1+$0x11620] =	vst v0  }
0x1d: {  	[tilespmem:s1+$0x11630] =	vst v0;
	_ =	sdelay $0x1  }
0x1e: {  	s1 =	sshra.s32 s22, $0x2  }
0x1f: {  	[tilespmem:s1+$0x11650] =	vst v0  }
0x20: {  	[tilespmem:s1+$0x11640] =	vst v0  }
0x21: {  	[tilespmem:s1+$0x11620] =	vst v0  }
0x22: {  	[tilespmem:s1+$0x11630] =	vst v0  }
0x23: {  	[spmem:s7] =	stream.linear.scatter [tilespmem:s15], [sflag:$0x5], $0x2800, $0x38;
	[tilespmem:$0x1DE20] =	vst v63  }
0x24: {  	_ =	swait.ge [sflag:s13], $0x2800  }
0x25: {  	[sflag:s13] =	ssyncset.done $0x0  }
0x26: {  	[sflag:s13] =	ssyncadd.s32 $0xFFFFD800  }
0x27: {  	[spmem:s8] =	stream.linear.scatter [tilespmem:s15], [sflag:$0x5], $0x2800, $0x38;
	[tilespmem:$0x1DE20] =	vst v63  }
0x28: {  	_ =	swait.ge [sflag:s13], $0x2800  }
0x29: {  	[sflag:s13] =	ssyncset.done $0x0  }
0x2a: {  	[sflag:s13] =	ssyncadd.s32 $0xFFFFD800  }
0x2b: {  	[spmem:s9] =	stream.linear.scatter [tilespmem:s15], [sflag:$0x5], $0x2800, $0x38;
	[tilespmem:$0x1DE20] =	vst v63  }
0x2c: {  	_ =	swait.ge [sflag:s13], $0x2800  }
0x2d: {  	[sflag:s13] =	ssyncset.done $0x0  }
0x2e: {  	[sflag:s13] =	ssyncadd.s32 $0xFFFFD800  }
0x2f: {  	[spmem:s10] =	stream.linear.scatter [tilespmem:s15], [sflag:$0x5], $0x2800, $0x38;
	[tilespmem:$0x1DE20] =	vst v63  }
0x30: {  	_ =	swait.ge [sflag:s13], $0x2800  }
0x31: {  	[sflag:s13] =	ssyncset.done $0x0  }
0x32: {  	[sflag:s13] =	ssyncadd.s32 $0xFFFFD800  }
0x33: {  	[bflag:$0x0] =	sbarrier.arrive $0xFFFF  }
0x34: {  	[tilespmem:s17], [sflag:$0x1] =	stream.indirect.gather [hbm4b:s4+s16], $0x40, s3, s16, $0xb8;
	[tilespmem:$0x1DE20] =	vst v63  }
0x35: {  	_ =	swait.ge [sflag:s18], $0x6400  }
0x36: {  	[sflag:s18] =	ssyncset.done $0x0  }
0x37: {  	[sflag:s18] =	ssyncadd.s32 $0xFFFF9C00  }
0x38: {  	[tilespmem:s19], [sflag:$0x2] =	stream.indirect.gather [hbm4b:s4+s16], $0x40, s16, s16, $0xb8;
	[tilespmem:$0x1DE20] =	vst v63  }
0x39: {  	_ = 	snop  }
0x3a: {  	[spmem:s2] =	stream.indirect.scatter.add.f32 [tilespmem:s17], [sflag:$0x3], $0x40, s14, s16, $0xb8;
	[tilespmem:$0x1DE20] =	vst v63  }
0x3b: {  	_ =	swait.ge [sflag:s20], $0x6400  }
0x3c: {  	[sflag:s20] =	ssyncset.done $0x0  }
0x3d: {  	[sflag:s20] =	ssyncadd.s32 $0xFFFF9C00  }
0x3e: {  	_ =	swait.ge [sflag:s21], $0x6400  }
0x3f: {  	[sflag:s21] =	ssyncset.done $0x0  }
0x40: {  	s0 =	simm.s32 $0x320;
	[sflag:s21] =	ssyncadd.s32 $0xFFFF9C00  }
0x41: {  	[tilespmem:s17], [sflag:$0x1] =	stream.indirect.gather [hbm4b:s4+s16], $0x40, s0, s16, $0xb8;
	[tilespmem:$0x1DE20] =	vst v63  }
0x42: {  	s1 =	simm.s32 $0x28A0  }
0x43: {  	[spmem:s2] =	stream.indirect.scatter.add.f32 [tilespmem:s19], [sflag:$0x4], $0x40, s1, s16, $0xb8;
	[tilespmem:$0x1DE20] =	vst v63  }
0x44: {  	_ =	swait.ge [sflag:s18], $0x6400  }
0x45: {  	[sflag:s18] =	ssyncset.done $0x0  }
0x46: {  	[sflag:s18] =	ssyncadd.s32 $0xFFFF9C00  }
0x47: {  	_ =	swait.ge [sflag:s24], $0x6400  }
0x48: {  	[sflag:s24] =	ssyncset.done $0x0  }
0x49: {  	s22 =	simm.s32 $0x4B0;
	[sflag:s24] =	ssyncadd.s32 $0xFFFF9C00  }
0x4a: {  	[tilespmem:s19], [sflag:$0x2] =	stream.indirect.gather [hbm4b:s4+s16], $0x40, s22, s16, $0xb8;
	[tilespmem:$0x1DE20] =	vst v63  }
0x4b: {  	s1 =	simm.s32 $0x2A30  }
0x4c: {  	[spmem:s2] =	stream.indirect.scatter.add.f32 [tilespmem:s17], [sflag:$0x3], $0x40, s1, s16, $0xb8;
	[tilespmem:$0x1DE20] =	vst v63  }
0x4d: {  	_ =	swait.ge [sflag:s20], $0x6400  }
0x4e: {  	[sflag:s20] =	ssyncset.done $0x0  }
0x4f: {  	[sflag:s20] =	ssyncadd.s32 $0xFFFF9C00  }
0x50: {  	_ =	swait.ge [sflag:s21], $0x6400  }
0x51: {  	[sflag:s21] =	ssyncset.done $0x0  }
0x52: {  	s22 =	simm.s32 $0x640;
	[sflag:s21] =	ssyncadd.s32 $0xFFFF9C00  }
0x53: {  	[tilespmem:s17], [sflag:$0x1] =	stream.indirect.gather [hbm4b:s4+s16], $0x40, s22, s16, $0xb8;
	[tilespmem:$0x1DE20] =	vst v63  }
0x54: {  	s1 =	simm.s32 $0x2BC0  }
0x55: {  	[spmem:s2] =	stream.indirect.scatter.add.f32 [tilespmem:s19], [sflag:$0x4], $0x40, s1, s16, $0xb8;
	[tilespmem:$0x1DE20] =	vst v63  }
0x56: {  	_ =	swait.ge [sflag:s18], $0x6400  }
0x57: {  	[sflag:s18] =	ssyncset.done $0x0  }
0x58: {  	[sflag:s18] =	ssyncadd.s32 $0xFFFF9C00  }
0x59: {  	_ =	swait.ge [sflag:s24], $0x6400  }
0x5a: {  	[sflag:s24] =	ssyncset.done $0x0  }
0x5b: {  	s22 =	simm.s32 $0x7D0;
	[sflag:s24] =	ssyncadd.s32 $0xFFFF9C00  }
0x5c: {  	[tilespmem:s19], [sflag:$0x2] =	stream.indirect.gather [hbm4b:s4+s16], $0x40, s22, s16, $0xb8;
	[tilespmem:$0x1DE20] =	vst v63  }
0x5d: {  	s1 =	simm.s32 $0x2D50  }
0x5e: {  	[spmem:s2] =	stream.indirect.scatter.add.f32 [tilespmem:s17], [sflag:$0x3], $0x40, s1, s16, $0xb8;
	[tilespmem:$0x1DE20] =	vst v63  }
0x5f: {  	_ =	swait.ge [sflag:s20], $0x6400  }
0x60: {  	[sflag:s20] =	ssyncset.done $0x0  }
0x61: {  	[sflag:s20] =	ssyncadd.s32 $0xFFFF9C00  }
0x62: {  	_ =	swait.ge [sflag:s21], $0x6400  }
0x63: {  	[sflag:s21] =	ssyncset.done $0x0  }
0x64: {  	s22 =	simm.s32 $0x960;
	[sflag:s21] =	ssyncadd.s32 $0xFFFF9C00  }
0x65: {  	[tilespmem:s17], [sflag:$0x1] =	stream.indirect.gather [hbm4b:s4+s16], $0x40, s22, s16, $0xb8;
	[tilespmem:$0x1DE20] =	vst v63  }
0x66: {  	s1 =	simm.s32 $0x2EE0  }
0x67: {  	[spmem:s2] =	stream.indirect.scatter.add.f32 [tilespmem:s19], [sflag:$0x4], $0x40, s1, s16, $0xb8;
	[tilespmem:$0x1DE20] =	vst v63  }
0x68: {  	_ =	swait.ge [sflag:s18], $0x6400  }
0x69: {  	[sflag:s18] =	ssyncset.done $0x0  }
0x6a: {  	[sflag:s18] =	ssyncadd.s32 $0xFFFF9C00  }
0x6b: {  	_ =	swait.ge [sflag:s24], $0x6400  }
0x6c: {  	[sflag:s24] =	ssyncset.done $0x0  }
0x6d: {  	s22 =	simm.s32 $0xAF0;
	[sflag:s24] =	ssyncadd.s32 $0xFFFF9C00  }
0x6e: {  	[tilespmem:s19], [sflag:$0x2] =	stream.indirect.gather [hbm4b:s4+s16], $0x40, s22, s16, $0xb8;
	[tilespmem:$0x1DE20] =	vst v63  }
0x6f: {  	s1 =	simm.s32 $0x3070  }
0x70: {  	[spmem:s2] =	stream.indirect.scatter.add.f32 [tilespmem:s17], [sflag:$0x3], $0x40, s1, s16, $0xb8;
	[tilespmem:$0x1DE20] =	vst v63  }
0x71: {  	_ =	swait.ge [sflag:s20], $0x6400  }
0x72: {  	[sflag:s20] =	ssyncset.done $0x0  }
0x73: {  	[sflag:s20] =	ssyncadd.s32 $0xFFFF9C00  }
0x74: {  	_ =	swait.ge [sflag:s21], $0x6400  }
0x75: {  	[sflag:s21] =	ssyncset.done $0x0  }
0x76: {  	s22 =	simm.s32 $0xC80;
	[sflag:s21] =	ssyncadd.s32 $0xFFFF9C00  }
0x77: {  	[tilespmem:s17], [sflag:$0x1] =	stream.indirect.gather [hbm4b:s4+s16], $0x40, s22, s16, $0xb8;
	[tilespmem:$0x1DE20] =	vst v63  }
0x78: {  	s1 =	simm.s32 $0x3200  }
0x79: {  	[spmem:s2] =	stream.indirect.scatter.add.f32 [tilespmem:s19], [sflag:$0x4], $0x40, s1, s16, $0xb8;
	[tilespmem:$0x1DE20] =	vst v63  }
0x7a: {  	_ =	swait.ge [sflag:s18], $0x6400  }
0x7b: {  	[sflag:s18] =	ssyncset.done $0x0  }
0x7c: {  	[sflag:s18] =	ssyncadd.s32 $0xFFFF9C00  }
0x7d: {  	_ =	swait.ge [sflag:s24], $0x6400  }
0x7e: {  	[sflag:s24] =	ssyncset.done $0x0  }
0x7f: {  	s22 =	simm.s32 $0xE10;
	[sflag:s24] =	ssyncadd.s32 $0xFFFF9C00  }
0x80: {  	[tilespmem:s19], [sflag:$0x2] =	stream.indirect.gather [hbm4b:s4+s16], $0x40, s22, s16, $0xb8;
	[tilespmem:$0x1DE20] =	vst v63  }
0x81: {  	s1 =	simm.s32 $0x3390  }
0x82: {  	[spmem:s2] =	stream.indirect.scatter.add.f32 [tilespmem:s17], [sflag:$0x3], $0x40, s1, s16, $0xb8;
	[tilespmem:$0x1DE20] =	vst v63  }
0x83: {  	_ =	swait.ge [sflag:s20], $0x6400  }
0x84: {  	[sflag:s20] =	ssyncset.done $0x0  }
0x85: {  	[sflag:s20] =	ssyncadd.s32 $0xFFFF9C00  }
0x86: {  	_ =	swait.ge [sflag:s21], $0x6400  }
0x87: {  	[sflag:s21] =	ssyncset.done $0x0  }
0x88: {  	s22 =	simm.s32 $0xFA0;
	[sflag:s21] =	ssyncadd.s32 $0xFFFF9C00  }
0x89: {  	[tilespmem:s17], [sflag:$0x1] =	stream.indirect.gather [hbm4b:s4+s16], $0x40, s22, s16, $0xb8;
	[tilespmem:$0x1DE20] =	vst v63  }
0x8a: {  	s1 =	simm.s32 $0x3520  }
0x8b: {  	[spmem:s2] =	stream.indirect.scatter.add.f32 [tilespmem:s19], [sflag:$0x4], $0x40, s1, s16, $0xb8;
	[tilespmem:$0x1DE20] =	vst v63  }
0x8c: {  	_ =	swait.ge [sflag:s18], $0x6400  }
0x8d: {  	[sflag:s18] =	ssyncset.done $0x0  }
0x8e: {  	[sflag:s18] =	ssyncadd.s32 $0xFFFF9C00  }
0x8f: {  	_ =	swait.ge [sflag:s24], $0x6400  }
0x90: {  	[sflag:s24] =	ssyncset.done $0x0  }
0x91: {  	s22 =	simm.s32 $0x1130;
	[sflag:s24] =	ssyncadd.s32 $0xFFFF9C00  }
0x92: {  	[tilespmem:s19], [sflag:$0x2] =	stream.indirect.gather [hbm4b:s4+s16], $0x40, s22, s16, $0xb8;
	[tilespmem:$0x1DE20] =	vst v63  }
0x93: {  	s1 =	simm.s32 $0x36B0  }
0x94: {  	[spmem:s2] =	stream.indirect.scatter.add.f32 [tilespmem:s17], [sflag:$0x3], $0x40, s1, s16, $0xb8;
	[tilespmem:$0x1DE20] =	vst v63  }
0x95: {  	_ =	swait.ge [sflag:s20], $0x6400  }
0x96: {  	[sflag:s20] =	ssyncset.done $0x0  }
0x97: {  	[sflag:s20] =	ssyncadd.s32 $0xFFFF9C00  }
0x98: {  	_ =	swait.ge [sflag:s21], $0x6400  }
0x99: {  	[sflag:s21] =	ssyncset.done $0x0  }
0x9a: {  	s22 =	simm.s32 $0x12C0;
	[sflag:s21] =	ssyncadd.s32 $0xFFFF9C00  }
0x9b: {  	[tilespmem:s17], [sflag:$0x1] =	stream.indirect.gather [hbm4b:s4+s16], $0x40, s22, s16, $0xb8;
	[tilespmem:$0x1DE20] =	vst v63  }
0x9c: {  	s1 =	simm.s32 $0x3840  }
0x9d: {  	[spmem:s2] =	stream.indirect.scatter.add.f32 [tilespmem:s19], [sflag:$0x4], $0x40, s1, s16, $0xb8;
	[tilespmem:$0x1DE20] =	vst v63  }
0x9e: {  	_ =	swait.ge [sflag:s18], $0x6400  }
0x9f: {  	[sflag:s18] =	ssyncset.done $0x0  }
0xa0: {  	[sflag:s18] =	ssyncadd.s32 $0xFFFF9C00  }
0xa1: {  	_ =	swait.ge [sflag:s24], $0x6400  }
0xa2: {  	[sflag:s24] =	ssyncset.done $0x0  }
0xa3: {  	s22 =	simm.s32 $0x1450;
	[sflag:s24] =	ssyncadd.s32 $0xFFFF9C00  }
0xa4: {  	[tilespmem:s19], [sflag:$0x2] =	stream.indirect.gather [hbm4b:s4+s16], $0x40, s22, s16, $0xb8;
	[tilespmem:$0x1DE20] =	vst v63  }
0xa5: {  	s1 =	simm.s32 $0x39D0  }
0xa6: {  	[spmem:s2] =	stream.indirect.scatter.add.f32 [tilespmem:s17], [sflag:$0x3], $0x40, s1, s16, $0xb8;
	[tilespmem:$0x1DE20] =	vst v63  }
0xa7: {  	_ =	swait.ge [sflag:s20], $0x6400  }
0xa8: {  	[sflag:s20] =	ssyncset.done $0x0  }
0xa9: {  	[sflag:s20] =	ssyncadd.s32 $0xFFFF9C00  }
0xaa: {  	_ =	swait.ge [sflag:s21], $0x6400  }
0xab: {  	[sflag:s21] =	ssyncset.done $0x0  }
0xac: {  	s22 =	simm.s32 $0x15E0;
	[sflag:s21] =	ssyncadd.s32 $0xFFFF9C00  }
0xad: {  	[tilespmem:s17], [sflag:$0x1] =	stream.indirect.gather [hbm4b:s4+s16], $0x40, s22, s16, $0xb8;
	[tilespmem:$0x1DE20] =	vst v63  }
0xae: {  	s1 =	simm.s32 $0x3B60  }
0xaf: {  	[spmem:s2] =	stream.indirect.scatter.add.f32 [tilespmem:s19], [sflag:$0x4], $0x40, s1, s16, $0xb8;
	[tilespmem:$0x1DE20] =	vst v63  }
0xb0: {  	_ =	swait.ge [sflag:s18], $0x6400  }
0xb1: {  	[sflag:s18] =	ssyncset.done $0x0  }
0xb2: {  	[sflag:s18] =	ssyncadd.s32 $0xFFFF9C00  }
0xb3: {  	_ =	swait.ge [sflag:s24], $0x6400  }
0xb4: {  	[sflag:s24] =	ssyncset.done $0x0  }
0xb5: {  	s22 =	simm.s32 $0x1770;
	[sflag:s24] =	ssyncadd.s32 $0xFFFF9C00  }
0xb6: {  	[tilespmem:s19], [sflag:$0x2] =	stream.indirect.gather [hbm4b:s4+s16], $0x40, s22, s16, $0xb8;
	[tilespmem:$0x1DE20] =	vst v63  }
0xb7: {  	s1 =	simm.s32 $0x3CF0  }
0xb8: {  	[spmem:s2] =	stream.indirect.scatter.add.f32 [tilespmem:s17], [sflag:$0x3], $0x40, s1, s16, $0xb8;
	[tilespmem:$0x1DE20] =	vst v63  }
0xb9: {  	_ =	swait.ge [sflag:s20], $0x6400  }
0xba: {  	[sflag:s20] =	ssyncset.done $0x0  }
0xbb: {  	[sflag:s20] =	ssyncadd.s32 $0xFFFF9C00  }
0xbc: {  	_ =	swait.ge [sflag:s21], $0x6400  }
0xbd: {  	[sflag:s21] =	ssyncset.done $0x0  }
0xbe: {  	s22 =	simm.s32 $0x1900;
	[sflag:s21] =	ssyncadd.s32 $0xFFFF9C00  }
0xbf: {  	[tilespmem:s17], [sflag:$0x1] =	stream.indirect.gather [hbm4b:s4+s16], $0x40, s22, s16, $0xb8;
	[tilespmem:$0x1DE20] =	vst v63  }
0xc0: {  	s1 =	simm.s32 $0x3E80  }
0xc1: {  	[spmem:s2] =	stream.indirect.scatter.add.f32 [tilespmem:s19], [sflag:$0x4], $0x40, s1, s16, $0xb8;
	[tilespmem:$0x1DE20] =	vst v63  }
0xc2: {  	_ =	swait.ge [sflag:s18], $0x6400  }
0xc3: {  	[sflag:s18] =	ssyncset.done $0x0  }
0xc4: {  	[sflag:s18] =	ssyncadd.s32 $0xFFFF9C00  }
0xc5: {  	_ =	swait.ge [sflag:s24], $0x6400  }
0xc6: {  	[sflag:s24] =	ssyncset.done $0x0  }
0xc7: {  	s22 =	simm.s32 $0x1A90;
	[sflag:s24] =	ssyncadd.s32 $0xFFFF9C00  }
0xc8: {  	[tilespmem:s19], [sflag:$0x2] =	stream.indirect.gather [hbm4b:s4+s16], $0x40, s22, s16, $0xb8;
	[tilespmem:$0x1DE20] =	vst v63  }
0xc9: {  	s1 =	simm.s32 $0x4010  }
0xca: {  	[spmem:s2] =	stream.indirect.scatter.add.f32 [tilespmem:s17], [sflag:$0x3], $0x40, s1, s16, $0xb8;
	[tilespmem:$0x1DE20] =	vst v63  }
0xcb: {  	_ =	swait.ge [sflag:s20], $0x6400  }
0xcc: {  	[sflag:s20] =	ssyncset.done $0x0  }
0xcd: {  	[sflag:s20] =	ssyncadd.s32 $0xFFFF9C00  }
0xce: {  	_ =	swait.ge [sflag:s21], $0x6400  }
0xcf: {  	[sflag:s21] =	ssyncset.done $0x0  }
0xd0: {  	s22 =	simm.s32 $0x1C20;
	[sflag:s21] =	ssyncadd.s32 $0xFFFF9C00  }
0xd1: {  	[tilespmem:s17], [sflag:$0x1] =	stream.indirect.gather [hbm4b:s4+s16], $0x40, s22, s16, $0xb8;
	[tilespmem:$0x1DE20] =	vst v63  }
0xd2: {  	s1 =	simm.s32 $0x41A0  }
0xd3: {  	[spmem:s2] =	stream.indirect.scatter.add.f32 [tilespmem:s19], [sflag:$0x4], $0x40, s1, s16, $0xb8;
	[tilespmem:$0x1DE20] =	vst v63  }
0xd4: {  	_ =	swait.ge [sflag:s18], $0x6400  }
0xd5: {  	[sflag:s18] =	ssyncset.done $0x0  }
0xd6: {  	[sflag:s18] =	ssyncadd.s32 $0xFFFF9C00  }
0xd7: {  	_ =	swait.ge [sflag:s24], $0x6400  }
0xd8: {  	[sflag:s24] =	ssyncset.done $0x0  }
0xd9: {  	s22 =	simm.s32 $0x1DB0;
	[sflag:s24] =	ssyncadd.s32 $0xFFFF9C00  }
0xda: {  	[tilespmem:s19], [sflag:$0x2] =	stream.indirect.gather [hbm4b:s4+s16], $0x40, s22, s16, $0xb8;
	[tilespmem:$0x1DE20] =	vst v63  }
0xdb: {  	s1 =	simm.s32 $0x4330  }
0xdc: {  	[spmem:s2] =	stream.indirect.scatter.add.f32 [tilespmem:s17], [sflag:$0x3], $0x40, s1, s16, $0xb8;
	[tilespmem:$0x1DE20] =	vst v63  }
0xdd: {  	_ =	swait.ge [sflag:s20], $0x6400  }
0xde: {  	[sflag:s20] =	ssyncset.done $0x0  }
0xdf: {  	[sflag:s20] =	ssyncadd.s32 $0xFFFF9C00  }
0xe0: {  	_ =	swait.ge [sflag:s21], $0x6400  }
0xe1: {  	[sflag:s21] =	ssyncset.done $0x0  }
0xe2: {  	s22 =	simm.s32 $0x1F40;
	[sflag:s21] =	ssyncadd.s32 $0xFFFF9C00  }
0xe3: {  	[tilespmem:s17], [sflag:$0x1] =	stream.indirect.gather [hbm4b:s4+s16], $0x40, s22, s16, $0xb8;
	[tilespmem:$0x1DE20] =	vst v63  }
0xe4: {  	s1 =	simm.s32 $0x44C0  }
0xe5: {  	[spmem:s2] =	stream.indirect.scatter.add.f32 [tilespmem:s19], [sflag:$0x4], $0x40, s1, s16, $0xb8;
	[tilespmem:$0x1DE20] =	vst v63  }
0xe6: {  	_ =	swait.ge [sflag:s18], $0x6400  }
0xe7: {  	[sflag:s18] =	ssyncset.done $0x0  }
0xe8: {  	[sflag:s18] =	ssyncadd.s32 $0xFFFF9C00  }
0xe9: {  	_ =	swait.ge [sflag:s24], $0x6400  }
0xea: {  	[sflag:s24] =	ssyncset.done $0x0  }
0xeb: {  	s22 =	simm.s32 $0x20D0;
	[sflag:s24] =	ssyncadd.s32 $0xFFFF9C00  }
0xec: {  	[tilespmem:s19], [sflag:$0x2] =	stream.indirect.gather [hbm4b:s4+s16], $0x40, s22, s16, $0xb8;
	[tilespmem:$0x1DE20] =	vst v63  }
0xed: {  	s1 =	simm.s32 $0x4650  }
0xee: {  	[spmem:s2] =	stream.indirect.scatter.add.f32 [tilespmem:s17], [sflag:$0x3], $0x40, s1, s16, $0xb8;
	[tilespmem:$0x1DE20] =	vst v63  }
0xef: {  	_ =	swait.ge [sflag:s20], $0x6400  }
0xf0: {  	[sflag:s20] =	ssyncset.done $0x0  }
0xf1: {  	[sflag:s20] =	ssyncadd.s32 $0xFFFF9C00  }
0xf2: {  	_ =	swait.ge [sflag:s21], $0x6400  }
0xf3: {  	[sflag:s21] =	ssyncset.done $0x0  }
0xf4: {  	s22 =	simm.s32 $0x2260;
	[sflag:s21] =	ssyncadd.s32 $0xFFFF9C00  }
0xf5: {  	[tilespmem:s17], [sflag:$0x1] =	stream.indirect.gather [hbm4b:s4+s16], $0x40, s22, s16, $0xb8;
	[tilespmem:$0x1DE20] =	vst v63  }
0xf6: {  	_ = 	snop  }
0xf7: {  	[spmem:s2] =	stream.indirect.scatter.add.f32 [tilespmem:s19], [sflag:$0x4], $0x40, s23, s16, $0xb8;
	[tilespmem:$0x1DE20] =	vst v63  }
0xf8: {  	_ =	swait.ge [sflag:s18], $0x6400  }
0xf9: {  	[sflag:s18] =	ssyncset.done $0x0  }
0xfa: {  	[sflag:s18] =	ssyncadd.s32 $0xFFFF9C00  }
0xfb: {  	_ =	swait.ge [sflag:s24], $0x6400  }
0xfc: {  	[sflag:s24] =	ssyncset.done $0x0  }
0xfd: {  	[sflag:s24] =	ssyncadd.s32 $0xFFFF9C00  }
0xfe: {  	[tilespmem:s19], [sflag:$0x2] =	stream.indirect.gather [hbm4b:s4+s16], $0x40, s25, s16, $0xb8;
	[tilespmem:$0x1DE20] =	vst v63  }
0xff: {  	_ = 	snop  }
0x100: {  	[spmem:s2] =	stream.indirect.scatter.add.f32 [tilespmem:s17], [sflag:$0x3], $0x40, s26, s16, $0xb8;
	[tilespmem:$0x1DE20] =	vst v63  }
0x101: {  	_ =	swait.ge [sflag:s20], $0x6400  }
0x102: {  	[sflag:s20] =	ssyncset.done $0x0  }
0x103: {  	[sflag:s20] =	ssyncadd.s32 $0xFFFF9C00  }
0x104: {  	_ =	swait.ge [sflag:s21], $0x6400  }
0x105: {  	[sflag:s21] =	ssyncset.done $0x0  }
0x106: {  	[sflag:s21] =	ssyncadd.s32 $0xFFFF9C00  }
0x107: {  	[tilespmem:s17], [sflag:$0x1] =	stream.indirect.gather [hbm4b:s4+s16], $0x40, s28, s16, $0xb8;
	[tilespmem:$0x1DE20] =	vst v63  }
0x108: {  	_ = 	snop  }
0x109: {  	[spmem:s2] =	stream.indirect.scatter.add.f32 [tilespmem:s19], [sflag:$0x4], $0x40, s29, s16, $0xb8;
	[tilespmem:$0x1DE20] =	vst v63  }
0x10a: {  	_ =	swait.ge [sflag:s18], $0x6400  }
0x10b: {  	[sflag:s18] =	ssyncset.done $0x0  }
0x10c: {  	[sflag:s18] =	ssyncadd.s32 $0xFFFF9C00  }
0x10d: {  	[spmem:s2] =	stream.indirect.scatter.add.f32 [tilespmem:s17], [sflag:$0x3], $0x40, s30, s16, $0xb8;
	[tilespmem:$0x1DE20] =	vst v63  }
0x10e: {  	_ =	swait.ge [sflag:s21], $0x6400  }
0x10f: {  	[sflag:s21] =	ssyncset.done $0x0  }
0x110: {  	[sflag:s21] =	ssyncadd.s32 $0xFFFF9C00  }
0x111: {  	s1 =	stileid.u32;
	_ =	swait.ge [sflag:s24], $0x6400  }
0x112: {  	s31 =	sadd.s32 $0x1, s31;
	s0 =	sshll.u32 s1, $0x6;
	[sflag:s24] =	ssyncset.done $0x0  }
0x113: {  	p0 =	sne.s32 s31, s12;
	s0 =	sor.u32 $0x1C05, s0;
	[sflag:s24] =	ssyncadd.s32 $0xFFFF9C00  }
.Ltmp1:
0x114: {  	s22 =	sshrl.u32 s7, $0x3;
	[bflag:$0x0] =	sbarrier.arrive $0xFFFF;
	(pc) =	sbr.rel @p0 .LBB2_1-.Ltmp1, $4  }
0x115: {  	[hbm:s11], [sflag:s0] =	dma.local [spmem:s22], $0x1400  }
0x116: {  	_ =	swait.ge [sflag:s13], $0x1400  }
0x117: {  	[sflag:s13] =	ssyncset.done $0x0  }
0x118: {  	[sflag:s13] =	ssyncadd.s32 $0xFFFFEC00  }
0x119: {  	_ =	sfence.sel $0x180000  }
0x11a: {  	[bflag:$0x0] =	sbarrier.arrive $0xFFFF  }
0x11b: {  	_ =	strace $0x9000004A  }
0x11c: {  	s0 =	stileid.u32;
	[bflag:$0x2] =	sbarrier.arrive $0xFFFF  }
0x11d: {  	p0 =	sne.s32 s0, $0x0;
	s0 =	rddreg [dreg:$0x2]  }
0x11e: {  	s0 =	sadd.s32 @!p0 $0x100000, s0  }
0x11f: {  	[sflag:s0] =	ssyncadd.tile.s32 @!p0 $0x1;
	_ =	shalt  }
.Lfunc_end2:
_tile_overlayer_lowered:
.L_overlay_start_2:
0x120: {  	(tag) =	ssettag $0x2  }
0x121: {  	s0 =	rddreg [dreg:$0x0];
	s2 =	stileid.u32  }
0x122: {  	s1 =	rddreg [dreg:$0x1];
	p0 =	sne.s32 s2, $0x0  }
0x123: {  	s3 =	rddreg [dreg:$0x2];
	[bflag:$0x3] =	sbarrier.arrive $0xFFFF;
	s2 =	simm.s32 @!p0 $0x1C05  }
0x124: {  	[timem:s3], [sflag:s2] =	dma.local @!p0 [hbm:s0], s1  }
0x125: {  	s0 =	simm.s32 @!p0 $0x5  }
0x126: {  	_ =	swait.ge @!p0 [sflag:s0], s1  }
0x127: {  	s1 =	ssub.s32 @!p0 $0x0, s1;
	[sflag:s0] =	ssyncset.done @!p0 $0x0  }
0x128: {  	[sflag:s0] =	ssyncadd.s32 @!p0 s1  }
0x129: {  	[bflag:$0x3] =	sbarrier.arrive $0xFFFF  }
0x12a: {  	_ =	shalt  }

// kernel: kernel.5.cloned.1.call-start
scs
__scs_entry_jumppad:
0x0: {  	(pc) =	sbr.rel $0x88, $3  }
0x1: {  	(tag) =	ssettag $0x0;
	lr =	simm.s32 $0x1  }
0x2: {  	[smem:$0x3F82] =	sst lr;
	_ =	strace $0xD0000000  }
0x3: {  	_ = 	snop  }
0x4: {  	_ = 	snop  }
0x5: {  	_ = 	snop  }
0x6: {  	_ = 	snop  }
0x7: {  	_ = 	snop  }
__scs_overlays_trampoline_lowered:
0x8: {  	[smem:$0x3F91] =	sst s0  }
0x9: {  	[smem:$0x3F92] =	sst s1  }
0xa: {  	[smem:$0x3F93] =	sst s2  }
0xb: {  	[smem:$0x3F94] =	sst s3  }
0xc: {  	[smem:$0x3F95] =	sst s4  }
0xd: {  	[smem:$0x3F96] =	sst s5  }
0xe: {  	[smem:$0x3F97] =	sst s6  }
0xf: {  	[smem:$0x3F98] =	sst s7  }
0x10: {  	[smem:$0x3F99] =	sst s8  }
0x11: {  	[smem:$0x3F9A] =	sst s9;
	s0 =	simm.s32 @!p0 $0x0  }
0x12: {  	s1 =	sld [smem:$0x3F80];
	s0 =	simm.s32 @p0 $0x1  }
0x13: {  	[smem:$0x3F9B] =	sst s0;
	s0 =	simm.s32 @!p1 $0x0  }
0x14: {  	s2 =	sld [smem:$0x3F7F];
	s0 =	simm.s32 @p1 $0x1  }
0x15: {  	[smem:$0x3F9C] =	sst s0;
	s0 =	simm.s32 @!p2 $0x0  }
0x16: {  	s3 =	sld [smem:$0x3FDB];
	s0 =	simm.s32 @p2 $0x1  }
0x17: {  	s4 =	simm.s32 $0x1BF5;
	[smem:$0x3F9E] =	sst s0  }
0x18: {  	s0 =	sld [smem:$0x3F81];
	_ =	swait.ge [sflag:s4], $0x0  }
0x19: {  	s7 =	sld [smem:$0x3F82]  }
0x1a: {  	s8 =	sadd.s32 $0xFFFFE003, lr  }
0x1b: {  	s9 =	sadd.s32 $0xFFFFFEF7, lr;
	s5 =	simm.s32 $0xFFFFFFFF;
	p2 =	slt.u32 s8, $0xFFFFF086  }
0x1c: {  	p1 =	slt.u32 s9, $0xF7A;
	s5 =	simm.s32 @!p2 $0x0  }
0x1d: {  	s5 =	simm.s32 @p1 $0x1;
	p0 =	seq.s32 s7, s2  }
0x1e: {  	s7 =	smul.u32 @!p0 $0xF7A, s2;
	p2 =	seq.s32 @!p0 s5, $0x0  }
0x1f: {  	s9 =	smul.u32 $0xF7A, s1;
	s8 =	simm.s32 @!p0 $0x1BF5;
	p2 =	por !p2, p0  }
0x20: {  	[sflag:s8] =	ssyncset.s32 @!p0 $0xFFFFF086;
	s6 =	sadd.s32 @!p0 s3, s7;
	s7 =	simm.s32 @!p0 $0x108  }
0x21: {  	s3 =	sadd.s32 s3, s9;
	s6 =	sadd.s32 @!p0 $0x88, s6;
	s7 =	simm.s32 @p2 $0x1082  }
0x22: {  	[simem:s7], [sflag:s8] =	dma.local @!p0 [hbm:s6], $0xF7A  }
0x23: {  	s9 =	sor.u32 $0xD0000000, s2;
	s6 =	simm.s32 $0x108;
	_ =	swait.ge @!p0 [sflag:s8], $0x0  }
0x24: {  	s3 =	sadd.s32 $0x88, s3;
	s6 =	simm.s32 @!p1 $0x1082;
	[sflag:s4] =	ssyncset.s32 $0xFFFFF086  }
0x25: {  	[simem:s6], [sflag:s4] =	dma.local [hbm:s3], $0xF7A  }
0x26: {  	[smem:$0x3F82] =	sst s1;
	(tag) =	ssettag s2;
	_ =	strace s9  }
0x27: {  	s1 =	sld [smem:$0x3F92]  }
0x28: {  	s2 =	sld [smem:$0x3F93]  }
0x29: {  	s4 =	sld [smem:$0x3F95]  }
0x2a: {  	p0 =	seq.s32 s5, $0x0;
	s5 =	sld [smem:$0x3F96]  }
0x2b: {  	s6 =	sld [smem:$0x3F97]  }
0x2c: {  	s7 =	sld [smem:$0x3F98]  }
0x2d: {  	s3 =	simm.s32 $0x108;
	s8 =	sld [smem:$0x3F99]  }
0x2e: {  	s3 =	simm.s32 @!p0 $0x1082;
	s9 =	sld [smem:$0x3F9A]  }
0x2f: {  	lr =	sadd.s32 s0, s3;
	s0 =	sld [smem:$0x3F91]  }
0x30: {  	s3 =	sld [smem:$0x3F94]  }
0x31: {  	[smem:$0x3F9D] =	sst s10  }
0x32: {  	s10 =	sld [smem:$0x3F9B];
	_ =	sdelay $0x3  }
0x33: {  	p0 =	seq.s32 s10, $0x1;
	s10 =	sld [smem:$0x3F9D];
	_ =	sdelay $0x3  }
0x34: {  	[smem:$0x3F9D] =	sst s10  }
0x35: {  	s10 =	sld [smem:$0x3F9C];
	_ =	sdelay $0x3  }
0x36: {  	p1 =	seq.s32 s10, $0x1;
	s10 =	sld [smem:$0x3F9D];
	_ =	sdelay $0x3  }
0x37: {  	[smem:$0x3F9D] =	sst s10  }
0x38: {  	s10 =	sld [smem:$0x3F9E]  }
0x39: {  	_ = 	snop;
	(pc) =	sbr.ind lr, $3  }
0x3a: {  	_ = 	snop  }
0x3b: {  	_ = 	snop  }
0x3c: {  	p2 =	seq.s32 s10, $0x1;
	s10 =	sld [smem:$0x3F9D]  }
0x3d: {  	_ =	shalt  }
0x3e: {  	_ =	shalt  }
0x3f: {  	_ =	shalt  }
0x40: {  	_ =	shalt  }
0x41: {  	_ =	shalt  }
0x42: {  	_ =	shalt  }
0x43: {  	_ =	shalt  }
0x44: {  	_ =	shalt  }
0x45: {  	_ =	shalt  }
0x46: {  	_ =	shalt  }
0x47: {  	_ =	shalt  }
0x48: {  	_ =	shalt  }
0x49: {  	_ =	shalt  }
0x4a: {  	_ =	shalt  }
0x4b: {  	_ =	shalt  }
0x4c: {  	_ =	shalt  }
0x4d: {  	_ =	shalt  }
0x4e: {  	_ =	shalt  }
0x4f: {  	_ =	shalt  }
0x50: {  	_ =	shalt  }
0x51: {  	_ =	shalt  }
0x52: {  	_ =	shalt  }
0x53: {  	_ =	shalt  }
0x54: {  	_ =	shalt  }
0x55: {  	_ =	shalt  }
0x56: {  	_ =	shalt  }
0x57: {  	_ =	shalt  }
0x58: {  	_ =	shalt  }
0x59: {  	_ =	shalt  }
0x5a: {  	_ =	shalt  }
0x5b: {  	_ =	shalt  }
0x5c: {  	_ =	shalt  }
0x5d: {  	_ =	shalt  }
0x5e: {  	_ =	shalt  }
0x5f: {  	_ =	shalt  }
0x60: {  	_ =	shalt  }
0x61: {  	_ =	shalt  }
0x62: {  	_ =	shalt  }
0x63: {  	_ =	shalt  }
0x64: {  	_ =	shalt  }
0x65: {  	_ =	shalt  }
0x66: {  	_ =	shalt  }
0x67: {  	_ =	shalt  }
0x68: {  	_ =	shalt  }
0x69: {  	_ =	shalt  }
0x6a: {  	_ =	shalt  }
0x6b: {  	_ =	shalt  }
0x6c: {  	_ =	shalt  }
0x6d: {  	_ =	shalt  }
0x6e: {  	_ =	shalt  }
0x6f: {  	_ =	shalt  }
0x70: {  	_ =	shalt  }
0x71: {  	_ =	shalt  }
0x72: {  	_ =	shalt  }
0x73: {  	_ =	shalt  }
0x74: {  	_ =	shalt  }
0x75: {  	_ =	shalt  }
0x76: {  	_ =	shalt  }
0x77: {  	_ =	shalt  }
0x78: {  	_ =	shalt  }
0x79: {  	_ =	shalt  }
0x7a: {  	_ =	shalt  }
0x7b: {  	_ =	shalt  }
0x7c: {  	_ =	shalt  }
0x7d: {  	_ =	shalt  }
0x7e: {  	_ =	shalt  }
0x7f: {  	_ =	shalt  }
0x80: {  	_ =	shalt  }
0x81: {  	_ =	shalt  }
0x82: {  	_ =	shalt  }
0x83: {  	_ =	shalt  }
0x84: {  	_ =	shalt  }
0x85: {  	_ =	shalt  }
0x86: {  	_ =	shalt  }
0x87: {  	_ =	shalt  }
.Lfunc_end0:
.L_simem_size_0:
called_computation.1_lowered:
.L_overlay_start_0:
0x88: {  	s2 =	sld [smem:$0x3FD9]  }
0x89: {  	s3 =	sld [smem:$0x3FFE];
	_ =	sdelay $0x1  }
0x8a: {  	s1 =	srdreg.scid  }
0x8b: {  	s0 =	sand.u32 $0x1, s1  }
0x8c: {  	s16 =	sshll.u32 s0, $0xA;
	s2 =	sadd.s32 s3, s2  }
0x8d: {  	s2 =	sadd.s32 s2, s16  }
0x8e: {  	[smem:$0x3FA9] =	sst s2  }
0x8f: {  	_ = 	snop  }
0x90: {  	(tm) =	ssettm $0x1  }
0x91: {  	s17 =	sld [smem:$0x3FFB];
	_ =	sdelay $0x3  }
0x92: {  	_ =	strace s17  }
0x93: {  	s2 =	sld [smem:$0x3FFC];
	_ =	sdelay $0x3  }
0x94: {  	_ =	strace s2  }
0x95: {  	s2 =	sld [smem:$0x3FFD];
	_ =	sdelay $0x3  }
0x96: {  	_ =	strace s2  }
0x97: {  	_ =	strace $0x8FFFFFFF  }
0x98: {  	s18 =	sld [smem:$0x3FDB];
	_ =	sdelay $0x1  }
0x99: {  	s19 =	simm.s32 $_scs_section_size  }
0x9a: {  	s4 =	simm.s32 $_size__tile_overlayer_lowered;
	s5 =	simm.s32 $_tile_overlayer_lowered  }
0x9b: {  	s22 =	simm.s32 $0x1BFF;
	s21 =	sshll.u32 s5, $0x1;
	s2 =	sadd.s32 s19, s18  }
0x9c: {  	s6 =	simm.s32 $0x0;
	s20 =	sshll.u32 s4, $0x1;
	s4 =	sadd.s32 s21, s2  }
0x9d: {  	[timem:s6], [sflag:s22] =	dma.local [hbm:s4], s20  }
0x9e: {  	_ =	swait.ge [sflag:s22], s20  }
0x9f: {  	s3 =	ssub.s32 $0x0, s20;
	[sflag:s22] =	ssyncset.done $0x0  }
0xa0: {  	[sflag:s22] =	ssyncadd.s32 s3;
	_ =	sdelay $0x1  }
0xa1: {  	s23 =	simm.s32 $0x1B8B  }
0xa2: {  	_ =	swait.ge [sflag:s23], $0x1  }
0xa3: {  	[sflag:s23] =	ssyncset.done $0x0  }
0xa4: {  	s25 =	simm.s32 $0x1B8E;
	s24 =	sld [smem:$0x3FFE];
	[sflag:s23] =	ssyncadd.s32 $0xFFFFFFFF  }
0xa5: {  	s26 =	simm.s32 $execute0_lowered;
	[smem:$0x3FD2] =	sst s25  }
0xa6: {  	s4 =	sshll.u32 s26, $0x1;
	_ =	strace $0x80000046;
	[dreg:$0x1] =	wrdreg $0xFFFFFFFF  }
0xa7: {  	s28 =	simm.s32 $_size_execute0_lowered;
	s2 =	sadd.s32 s2, s4;
	[dreg:$0x0] =	wrdreg $0x0  }
0xa8: {  	s4 =	sshll.u32 s28, $0x1;
	[dreg:$0x2] =	wrdreg s2  }
0xa9: {  	[dreg:$0x3] =	wrdreg s4  }
0xaa: {  	[dreg:$0x4] =	wrdreg $0xC0  }
0xab: {  	_ =	task [dreg:s6], $0x5FFFF  }
0xac: {  	[dreg:$0x1] =	wrdreg $0xFFFFFFFF  }
0xad: {  	[dreg:$0x0] =	wrdreg $0x60  }
0xae: {  	[dreg:$0x2] =	wrdreg s24  }
0xaf: {  	[dreg:$0x3] =	wrdreg $0x1A8100  }
0xb0: {  	[dreg:$0x4] =	wrdreg $0x1D0100  }
0xb1: {  	[dreg:$0x5] =	wrdreg $0x9  }
0xb2: {  	_ =	task.clear_ibuf [dreg:s6], $0x6FFFF;
	_ =	strace $0x90000046  }
0xb3: {  	s29 =	simm.s32 $0x9;
	_ =	strace $0x80000048  }
0xb4: {  	_ =	swait.ge [sflag:s29], $0x1  }
0xb5: {  	[sflag:s29] =	ssyncadd.s32 $0xFFFFFFFF  }
0xb6: {  	_ =	strace $0x90000048  }
0xb7: {  	_ =	sfence  }
0xb8: {  	s30 =	sld [smem:$0x0];
	_ =	sdelay $0x2  }
0xb9: {  	s31 =	sshll.u32 s1, $0xD;
	s1 =	sshrl.u32 s1, $0x2  }
0xba: {  	s3 =	sand.u32 $0x4000, s31;
	s1 =	sadd.s32 s1, s30  }
0xbb: {  	s0 =	sor.u32 s3, s0;
	s1 =	sshll.u32 s1, $0x11  }
0xbc: {  	s0 =	sor.u32 s1, s0  }
0xbd: {  	s0 =	sadd.s32 $0x8F2B, s0  }
0xbe: {  	[sflag:s0] =	ssyncadd.remote.s32 $0x1  }
0xbf: {  	_ =	sfence.sel $0xFFFF  }
0xc0: {  	[dreg:$0x0] =	wrdreg $0xFFFFFFFF;
	(pc) =	sbr.abs _section_cstart, $3  }
0xc1: {  	[dreg:$0x1] =	wrdreg $0xFFFFFFFF  }
0xc2: {  	_ =	task.clear_ibuf [dreg:s6], $0x2FFFF;
	_ =	strace $0x9FFFFFFF  }
0xc3: {  	(tm) =	ssettm $0x7FFFFFFF  }
tec
execute0_lowered:
.L_overlay_start_1:
0x0: {  	(tag) =	ssettag $0x1  }
0x1: {  	s0 =	rddreg [dreg:$0x0]  }
0x2: {  	s2 =	rddreg [dreg:$0x1]  }
0x3: {  	s1 =	srdreg.scid;
	s3 =	rddreg [dreg:$0x2]  }
0x4: {  	s6 =	stileid.u32;
	s4 =	simm.s32 $0x0;
	s22 =	simm.s32 $0x3  }
0x5: {  	s28 =	simm.s32 $0x7D0;
	s29 =	simm.s32 $0x12110;
	s30 =	simm.s32 $0x2  }
0x6: {  	s31 =	simm.s32 $0xFA0;
	s1 =	sand.u32 $0x1, s1;
	s8 =	smul.u32 $0x2800, s6  }
0x7: {  	[smem:$0x7FF] =	sst s4;
	s14 =	sadd.s32 $0x4F1200, s0;
	s5 =	sshll.u32 s1, $0x4  }
0x8: {  	s23 =	smul.u32 $0x28000, s1;
	_ =	strace $0x80000047;
	s1 =	ssub.s32 $0x2, s1  }
0x9: {  	s5 =	sor.u32 s6, s5;
	s9 =	sshrl.u32 s1, $0x1;
	s25 =	sadd.s32 $0xA00, s8  }
0xa: {  	s11 =	sadd.s32 $0x1400, s8;
	s7 =	smul.u32 $0x4E2, s5;
	s6 =	sadd.s32 s8, s23  }
0xb: {  	s1 =	ssub.s32 s1, s9;
	s12 =	smul.u32 $0x27100, s5;
	s10 =	sadd.s32 s25, s2  }
0xc: {  	s9 =	sadd.s32 s25, s3;
	s5 =	smul.u32 $0x4E20, s5;
	s23 =	simm.s32 $0x19E10  }
0xd: {  	s25 =	simm.s32 $0x1;
	s6 =	sshrl.u32 s6, $0x3;
	[dreg:$0x5] =	wrdreg s10  }
0xe: {  	[dreg:$0x6] =	wrdreg s9;
	s10 =	sadd.s32 s11, s2;
	s11 =	sadd.s32 s11, s3  }
0xf: {  	s21 =	smax.u32 s1, $0x1;
	s1 =	simm.s32 $0x1F40;
	s7 =	sadd.s32 s7, s0  }
0x10: {  	s0 =	sadd.s32 s6, s0;
	s6 =	sadd.s32 s8, s2;
	s26 =	sshrl.u32 s12, $0x3  }
0x11: {  	s24 =	sadd.s32 $0x5400, s7;
	s7 =	sadd.s32 s8, s3;
	s8 =	sadd.s32 $0x1E00, s8  }
0x12: {  	s9 =	sadd.s32 s14, s26;
	s14 =	sadd.s32 s14, s5;
	s19 =	sadd.s32 $0xF200, s0  }
0x13: {  	s20 =	sadd.s32 $0x19200, s0;
	s26 =	simm.s32 $0xA410;
	s0 =	simm.s32 $0x1770  }
0x14: {  	s5 =	simm.s32 $0x0;
	[dreg:$0x4] =	wrdreg s24;
	s12 =	sadd.s32 s8, s2  }
0x15: {  	s13 =	sadd.s32 s8, s3;
	s15 =	sadd.s32 $0xFA0, s9;
	s16 =	sadd.s32 $0x1F40, s9  }
0x16: {  	v0 =	vimm.f32 $0.0e+00;
	v1 =	vimm.f32 $1.000000000e+00;
	s17 =	sadd.s32 $0x2EE0, s9;
	s18 =	sadd.s32 $0x3E80, s9;
	s24 =	simm.s32 $0x2710  }
.LBB2_1:
0x17: {  	s8 =	rddreg [dreg:$0x4]  }
0x18: {  	[tilespmem:s4], [sflag:$0x3] =	stream.linear.gather [hbm4b:s8+s4], $0x2710, $0x38;
	[tilespmem:$0x1F810] =	vst v63  }
0x19: {  	_ =	swait.ge [sflag:s22], $0x2710  }
0x1a: {  	[sflag:s22] =	ssyncset.done $0x0  }
0x1b: {  	s8 =	simm.s32 $0x0;
	[sflag:s22] =	ssyncadd.s32 $0xFFFFD8F0  }
.LBB2_2:
0x1c: {  	p0 =	sne.s32 s8, $0x27C0  }
.Ltmp0:
0x1d: {  	_ = 	snop;
	(pc) =	sbr.rel @p0 .LBB2_2-.Ltmp0, $3  }
0x1e: {  	_ =	sdelay $0x1  }
0x1f: {  	s9 =	sshra.s32 s8, $0x2  }
0x20: {  	s8 =	sadd.s32 $0x40, s8;
	[tilespmem:s9+$0x19E10] =	vst v0  }
0x21: {  	s8 =	simm.s32 $0x40;
	s9 =	simm.s32 $0x0  }
.LBB2_4:
0x22: {  	p0 =	sne.s32 s8, $0x1F3C0;
	[tilespmem:s9+$0x12110] =	vst v1;
	s9 =	smov.u32 s8;
	s8 =	sadd.s32 $0x40, s8  }
.Ltmp1:
0x23: {  	(pc) =	sbr.rel @p0 .LBB2_4-.Ltmp1, $2  }
0x24: {  	_ =	sdelay $0x2  }
0x25: {  	s9 =	sshra.s32 s9, $0x2  }
0x26: {  	[tilespmem:s9+$0x12110] =	vst v1  }
0x27: {  	[spmem:s6] =	stream.linear.scatter [tilespmem:s23], [sflag:$0x3], $0xA00, $0x38;
	[tilespmem:$0x1F810] =	vst v63  }
0x28: {  	_ =	swait.ge [sflag:s22], $0xA00  }
0x29: {  	[sflag:s22] =	ssyncset.done $0x0  }
0x2a: {  	[sflag:s22] =	ssyncadd.s32 $0xFFFFF600  }
0x2b: {  	[spmem:s7] =	stream.linear.scatter [tilespmem:s23], [sflag:$0x3], $0xA00, $0x38;
	[tilespmem:$0x1F810] =	vst v63  }
0x2c: {  	_ =	swait.ge [sflag:s22], $0xA00  }
0x2d: {  	[sflag:s22] =	ssyncset.done $0x0  }
0x2e: {  	s8 =	rddreg [dreg:$0x5];
	[sflag:s22] =	ssyncadd.s32 $0xFFFFF600  }
0x2f: {  	[spmem:s8] =	stream.linear.scatter [tilespmem:s23], [sflag:$0x3], $0xA00, $0x38;
	[tilespmem:$0x1F810] =	vst v63  }
0x30: {  	_ =	swait.ge [sflag:s22], $0xA00  }
0x31: {  	[sflag:s22] =	ssyncset.done $0x0  }
0x32: {  	s9 =	rddreg [dreg:$0x6];
	[sflag:s22] =	ssyncadd.s32 $0xFFFFF600  }
0x33: {  	[spmem:s9] =	stream.linear.scatter [tilespmem:s23], [sflag:$0x3], $0xA00, $0x38;
	[tilespmem:$0x1F810] =	vst v63  }
0x34: {  	_ =	swait.ge [sflag:s22], $0xA00  }
0x35: {  	[sflag:s22] =	ssyncset.done $0x0  }
0x36: {  	[sflag:s22] =	ssyncadd.s32 $0xFFFFF600  }
0x37: {  	[spmem:s10] =	stream.linear.scatter [tilespmem:s23], [sflag:$0x3], $0xA00, $0x38;
	[tilespmem:$0x1F810] =	vst v63  }
0x38: {  	_ =	swait.ge [sflag:s22], $0xA00  }
0x39: {  	[sflag:s22] =	ssyncset.done $0x0  }
0x3a: {  	[sflag:s22] =	ssyncadd.s32 $0xFFFFF600  }
0x3b: {  	[spmem:s11] =	stream.linear.scatter [tilespmem:s23], [sflag:$0x3], $0xA00, $0x38;
	[tilespmem:$0x1F810] =	vst v63  }
0x3c: {  	_ =	swait.ge [sflag:s22], $0xA00  }
0x3d: {  	[sflag:s22] =	ssyncset.done $0x0  }
0x3e: {  	[sflag:s22] =	ssyncadd.s32 $0xFFFFF600  }
0x3f: {  	[spmem:s12] =	stream.linear.scatter [tilespmem:s23], [sflag:$0x3], $0xA00, $0x38;
	[tilespmem:$0x1F810] =	vst v63  }
0x40: {  	_ =	swait.ge [sflag:s22], $0xA00  }
0x41: {  	[sflag:s22] =	ssyncset.done $0x0  }
0x42: {  	[sflag:s22] =	ssyncadd.s32 $0xFFFFF600  }
0x43: {  	[spmem:s13] =	stream.linear.scatter [tilespmem:s23], [sflag:$0x3], $0xA00, $0x38;
	[tilespmem:$0x1F810] =	vst v63  }
0x44: {  	_ =	swait.ge [sflag:s22], $0xA00  }
0x45: {  	[sflag:s22] =	ssyncset.done $0x0  }
0x46: {  	[sflag:s22] =	ssyncadd.s32 $0xFFFFF600  }
0x47: {  	[bflag:$0x0] =	sbarrier.arrive $0xFFFF  }
0x48: {  	[tilespmem:s24], [sflag:$0x1] =	stream.linear.gather [hbm4b:s14+s4], $0x7D00, $0x38;
	[tilespmem:$0x1F810] =	vst v63  }
0x49: {  	_ =	swait.ge [sflag:s25], $0x7D00  }
0x4a: {  	[sflag:s25] =	ssyncset.done $0x0  }
0x4b: {  	[sflag:s25] =	ssyncadd.s32 $0xFFFF8300  }
0x4c: {  	[tilespmem:s26], [sflag:$0x2] =	stream.linear.gather [hbm4b:s15+s4], $0x7D00, $0x38;
	[tilespmem:$0x1F810] =	vst v63  }
0x4d: {  	_ = 	snop  }
0x4e: {  	[spmem:s2] =	stream.indirect.scatter.add.f32 [tilespmem:s24], [sflag:$0x3], $0x10, s4, s28, $0xb8;
	[tilespmem:$0x1F810] =	vst v63  }
0x4f: {  	_ =	swait.ge [sflag:s22], $0x7D00  }
0x50: {  	[sflag:s22] =	ssyncset.done $0x0  }
0x51: {  	[sflag:s22] =	ssyncadd.s32 $0xFFFF8300  }
0x52: {  	[spmem:s3] =	stream.indirect.scatter.add.f32 [tilespmem:s29], [sflag:$0x3], $0x10, s4, s28, $0xb8;
	[tilespmem:$0x1F810] =	vst v63  }
0x53: {  	_ =	swait.ge [sflag:s22], $0x7D00  }
0x54: {  	[sflag:s22] =	ssyncset.done $0x0  }
0x55: {  	[sflag:s22] =	ssyncadd.s32 $0xFFFF8300  }
0x56: {  	_ =	swait.ge [sflag:s30], $0x7D00  }
0x57: {  	[sflag:s30] =	ssyncset.done $0x0  }
0x58: {  	[sflag:s30] =	ssyncadd.s32 $0xFFFF8300  }
0x59: {  	[tilespmem:s24], [sflag:$0x1] =	stream.linear.gather [hbm4b:s16+s4], $0x7D00, $0x38;
	[tilespmem:$0x1F810] =	vst v63  }
0x5a: {  	_ = 	snop  }
0x5b: {  	[spmem:s2] =	stream.indirect.scatter.add.f32 [tilespmem:s26], [sflag:$0x3], $0x10, s28, s28, $0xb8;
	[tilespmem:$0x1F810] =	vst v63  }
0x5c: {  	_ =	swait.ge [sflag:s22], $0x7D00  }
0x5d: {  	[sflag:s22] =	ssyncset.done $0x0  }
0x5e: {  	[sflag:s22] =	ssyncadd.s32 $0xFFFF8300  }
0x5f: {  	[spmem:s3] =	stream.indirect.scatter.add.f32 [tilespmem:s29], [sflag:$0x3], $0x10, s28, s28, $0xb8;
	[tilespmem:$0x1F810] =	vst v63  }
0x60: {  	_ =	swait.ge [sflag:s22], $0x7D00  }
0x61: {  	[sflag:s22] =	ssyncset.done $0x0  }
0x62: {  	[sflag:s22] =	ssyncadd.s32 $0xFFFF8300  }
0x63: {  	_ =	swait.ge [sflag:s25], $0x7D00  }
0x64: {  	[sflag:s25] =	ssyncset.done $0x0  }
0x65: {  	[sflag:s25] =	ssyncadd.s32 $0xFFFF8300  }
0x66: {  	[tilespmem:s26], [sflag:$0x2] =	stream.linear.gather [hbm4b:s17+s4], $0x7D00, $0x38;
	[tilespmem:$0x1F810] =	vst v63  }
0x67: {  	_ = 	snop  }
0x68: {  	[spmem:s2] =	stream.indirect.scatter.add.f32 [tilespmem:s24], [sflag:$0x3], $0x10, s31, s28, $0xb8;
	[tilespmem:$0x1F810] =	vst v63  }
0x69: {  	_ =	swait.ge [sflag:s22], $0x7D00  }
0x6a: {  	[sflag:s22] =	ssyncset.done $0x0  }
0x6b: {  	[sflag:s22] =	ssyncadd.s32 $0xFFFF8300  }
0x6c: {  	[spmem:s3] =	stream.indirect.scatter.add.f32 [tilespmem:s29], [sflag:$0x3], $0x10, s31, s28, $0xb8;
	[tilespmem:$0x1F810] =	vst v63  }
0x6d: {  	_ =	swait.ge [sflag:s22], $0x7D00  }
0x6e: {  	[sflag:s22] =	ssyncset.done $0x0  }
0x6f: {  	[sflag:s22] =	ssyncadd.s32 $0xFFFF8300  }
0x70: {  	_ =	swait.ge [sflag:s30], $0x7D00  }
0x71: {  	[sflag:s30] =	ssyncset.done $0x0  }
0x72: {  	[sflag:s30] =	ssyncadd.s32 $0xFFFF8300  }
0x73: {  	[tilespmem:s24], [sflag:$0x1] =	stream.linear.gather [hbm4b:s18+s4], $0x7D00, $0x38;
	[tilespmem:$0x1F810] =	vst v63  }
0x74: {  	_ = 	snop  }
0x75: {  	[spmem:s2] =	stream.indirect.scatter.add.f32 [tilespmem:s26], [sflag:$0x3], $0x10, s0, s28, $0xb8;
	[tilespmem:$0x1F810] =	vst v63  }
0x76: {  	_ =	swait.ge [sflag:s22], $0x7D00  }
0x77: {  	[sflag:s22] =	ssyncset.done $0x0  }
0x78: {  	[sflag:s22] =	ssyncadd.s32 $0xFFFF8300  }
0x79: {  	[spmem:s3] =	stream.indirect.scatter.add.f32 [tilespmem:s29], [sflag:$0x3], $0x10, s0, s28, $0xb8;
	[tilespmem:$0x1F810] =	vst v63  }
0x7a: {  	_ =	swait.ge [sflag:s22], $0x7D00  }
0x7b: {  	[sflag:s22] =	ssyncset.done $0x0  }
0x7c: {  	[sflag:s22] =	ssyncadd.s32 $0xFFFF8300  }
0x7d: {  	_ =	swait.ge [sflag:s25], $0x7D00  }
0x7e: {  	[sflag:s25] =	ssyncset.done $0x0  }
0x7f: {  	[sflag:s25] =	ssyncadd.s32 $0xFFFF8300  }
0x80: {  	[spmem:s2] =	stream.indirect.scatter.add.f32 [tilespmem:s24], [sflag:$0x3], $0x10, s1, s28, $0xb8;
	[tilespmem:$0x1F810] =	vst v63  }
0x81: {  	_ =	swait.ge [sflag:s22], $0x7D00  }
0x82: {  	[sflag:s22] =	ssyncset.done $0x0  }
0x83: {  	[sflag:s22] =	ssyncadd.s32 $0xFFFF8300  }
0x84: {  	[spmem:s3] =	stream.indirect.scatter.add.f32 [tilespmem:s29], [sflag:$0x3], $0x10, s1, s28, $0xb8;
	[tilespmem:$0x1F810] =	vst v63  }
0x85: {  	_ =	swait.ge [sflag:s22], $0x7D00  }
0x86: {  	s9 =	stileid.u32;
	[sflag:s22] =	ssyncset.done $0x0  }
0x87: {  	s8 =	sshll.u32 s9, $0x6;
	[sflag:s22] =	ssyncadd.s32 $0xFFFF8300  }
0x88: {  	s9 =	sshrl.u32 s6, $0x3;
	s8 =	sor.u32 $0x1C03, s8;
	[bflag:$0x0] =	sbarrier.arrive $0xFFFF  }
0x89: {  	[hbm:s19], [sflag:s8] =	dma.local [spmem:s9], $0x500  }
0x8a: {  	s5 =	sadd.s32 $0x1, s5;
	_ =	swait.ge [sflag:s22], $0x500  }
0x8b: {  	p0 =	sne.s32 s5, s21;
	[sflag:s22] =	ssyncset.done $0x0  }
.Ltmp2:
0x8c: {  	s9 =	sshrl.u32 s7, $0x3;
	[sflag:s22] =	ssyncadd.s32 $0xFFFFFB00;
	(pc) =	sbr.rel @p0 .LBB2_1-.Ltmp2, $4  }
0x8d: {  	[hbm:s20], [sflag:s8] =	dma.local [spmem:s9], $0x500  }
0x8e: {  	_ =	swait.ge [sflag:s22], $0x500  }
0x8f: {  	[sflag:s22] =	ssyncset.done $0x0  }
0x90: {  	[sflag:s22] =	ssyncadd.s32 $0xFFFFFB00  }
0x91: {  	_ =	sfence.sel $0x180000  }
0x92: {  	[bflag:$0x0] =	sbarrier.arrive $0xFFFF  }
0x93: {  	_ =	strace $0x90000047  }
0x94: {  	s0 =	stileid.u32;
	[bflag:$0x2] =	sbarrier.arrive $0xFFFF  }
0x95: {  	p0 =	sne.s32 s0, $0x0;
	s0 =	rddreg [dreg:$0x3]  }
0x96: {  	s0 =	sadd.s32 @!p0 $0x100000, s0  }
0x97: {  	[sflag:s0] =	ssyncadd.tile.s32 @!p0 $0x1;
	_ =	shalt  }
.Lfunc_end2:
_tile_overlayer_lowered:
.L_overlay_start_2:
0x98: {  	(tag) =	ssettag $0x2  }
0x99: {  	s0 =	rddreg [dreg:$0x0];
	s2 =	stileid.u32  }
0x9a: {  	s1 =	rddreg [dreg:$0x1];
	p0 =	sne.s32 s2, $0x0  }
0x9b: {  	s3 =	rddreg [dreg:$0x2];
	[bflag:$0x3] =	sbarrier.arrive $0xFFFF;
	s2 =	simm.s32 @!p0 $0x1C03  }
0x9c: {  	[timem:s3], [sflag:s2] =	dma.local @!p0 [hbm:s0], s1  }
0x9d: {  	s0 =	simm.s32 @!p0 $0x3  }
0x9e: {  	_ =	swait.ge @!p0 [sflag:s0], s1  }
0x9f: {  	s1 =	ssub.s32 @!p0 $0x0, s1;
	[sflag:s0] =	ssyncset.done @!p0 $0x0  }
0xa0: {  	[sflag:s0] =	ssyncadd.s32 @!p0 s1  }
0xa1: {  	[bflag:$0x3] =	sbarrier.arrive $0xFFFF  }
0xa2: {  	_ =	shalt  }

</sc_bundles>
